<compile_context>
chip_gen: v7x
topology: tpu7x:2x2x1
jax: 0.10.2.dev20260603
libtpu: 0.0.44.dev20260713+nightly
codegen_flags: <defaults>
</compile_context>

<pallas_src>
import functools

import jax
import jax.numpy as jnp
from jax import lax
from jax.experimental import pallas as pl
from jax.experimental.pallas import tpu as pltpu
from jax.experimental.pallas import tpu_sc as plsc

N = 10000
E = 320000
G = 16
IN_DIM = 128
HID = 64
EMB = 32

NC, NS = 2, 16
NW = NC * NS
CH = 128
NCHUNK = 80
EPT_PAD = NCHUNK * CH
E_PAD = EPT_PAD * NW
N_PAD = 10112
RPT = N_PAD // NS


def _make_prop(D):
    mesh = plsc.VectorSubcoreMesh(core_axis_name="c", subcore_axis_name="s")

    @functools.partial(
        pl.kernel,
        out_type=jax.ShapeDtypeStruct((NC, N_PAD, D), jnp.float32),
        mesh=mesh,
        compiler_params=pltpu.CompilerParams(use_tc_tiling_on_sc=False),
        scratch_types=[
            pltpu.VMEM_SHARED((N_PAD, D), jnp.float32),
            pltpu.VMEM((NCHUNK, CH), jnp.int32),
            pltpu.VMEM((NCHUNK, CH), jnp.int32),
            pltpu.VMEM((CH, D), jnp.float32),
            pltpu.VMEM((CH, D), jnp.float32),
            pltpu.VMEM((CH, D), jnp.float32),
            pltpu.VMEM((CH, D), jnp.float32),
            [pltpu.SemaphoreType.DMA] * 8,
        ],
    )
    def prop(g_hbm, src_hbm, dst_hbm, out_hbm, acc, isrc, idst,
             rows0, rows1, rows2, rows3, sems):
        c = lax.axis_index("c")
        s = lax.axis_index("s")
        wid = c * NS + s
        base = s * RPT
        rows = [rows0, rows1, rows2, rows3]
        gs = [sems[i] for i in range(4)]
        ss = [sems[i + 4] for i in range(4)]
        pltpu.sync_copy(src_hbm.at[wid], isrc)
        pltpu.sync_copy(dst_hbm.at[wid], idst)
        pltpu.sync_copy(g_hbm.at[pl.ds(base, RPT)], acc.at[pl.ds(base, RPT)])
        plsc.subcore_barrier()

        for u in range(4):
            pltpu.async_copy(g_hbm.at[isrc.at[u]], rows[u], gs[u])

        def body(jj, carry):
            j0 = jj * 4
            for u in range(4):
                j = j0 + u
                pltpu.make_async_copy(
                    g_hbm.at[isrc.at[j]], rows[u], gs[u]).wait()
                pltpu.async_copy(rows[u], acc.at[idst.at[j]], ss[u],
                                 add=True)

            @pl.when(jj < NCHUNK // 4 - 1)
            def _():
                for u in range(4):
                    j = j0 + u
                    pltpu.make_async_copy(
                        rows[u], acc.at[idst.at[j]], ss[u]).wait()
                    pltpu.async_copy(g_hbm.at[isrc.at[j + 4]], rows[u],
                                     gs[u])

            @pl.when(jj == NCHUNK // 4 - 1)
            def _():
                for u in range(4):
                    j = j0 + u
                    pltpu.make_async_copy(
                        rows[u], acc.at[idst.at[j]], ss[u]).wait()
            return carry

        lax.fori_loop(0, NCHUNK // 4, body, 0)
        plsc.subcore_barrier()
        pltpu.sync_copy(acc.at[pl.ds(base, RPT)],
                        out_hbm.at[c].at[pl.ds(base, RPT)])

    return prop


_prop64 = _make_prop(HID)
_prop32 = _make_prop(EMB)

def _make_deg():
    mesh = plsc.VectorSubcoreMesh(core_axis_name="c", subcore_axis_name="s")

    @functools.partial(
        pl.kernel,
        out_type=jax.ShapeDtypeStruct((NW, N_PAD), jnp.float32),
        mesh=mesh,
        compiler_params=pltpu.CompilerParams(
            use_tc_tiling_on_sc=False, needs_layout_passes=False),
        scratch_types=[
            pltpu.VMEM((N_PAD,), jnp.float32),
            pltpu.VMEM((NCHUNK, CH), jnp.int32),
        ],
    )
    def deg(dst_hbm, zeros_hbm, out_hbm, acc, idst):
        c = lax.axis_index("c")
        s = lax.axis_index("s")
        wid = c * NS + s
        pltpu.sync_copy(dst_hbm.at[wid], idst)
        pltpu.sync_copy(zeros_hbm, acc)
        onev = jnp.full((16,), 1.0, jnp.float32)

        def body(ci, carry):
            for u in range(CH // 16):
                dstv = idst[ci, pl.ds(u * 16, 16)]
                plsc.addupdate_scatter(acc, [dstv], onev)
            return carry

        lax.fori_loop(0, NCHUNK, body, 0)
        pltpu.sync_copy(acc, out_hbm.at[wid])

    return deg


_deg = _make_deg()


def _tc_first(x_ref, w_ref, dt_ref, g_ref, dinv_ref):
    deg = jnp.sum(dt_ref[...], axis=1, keepdims=True) + 1.0
    dinv = lax.rsqrt(deg)
    dinv_ref[...] = dinv
    g_ref[...] = dinv * jnp.dot(x_ref[...], w_ref[...],
                                preferred_element_type=jnp.float32)


def _tc_mid(a0_ref, a1_ref, g_ref, dinv_ref, b_ref, w_ref, gn_ref):
    p = a0_ref[...] + a1_ref[...] - g_ref[...]
    h = jnp.maximum(dinv_ref[...] * p + b_ref[...], 0.0)
    gn_ref[...] = dinv_ref[...] * jnp.dot(h, w_ref[...],
                                          preferred_element_type=jnp.float32)


def _tc_final(a0_ref, a1_ref, g_ref, dinv_ref, b_ref, batch_ref, out_ref):
    p = a0_ref[...] + a1_ref[...] - g_ref[...]
    h = dinv_ref[...] * p + b_ref[...]
    gid = lax.broadcasted_iota(jnp.int32, (G, N_PAD), 0)
    m = (batch_ref[...] == gid).astype(jnp.float32)
    sums = jnp.dot(m, h, preferred_element_type=jnp.float32)
    cnt = jnp.sum(m, axis=1, keepdims=True)
    out_ref[...] = sums / jnp.maximum(cnt, 1.0)


def kernel(x, edge_index, batch, W1, b1, W2, b2, W3, b3):
    f32 = jnp.float32
    src = edge_index[0].astype(jnp.int32)
    dst = edge_index[1].astype(jnp.int32)
    src3 = jnp.concatenate(
        [src, jnp.zeros((E_PAD - E,), jnp.int32)]).reshape(NW, NCHUNK, CH)
    dst3 = jnp.concatenate(
        [dst, jnp.full((E_PAD - E,), N, jnp.int32)]).reshape(NW, NCHUNK, CH)

    x_p = jnp.zeros((N_PAD, IN_DIM), f32).at[:N].set(x)
    batch_p = jnp.full((1, N_PAD), G, jnp.int32).at[0, :N].set(
        batch.astype(jnp.int32))
    z_n = jnp.zeros((N_PAD,), f32)

    dparts = _deg(dst3, z_n)
    dT = dparts.T

    g1, dinv = pl.pallas_call(
        _tc_first,
        out_shape=[jax.ShapeDtypeStruct((N_PAD, HID), f32),
                   jax.ShapeDtypeStruct((N_PAD, 1), f32)],
    )(x_p, W1, dT)

    p1 = _prop64(g1, src3, dst3)
    g2 = pl.pallas_call(
        _tc_mid,
        out_shape=jax.ShapeDtypeStruct((N_PAD, HID), f32),
    )(p1[0], p1[1], g1, dinv, b1.reshape(1, HID), W2)

    p2 = _prop64(g2, src3, dst3)
    g3 = pl.pallas_call(
        _tc_mid,
        out_shape=jax.ShapeDtypeStruct((N_PAD, EMB), f32),
    )(p2[0], p2[1], g2, dinv, b2.reshape(1, HID), W3)

    p3 = _prop32(g3, src3, dst3)
    out = pl.pallas_call(
        _tc_final,
        out_shape=jax.ShapeDtypeStruct((G, EMB), f32),
    )(p3[0], p3[1], g3, dinv, b3.reshape(1, EMB), batch_p)
    return out

# --- scband reference (transcript-rebuilt; emitter-appended) ---
"""Pipeline reference for scband-umlpattern-embedding-59846074303063 (READ-ONLY COPY).

The authoritative reference and input builder live on the scoring server;
editing this copy changes nothing except your own understanding.
"""

import jax, jax.numpy as jnp
import numpy as np

NUM_NODES = 10000
NUM_EDGES = 320000
NUM_GRAPHS = 16
IN_DIM = 128
HID_DIM = 64
EMB_DIM = 32


def gcn_conv(x, edge_index, W, b, num_nodes):
    src = edge_index[0]
    dst = edge_index[1]
    loop = jnp.arange(num_nodes, dtype=edge_index.dtype)
    src = jnp.concatenate([src, loop])
    dst = jnp.concatenate([dst, loop])
    deg = jnp.zeros((num_nodes,), dtype=x.dtype).at[dst].add(1.0)
    deg_inv_sqrt = jnp.where(deg > 0, jax.lax.rsqrt(deg), 0.0)
    norm = deg_inv_sqrt[src] * deg_inv_sqrt[dst]
    h = x @ W
    msg = h[src] * norm[:, None]
    out = jnp.zeros((num_nodes, W.shape[1]), dtype=x.dtype).at[dst].add(msg)
    return out + b


def global_mean_pool(x, batch, num_graphs):
    sums = jax.ops.segment_sum(x, batch, num_segments=num_graphs)
    counts = jax.ops.segment_sum(jnp.ones((x.shape[0],), dtype=x.dtype), batch, num_segments=num_graphs)
    counts = jnp.maximum(counts, 1.0)
    return sums / counts[:, None]


def setup_inputs(seed: int = 0) -> dict:
    key = jax.random.key(seed)
    k_x, k_ei, k_b, k1, k2, k3, k4, k5, k6 = jax.random.split(key, 9)
    x = jax.random.normal(k_x, (NUM_NODES, IN_DIM), dtype=jnp.float32)
    edge_index = jax.random.randint(k_ei, (2, NUM_EDGES), 0, NUM_NODES, dtype=jnp.int64)
    batch = jnp.sort(jax.random.randint(k_b, (NUM_NODES,), 0, NUM_GRAPHS, dtype=jnp.int64))
    s1 = 1.0 / np.sqrt(IN_DIM)
    s2 = 1.0 / np.sqrt(HID_DIM)
    W1 = jax.random.uniform(k1, (IN_DIM, HID_DIM), minval=-s1, maxval=s1, dtype=jnp.float32)
    b1 = jnp.zeros((HID_DIM,), dtype=jnp.float32)
    W2 = jax.random.uniform(k2, (HID_DIM, HID_DIM), minval=-s2, maxval=s2, dtype=jnp.float32)
    b2 = jnp.zeros((HID_DIM,), dtype=jnp.float32)
    W3 = jax.random.uniform(k3, (HID_DIM, EMB_DIM), minval=-s2, maxval=s2, dtype=jnp.float32)
    b3 = jnp.zeros((EMB_DIM,), dtype=jnp.float32)
    return {"x": x, "edge_index": edge_index, "batch": batch, "W1": W1, "b1": b1, "W2": W2, "b2": b2, "W3": W3, "b3": b3}


def reference(x, edge_index, batch, W1, b1, W2, b2, W3, b3):
    n = x.shape[0]
    h = jax.nn.relu(gcn_conv(x, edge_index, W1, b1, n))
    h = jax.nn.relu(gcn_conv(h, edge_index, W2, b2, n))
    h = gcn_conv(h, edge_index, W3, b3, n)
    return global_mean_pool(h, batch, NUM_GRAPHS)

if __name__ == "__main__":
    import jax
    _d = setup_inputs()
    print(jax.jit(kernel)(*tuple(_d.values())))

</pallas_src>

<mosaic_0001>
#map = affine_map<(d0, d1) -> (0, 0)>
#map1 = affine_map<(d0, d1) -> (0, 0, 0)>
module attributes {stable_mosaic.version = 14 : i64} {
  func.func @prop(%arg0: i32, %arg1: i32, %arg2: memref<10112x32xf32, #tpu.memory_space<hbm>>, %arg3: memref<32x80x128xi32, #tpu.memory_space<hbm>>, %arg4: memref<32x80x128xi32, #tpu.memory_space<hbm>>, %arg5: memref<2x10112x32xf32, #tpu.memory_space<hbm>>, %arg6: memref<10112x32xf32, #tpu.memory_space<vmem_shared>>, %arg7: memref<80x128xi32, #tpu.memory_space<vmem>>, %arg8: memref<80x128xi32, #tpu.memory_space<vmem>>, %arg9: memref<128x32xf32, #tpu.memory_space<vmem>>, %arg10: memref<128x32xf32, #tpu.memory_space<vmem>>, %arg11: memref<128x32xf32, #tpu.memory_space<vmem>>, %arg12: memref<128x32xf32, #tpu.memory_space<vmem>>, %arg13: memref<!tpu.dma_semaphore, #tpu.memory_space<semaphore_mem>>, %arg14: memref<!tpu.dma_semaphore, #tpu.memory_space<semaphore_mem>>, %arg15: memref<!tpu.dma_semaphore, #tpu.memory_space<semaphore_mem>>, %arg16: memref<!tpu.dma_semaphore, #tpu.memory_space<semaphore_mem>>, %arg17: memref<!tpu.dma_semaphore, #tpu.memory_space<semaphore_mem>>, %arg18: memref<!tpu.dma_semaphore, #tpu.memory_space<semaphore_mem>>, %arg19: memref<!tpu.dma_semaphore, #tpu.memory_space<semaphore_mem>>, %arg20: memref<!tpu.dma_semaphore, #tpu.memory_space<semaphore_mem>>) attributes {dimension_semantics = [#tpu.dimension_semantics<core_parallel>, #tpu.dimension_semantics<subcore_parallel>], iteration_bounds = array<i64: 2, 16>, scalar_prefetch = 0 : i64, scratch_operands = 15 : i64, tpu.core_type = #tpu.core_type<sc_vector_subcore>, window_params = [{transform_indices = #map}, {transform_indices = #map1}, {transform_indices = #map1}, {transform_indices = #map1}]} {
    %mul3A = arith.constant 16 : i32
    %mul3A_0 = arith.muli %arg0, %mul3A : i32
    %add3A = arith.addi %mul3A_0, %arg1 : i32
    %mul3A_1 = arith.constant 632 : i32
    %mul3A_2 = arith.muli %arg1, %mul3A_1 : i32
    "tpu.region"() ({
      %run_scoped3A = tpu.sem_alloc : memref<!tpu.dma_semaphore, #tpu.memory_space<semaphore_mem>>
      %dma_start3A_36 = arith.constant 0 : i32
      %dma_start3A_37 = arith.constant 0 : i32
      %dma_start3A_38 = tpu.memref_slice %arg3[%add3A, %dma_start3A_36, %dma_start3A_37] : memref<32x80x128xi32, #tpu.memory_space<hbm>> -> memref<1x80x128xi32, #tpu.memory_space<hbm>>
      %dma_start3A_39 = tpu.memref_squeeze %dma_start3A_38 : memref<1x80x128xi32, #tpu.memory_space<hbm>> -> memref<80x128xi32, #tpu.memory_space<hbm>>
      %dma_start3A_40 = arith.constant 0 : i32
      %dma_start3A_41 = arith.constant 0 : i32
      %dma_start3A_42 = tpu.memref_slice %arg3[%add3A, %dma_start3A_40, %dma_start3A_41] : memref<32x80x128xi32, #tpu.memory_space<hbm>> -> memref<1x80x128xi32, #tpu.memory_space<hbm>>
      %dma_start3A_43 = tpu.memref_squeeze %dma_start3A_42 : memref<1x80x128xi32, #tpu.memory_space<hbm>> -> memref<80x128xi32, #tpu.memory_space<hbm>>
      tpu.enqueue_dma source(%dma_start3A_43 : memref<80x128xi32, #tpu.memory_space<hbm>>) target(%arg7 : memref<80x128xi32, #tpu.memory_space<vmem>>) target_semaphore(%run_scoped3A : memref<!tpu.dma_semaphore, #tpu.memory_space<semaphore_mem>>)
      %dma_wait3A = arith.constant 0 : i32
      %dma_wait3A_44 = arith.constant 0 : i32
      %dma_wait3A_45 = tpu.memref_slice %arg3[%add3A, %dma_wait3A, %dma_wait3A_44] : memref<32x80x128xi32, #tpu.memory_space<hbm>> -> memref<1x80x128xi32, #tpu.memory_space<hbm>>
      %dma_wait3A_46 = tpu.memref_squeeze %dma_wait3A_45 : memref<1x80x128xi32, #tpu.memory_space<hbm>> -> memref<80x128xi32, #tpu.memory_space<hbm>>
      %dma_wait3A_47 = arith.constant 0 : i32
      %dma_wait3A_48 = arith.constant 0 : i32
      %dma_wait3A_49 = tpu.memref_slice %arg3[%add3A, %dma_wait3A_47, %dma_wait3A_48] : memref<32x80x128xi32, #tpu.memory_space<hbm>> -> memref<1x80x128xi32, #tpu.memory_space<hbm>>
      %dma_wait3A_50 = tpu.memref_squeeze %dma_wait3A_49 : memref<1x80x128xi32, #tpu.memory_space<hbm>> -> memref<80x128xi32, #tpu.memory_space<hbm>>
      tpu.wait_dma2 semaphore(%run_scoped3A : memref<!tpu.dma_semaphore, #tpu.memory_space<semaphore_mem>>) src(%dma_wait3A_50 : memref<80x128xi32, #tpu.memory_space<hbm>>) dst(%arg7 : memref<80x128xi32, #tpu.memory_space<vmem>>)
      tpu.yield
    }) : () -> ()
    "tpu.region"() ({
      %run_scoped3A = tpu.sem_alloc : memref<!tpu.dma_semaphore, #tpu.memory_space<semaphore_mem>>
      %dma_start3A_36 = arith.constant 0 : i32
      %dma_start3A_37 = arith.constant 0 : i32
      %dma_start3A_38 = tpu.memref_slice %arg4[%add3A, %dma_start3A_36, %dma_start3A_37] : memref<32x80x128xi32, #tpu.memory_space<hbm>> -> memref<1x80x128xi32, #tpu.memory_space<hbm>>
      %dma_start3A_39 = tpu.memref_squeeze %dma_start3A_38 : memref<1x80x128xi32, #tpu.memory_space<hbm>> -> memref<80x128xi32, #tpu.memory_space<hbm>>
      %dma_start3A_40 = arith.constant 0 : i32
      %dma_start3A_41 = arith.constant 0 : i32
      %dma_start3A_42 = tpu.memref_slice %arg4[%add3A, %dma_start3A_40, %dma_start3A_41] : memref<32x80x128xi32, #tpu.memory_space<hbm>> -> memref<1x80x128xi32, #tpu.memory_space<hbm>>
      %dma_start3A_43 = tpu.memref_squeeze %dma_start3A_42 : memref<1x80x128xi32, #tpu.memory_space<hbm>> -> memref<80x128xi32, #tpu.memory_space<hbm>>
      tpu.enqueue_dma source(%dma_start3A_43 : memref<80x128xi32, #tpu.memory_space<hbm>>) target(%arg8 : memref<80x128xi32, #tpu.memory_space<vmem>>) target_semaphore(%run_scoped3A : memref<!tpu.dma_semaphore, #tpu.memory_space<semaphore_mem>>)
      %dma_wait3A = arith.constant 0 : i32
      %dma_wait3A_44 = arith.constant 0 : i32
      %dma_wait3A_45 = tpu.memref_slice %arg4[%add3A, %dma_wait3A, %dma_wait3A_44] : memref<32x80x128xi32, #tpu.memory_space<hbm>> -> memref<1x80x128xi32, #tpu.memory_space<hbm>>
      %dma_wait3A_46 = tpu.memref_squeeze %dma_wait3A_45 : memref<1x80x128xi32, #tpu.memory_space<hbm>> -> memref<80x128xi32, #tpu.memory_space<hbm>>
      %dma_wait3A_47 = arith.constant 0 : i32
      %dma_wait3A_48 = arith.constant 0 : i32
      %dma_wait3A_49 = tpu.memref_slice %arg4[%add3A, %dma_wait3A_47, %dma_wait3A_48] : memref<32x80x128xi32, #tpu.memory_space<hbm>> -> memref<1x80x128xi32, #tpu.memory_space<hbm>>
      %dma_wait3A_50 = tpu.memref_squeeze %dma_wait3A_49 : memref<1x80x128xi32, #tpu.memory_space<hbm>> -> memref<80x128xi32, #tpu.memory_space<hbm>>
      tpu.wait_dma2 semaphore(%run_scoped3A : memref<!tpu.dma_semaphore, #tpu.memory_space<semaphore_mem>>) src(%dma_wait3A_50 : memref<80x128xi32, #tpu.memory_space<hbm>>) dst(%arg8 : memref<80x128xi32, #tpu.memory_space<vmem>>)
      tpu.yield
    }) : () -> ()
    "tpu.region"() ({
      %run_scoped3A = tpu.sem_alloc : memref<!tpu.dma_semaphore, #tpu.memory_space<semaphore_mem>>
      %dma_start3A_36 = arith.constant 0 : i32
      %dma_start3A_37 = tpu.memref_slice %arg6[%mul3A_2, %dma_start3A_36] : memref<10112x32xf32, #tpu.memory_space<vmem_shared>> -> memref<632x32xf32, #tpu.memory_space<vmem_shared>>
      %dma_start3A_38 = arith.constant 0 : i32
      %dma_start3A_39 = tpu.memref_slice %arg2[%mul3A_2, %dma_start3A_38] : memref<10112x32xf32, #tpu.memory_space<hbm>> -> memref<632x32xf32, #tpu.memory_space<hbm>>
      tpu.enqueue_dma source(%dma_start3A_39 : memref<632x32xf32, #tpu.memory_space<hbm>>) target(%dma_start3A_37 : memref<632x32xf32, #tpu.memory_space<vmem_shared>>) target_semaphore(%run_scoped3A : memref<!tpu.dma_semaphore, #tpu.memory_space<semaphore_mem>>)
      %dma_wait3A = arith.constant 0 : i32
      %dma_wait3A_40 = tpu.memref_slice %arg6[%mul3A_2, %dma_wait3A] : memref<10112x32xf32, #tpu.memory_space<vmem_shared>> -> memref<632x32xf32, #tpu.memory_space<vmem_shared>>
      %dma_wait3A_41 = arith.constant 0 : i32
      %dma_wait3A_42 = tpu.memref_slice %arg2[%mul3A_2, %dma_wait3A_41] : memref<10112x32xf32, #tpu.memory_space<hbm>> -> memref<632x32xf32, #tpu.memory_space<hbm>>
      tpu.wait_dma2 semaphore(%run_scoped3A : memref<!tpu.dma_semaphore, #tpu.memory_space<semaphore_mem>>) src(%dma_wait3A_42 : memref<632x32xf32, #tpu.memory_space<hbm>>) dst(%dma_wait3A_40 : memref<632x32xf32, #tpu.memory_space<vmem_shared>>)
      tpu.yield
    }) : () -> ()
    %barrier3A = arith.constant 0 : index
    tpu.barrier barrier_id(%barrier3A)
    %dma_start3A = arith.constant 0 : i32
    %dma_start3A_3 = arith.constant 0 : i32
    %dma_start3A_4 = tpu.memref_slice %arg7[%dma_start3A, %dma_start3A_3] : memref<80x128xi32, #tpu.memory_space<vmem>> -> memref<1x128xi32, #tpu.memory_space<vmem>>
    %dma_start3A_5 = tpu.memref_squeeze %dma_start3A_4 : memref<1x128xi32, #tpu.memory_space<vmem>> -> memref<128xi32, #tpu.memory_space<vmem>>
    %dma_start3A_6 = arith.constant 0 : i32
    %dma_start3A_7 = arith.constant 0 : i32
    %dma_start3A_8 = tpu.memref_slice %arg2[%dma_start3A_6, %dma_start3A_7] : memref<10112x32xf32, #tpu.memory_space<hbm>> -> memref<10112x32xf32, #tpu.memory_space<hbm>>
    tpu.enqueue_indirect_dma source(%dma_start3A_8 : memref<10112x32xf32, #tpu.memory_space<hbm>>) target(%arg9 : memref<128x32xf32, #tpu.memory_space<vmem>>) offsets(%dma_start3A_5 : memref<128xi32, #tpu.memory_space<vmem>>) semaphore(%arg13 : memref<!tpu.dma_semaphore, #tpu.memory_space<semaphore_mem>>)
    %dma_start3A_9 = arith.constant 1 : i32
    %dma_start3A_10 = arith.constant 0 : i32
    %dma_start3A_11 = tpu.memref_slice %arg7[%dma_start3A_9, %dma_start3A_10] : memref<80x128xi32, #tpu.memory_space<vmem>> -> memref<1x128xi32, #tpu.memory_space<vmem>>
    %dma_start3A_12 = tpu.memref_squeeze %dma_start3A_11 : memref<1x128xi32, #tpu.memory_space<vmem>> -> memref<128xi32, #tpu.memory_space<vmem>>
    %dma_start3A_13 = arith.constant 0 : i32
    %dma_start3A_14 = arith.constant 0 : i32
    %dma_start3A_15 = tpu.memref_slice %arg2[%dma_start3A_13, %dma_start3A_14] : memref<10112x32xf32, #tpu.memory_space<hbm>> -> memref<10112x32xf32, #tpu.memory_space<hbm>>
    tpu.enqueue_indirect_dma source(%dma_start3A_15 : memref<10112x32xf32, #tpu.memory_space<hbm>>) target(%arg10 : memref<128x32xf32, #tpu.memory_space<vmem>>) offsets(%dma_start3A_12 : memref<128xi32, #tpu.memory_space<vmem>>) semaphore(%arg14 : memref<!tpu.dma_semaphore, #tpu.memory_space<semaphore_mem>>)
    %dma_start3A_16 = arith.constant 2 : i32
    %dma_start3A_17 = arith.constant 0 : i32
    %dma_start3A_18 = tpu.memref_slice %arg7[%dma_start3A_16, %dma_start3A_17] : memref<80x128xi32, #tpu.memory_space<vmem>> -> memref<1x128xi32, #tpu.memory_space<vmem>>
    %dma_start3A_19 = tpu.memref_squeeze %dma_start3A_18 : memref<1x128xi32, #tpu.memory_space<vmem>> -> memref<128xi32, #tpu.memory_space<vmem>>
    %dma_start3A_20 = arith.constant 0 : i32
    %dma_start3A_21 = arith.constant 0 : i32
    %dma_start3A_22 = tpu.memref_slice %arg2[%dma_start3A_20, %dma_start3A_21] : memref<10112x32xf32, #tpu.memory_space<hbm>> -> memref<10112x32xf32, #tpu.memory_space<hbm>>
    tpu.enqueue_indirect_dma source(%dma_start3A_22 : memref<10112x32xf32, #tpu.memory_space<hbm>>) target(%arg11 : memref<128x32xf32, #tpu.memory_space<vmem>>) offsets(%dma_start3A_19 : memref<128xi32, #tpu.memory_space<vmem>>) semaphore(%arg15 : memref<!tpu.dma_semaphore, #tpu.memory_space<semaphore_mem>>)
    %dma_start3A_23 = arith.constant 3 : i32
    %dma_start3A_24 = arith.constant 0 : i32
    %dma_start3A_25 = tpu.memref_slice %arg7[%dma_start3A_23, %dma_start3A_24] : memref<80x128xi32, #tpu.memory_space<vmem>> -> memref<1x128xi32, #tpu.memory_space<vmem>>
    %dma_start3A_26 = tpu.memref_squeeze %dma_start3A_25 : memref<1x128xi32, #tpu.memory_space<vmem>> -> memref<128xi32, #tpu.memory_space<vmem>>
    %dma_start3A_27 = arith.constant 0 : i32
    %dma_start3A_28 = arith.constant 0 : i32
    %dma_start3A_29 = tpu.memref_slice %arg2[%dma_start3A_27, %dma_start3A_28] : memref<10112x32xf32, #tpu.memory_space<hbm>> -> memref<10112x32xf32, #tpu.memory_space<hbm>>
    tpu.enqueue_indirect_dma source(%dma_start3A_29 : memref<10112x32xf32, #tpu.memory_space<hbm>>) target(%arg12 : memref<128x32xf32, #tpu.memory_space<vmem>>) offsets(%dma_start3A_26 : memref<128xi32, #tpu.memory_space<vmem>>) semaphore(%arg16 : memref<!tpu.dma_semaphore, #tpu.memory_space<semaphore_mem>>)
    %scan3A = arith.constant 0 : i32
    %scan3A_30 = arith.constant 0 : i32
    %scan3A_31 = arith.constant 20 : i32
    %scan3A_32 = arith.addi %scan3A_30, %scan3A_31 : i32
    %scan3A_33 = arith.constant 1 : i32
    scf.for %scan3A_36 = %scan3A_30 to %scan3A_32 step %scan3A_33  : i32 {
      %mul3A_37 = arith.constant 4 : i32
      %mul3A_38 = arith.muli %scan3A_36, %mul3A_37 : i32
      %add3A_39 = arith.constant 0 : i32
      %add3A_40 = arith.addi %mul3A_38, %add3A_39 : i32
      %dma_wait3A = arith.constant 0 : i32
      %dma_wait3A_41 = tpu.memref_slice %arg7[%add3A_40, %dma_wait3A] : memref<80x128xi32, #tpu.memory_space<vmem>> -> memref<1x128xi32, #tpu.memory_space<vmem>>
      %dma_wait3A_42 = tpu.memref_squeeze %dma_wait3A_41 : memref<1x128xi32, #tpu.memory_space<vmem>> -> memref<128xi32, #tpu.memory_space<vmem>>
      %dma_wait3A_43 = arith.constant 0 : i32
      %dma_wait3A_44 = arith.constant 0 : i32
      %dma_wait3A_45 = tpu.memref_slice %arg2[%dma_wait3A_43, %dma_wait3A_44] : memref<10112x32xf32, #tpu.memory_space<hbm>> -> memref<10112x32xf32, #tpu.memory_space<hbm>>
      tpu.wait_indirect_dma semaphore(%arg13 : memref<!tpu.dma_semaphore, #tpu.memory_space<semaphore_mem>>) src(%dma_wait3A_45 : memref<10112x32xf32, #tpu.memory_space<hbm>>) dst(%arg9 : memref<128x32xf32, #tpu.memory_space<vmem>>)
      %dma_start3A_46 = arith.constant 0 : i32
      %dma_start3A_47 = tpu.memref_slice %arg8[%add3A_40, %dma_start3A_46] : memref<80x128xi32, #tpu.memory_space<vmem>> -> memref<1x128xi32, #tpu.memory_space<vmem>>
      %dma_start3A_48 = tpu.memref_squeeze %dma_start3A_47 : memref<1x128xi32, #tpu.memory_space<vmem>> -> memref<128xi32, #tpu.memory_space<vmem>>
      %dma_start3A_49 = arith.constant 0 : i32
      %dma_start3A_50 = arith.constant 0 : i32
      %dma_start3A_51 = tpu.memref_slice %arg6[%dma_start3A_49, %dma_start3A_50] : memref<10112x32xf32, #tpu.memory_space<vmem_shared>> -> memref<10112x32xf32, #tpu.memory_space<vmem_shared>>
      tpu.enqueue_indirect_dma source(%arg9 : memref<128x32xf32, #tpu.memory_space<vmem>>) target(%dma_start3A_51 : memref<10112x32xf32, #tpu.memory_space<vmem_shared>>) offsets(%dma_start3A_48 : memref<128xi32, #tpu.memory_space<vmem>>) semaphore(%arg17 : memref<!tpu.dma_semaphore, #tpu.memory_space<semaphore_mem>>) {add = true}
      %add3A_52 = arith.constant 1 : i32
      %add3A_53 = arith.addi %mul3A_38, %add3A_52 : i32
      %dma_wait3A_54 = arith.constant 0 : i32
      %dma_wait3A_55 = tpu.memref_slice %arg7[%add3A_53, %dma_wait3A_54] : memref<80x128xi32, #tpu.memory_space<vmem>> -> memref<1x128xi32, #tpu.memory_space<vmem>>
      %dma_wait3A_56 = tpu.memref_squeeze %dma_wait3A_55 : memref<1x128xi32, #tpu.memory_space<vmem>> -> memref<128xi32, #tpu.memory_space<vmem>>
      %dma_wait3A_57 = arith.constant 0 : i32
      %dma_wait3A_58 = arith.constant 0 : i32
      %dma_wait3A_59 = tpu.memref_slice %arg2[%dma_wait3A_57, %dma_wait3A_58] : memref<10112x32xf32, #tpu.memory_space<hbm>> -> memref<10112x32xf32, #tpu.memory_space<hbm>>
      tpu.wait_indirect_dma semaphore(%arg14 : memref<!tpu.dma_semaphore, #tpu.memory_space<semaphore_mem>>) src(%dma_wait3A_59 : memref<10112x32xf32, #tpu.memory_space<hbm>>) dst(%arg10 : memref<128x32xf32, #tpu.memory_space<vmem>>)
      %dma_start3A_60 = arith.constant 0 : i32
      %dma_start3A_61 = tpu.memref_slice %arg8[%add3A_53, %dma_start3A_60] : memref<80x128xi32, #tpu.memory_space<vmem>> -> memref<1x128xi32, #tpu.memory_space<vmem>>
      %dma_start3A_62 = tpu.memref_squeeze %dma_start3A_61 : memref<1x128xi32, #tpu.memory_space<vmem>> -> memref<128xi32, #tpu.memory_space<vmem>>
      %dma_start3A_63 = arith.constant 0 : i32
      %dma_start3A_64 = arith.constant 0 : i32
      %dma_start3A_65 = tpu.memref_slice %arg6[%dma_start3A_63, %dma_start3A_64] : memref<10112x32xf32, #tpu.memory_space<vmem_shared>> -> memref<10112x32xf32, #tpu.memory_space<vmem_shared>>
      tpu.enqueue_indirect_dma source(%arg10 : memref<128x32xf32, #tpu.memory_space<vmem>>) target(%dma_start3A_65 : memref<10112x32xf32, #tpu.memory_space<vmem_shared>>) offsets(%dma_start3A_62 : memref<128xi32, #tpu.memory_space<vmem>>) semaphore(%arg18 : memref<!tpu.dma_semaphore, #tpu.memory_space<semaphore_mem>>) {add = true}
      %add3A_66 = arith.constant 2 : i32
      %add3A_67 = arith.addi %mul3A_38, %add3A_66 : i32
      %dma_wait3A_68 = arith.constant 0 : i32
      %dma_wait3A_69 = tpu.memref_slice %arg7[%add3A_67, %dma_wait3A_68] : memref<80x128xi32, #tpu.memory_space<vmem>> -> memref<1x128xi32, #tpu.memory_space<vmem>>
      %dma_wait3A_70 = tpu.memref_squeeze %dma_wait3A_69 : memref<1x128xi32, #tpu.memory_space<vmem>> -> memref<128xi32, #tpu.memory_space<vmem>>
      %dma_wait3A_71 = arith.constant 0 : i32
      %dma_wait3A_72 = arith.constant 0 : i32
      %dma_wait3A_73 = tpu.memref_slice %arg2[%dma_wait3A_71, %dma_wait3A_72] : memref<10112x32xf32, #tpu.memory_space<hbm>> -> memref<10112x32xf32, #tpu.memory_space<hbm>>
      tpu.wait_indirect_dma semaphore(%arg15 : memref<!tpu.dma_semaphore, #tpu.memory_space<semaphore_mem>>) src(%dma_wait3A_73 : memref<10112x32xf32, #tpu.memory_space<hbm>>) dst(%arg11 : memref<128x32xf32, #tpu.memory_space<vmem>>)
      %dma_start3A_74 = arith.constant 0 : i32
      %dma_start3A_75 = tpu.memref_slice %arg8[%add3A_67, %dma_start3A_74] : memref<80x128xi32, #tpu.memory_space<vmem>> -> memref<1x128xi32, #tpu.memory_space<vmem>>
      %dma_start3A_76 = tpu.memref_squeeze %dma_start3A_75 : memref<1x128xi32, #tpu.memory_space<vmem>> -> memref<128xi32, #tpu.memory_space<vmem>>
      %dma_start3A_77 = arith.constant 0 : i32
      %dma_start3A_78 = arith.constant 0 : i32
      %dma_start3A_79 = tpu.memref_slice %arg6[%dma_start3A_77, %dma_start3A_78] : memref<10112x32xf32, #tpu.memory_space<vmem_shared>> -> memref<10112x32xf32, #tpu.memory_space<vmem_shared>>
      tpu.enqueue_indirect_dma source(%arg11 : memref<128x32xf32, #tpu.memory_space<vmem>>) target(%dma_start3A_79 : memref<10112x32xf32, #tpu.memory_space<vmem_shared>>) offsets(%dma_start3A_76 : memref<128xi32, #tpu.memory_space<vmem>>) semaphore(%arg19 : memref<!tpu.dma_semaphore, #tpu.memory_space<semaphore_mem>>) {add = true}
      %add3A_80 = arith.constant 3 : i32
      %add3A_81 = arith.addi %mul3A_38, %add3A_80 : i32
      %dma_wait3A_82 = arith.constant 0 : i32
      %dma_wait3A_83 = tpu.memref_slice %arg7[%add3A_81, %dma_wait3A_82] : memref<80x128xi32, #tpu.memory_space<vmem>> -> memref<1x128xi32, #tpu.memory_space<vmem>>
      %dma_wait3A_84 = tpu.memref_squeeze %dma_wait3A_83 : memref<1x128xi32, #tpu.memory_space<vmem>> -> memref<128xi32, #tpu.memory_space<vmem>>
      %dma_wait3A_85 = arith.constant 0 : i32
      %dma_wait3A_86 = arith.constant 0 : i32
      %dma_wait3A_87 = tpu.memref_slice %arg2[%dma_wait3A_85, %dma_wait3A_86] : memref<10112x32xf32, #tpu.memory_space<hbm>> -> memref<10112x32xf32, #tpu.memory_space<hbm>>
      tpu.wait_indirect_dma semaphore(%arg16 : memref<!tpu.dma_semaphore, #tpu.memory_space<semaphore_mem>>) src(%dma_wait3A_87 : memref<10112x32xf32, #tpu.memory_space<hbm>>) dst(%arg12 : memref<128x32xf32, #tpu.memory_space<vmem>>)
      %dma_start3A_88 = arith.constant 0 : i32
      %dma_start3A_89 = tpu.memref_slice %arg8[%add3A_81, %dma_start3A_88] : memref<80x128xi32, #tpu.memory_space<vmem>> -> memref<1x128xi32, #tpu.memory_space<vmem>>
      %dma_start3A_90 = tpu.memref_squeeze %dma_start3A_89 : memref<1x128xi32, #tpu.memory_space<vmem>> -> memref<128xi32, #tpu.memory_space<vmem>>
      %dma_start3A_91 = arith.constant 0 : i32
      %dma_start3A_92 = arith.constant 0 : i32
      %dma_start3A_93 = tpu.memref_slice %arg6[%dma_start3A_91, %dma_start3A_92] : memref<10112x32xf32, #tpu.memory_space<vmem_shared>> -> memref<10112x32xf32, #tpu.memory_space<vmem_shared>>
      tpu.enqueue_indirect_dma source(%arg12 : memref<128x32xf32, #tpu.memory_space<vmem>>) target(%dma_start3A_93 : memref<10112x32xf32, #tpu.memory_space<vmem_shared>>) offsets(%dma_start3A_90 : memref<128xi32, #tpu.memory_space<vmem>>) semaphore(%arg20 : memref<!tpu.dma_semaphore, #tpu.memory_space<semaphore_mem>>) {add = true}
      %lt3A = arith.constant 19 : i32
      %lt3A_94 = arith.cmpi slt, %scan3A_36, %lt3A : i32
      %convert_element_type3A = arith.extui %lt3A_94 : i1 to i32
      %cond3A = arith.constant 0 : i32
      %cond3A_95 = arith.cmpi ne, %convert_element_type3A, %cond3A : i32
      scf.if %cond3A_95 {
        %add3A_100 = arith.constant 0 : i32
        %add3A_101 = arith.addi %mul3A_38, %add3A_100 : i32
        %dma_wait3A_102 = arith.constant 0 : i32
        %dma_wait3A_103 = tpu.memref_slice %arg8[%add3A_101, %dma_wait3A_102] : memref<80x128xi32, #tpu.memory_space<vmem>> -> memref<1x128xi32, #tpu.memory_space<vmem>>
        %dma_wait3A_104 = tpu.memref_squeeze %dma_wait3A_103 : memref<1x128xi32, #tpu.memory_space<vmem>> -> memref<128xi32, #tpu.memory_space<vmem>>
        %dma_wait3A_105 = arith.constant 0 : i32
        %dma_wait3A_106 = arith.constant 0 : i32
        %dma_wait3A_107 = tpu.memref_slice %arg6[%dma_wait3A_105, %dma_wait3A_106] : memref<10112x32xf32, #tpu.memory_space<vmem_shared>> -> memref<10112x32xf32, #tpu.memory_space<vmem_shared>>
        tpu.wait_indirect_dma semaphore(%arg17 : memref<!tpu.dma_semaphore, #tpu.memory_space<semaphore_mem>>) src(%arg9 : memref<128x32xf32, #tpu.memory_space<vmem>>) dst(%dma_wait3A_107 : memref<10112x32xf32, #tpu.memory_space<vmem_shared>>)
        %add3A_108 = arith.constant 4 : i32
        %add3A_109 = arith.addi %add3A_101, %add3A_108 : i32
        %dma_start3A_110 = arith.constant 0 : i32
        %dma_start3A_111 = tpu.memref_slice %arg7[%add3A_109, %dma_start3A_110] : memref<80x128xi32, #tpu.memory_space<vmem>> -> memref<1x128xi32, #tpu.memory_space<vmem>>
        %dma_start3A_112 = tpu.memref_squeeze %dma_start3A_111 : memref<1x128xi32, #tpu.memory_space<vmem>> -> memref<128xi32, #tpu.memory_space<vmem>>
        %dma_start3A_113 = arith.constant 0 : i32
        %dma_start3A_114 = arith.constant 0 : i32
        %dma_start3A_115 = tpu.memref_slice %arg2[%dma_start3A_113, %dma_start3A_114] : memref<10112x32xf32, #tpu.memory_space<hbm>> -> memref<10112x32xf32, #tpu.memory_space<hbm>>
        tpu.enqueue_indirect_dma source(%dma_start3A_115 : memref<10112x32xf32, #tpu.memory_space<hbm>>) target(%arg9 : memref<128x32xf32, #tpu.memory_space<vmem>>) offsets(%dma_start3A_112 : memref<128xi32, #tpu.memory_space<vmem>>) semaphore(%arg13 : memref<!tpu.dma_semaphore, #tpu.memory_space<semaphore_mem>>)
        %add3A_116 = arith.constant 1 : i32
        %add3A_117 = arith.addi %mul3A_38, %add3A_116 : i32
        %dma_wait3A_118 = arith.constant 0 : i32
        %dma_wait3A_119 = tpu.memref_slice %arg8[%add3A_117, %dma_wait3A_118] : memref<80x128xi32, #tpu.memory_space<vmem>> -> memref<1x128xi32, #tpu.memory_space<vmem>>
        %dma_wait3A_120 = tpu.memref_squeeze %dma_wait3A_119 : memref<1x128xi32, #tpu.memory_space<vmem>> -> memref<128xi32, #tpu.memory_space<vmem>>
        %dma_wait3A_121 = arith.constant 0 : i32
        %dma_wait3A_122 = arith.constant 0 : i32
        %dma_wait3A_123 = tpu.memref_slice %arg6[%dma_wait3A_121, %dma_wait3A_122] : memref<10112x32xf32, #tpu.memory_space<vmem_shared>> -> memref<10112x32xf32, #tpu.memory_space<vmem_shared>>
        tpu.wait_indirect_dma semaphore(%arg18 : memref<!tpu.dma_semaphore, #tpu.memory_space<semaphore_mem>>) src(%arg10 : memref<128x32xf32, #tpu.memory_space<vmem>>) dst(%dma_wait3A_123 : memref<10112x32xf32, #tpu.memory_space<vmem_shared>>)
        %add3A_124 = arith.constant 4 : i32
        %add3A_125 = arith.addi %add3A_117, %add3A_124 : i32
        %dma_start3A_126 = arith.constant 0 : i32
        %dma_start3A_127 = tpu.memref_slice %arg7[%add3A_125, %dma_start3A_126] : memref<80x128xi32, #tpu.memory_space<vmem>> -> memref<1x128xi32, #tpu.memory_space<vmem>>
        %dma_start3A_128 = tpu.memref_squeeze %dma_start3A_127 : memref<1x128xi32, #tpu.memory_space<vmem>> -> memref<128xi32, #tpu.memory_space<vmem>>
        %dma_start3A_129 = arith.constant 0 : i32
        %dma_start3A_130 = arith.constant 0 : i32
        %dma_start3A_131 = tpu.memref_slice %arg2[%dma_start3A_129, %dma_start3A_130] : memref<10112x32xf32, #tpu.memory_space<hbm>> -> memref<10112x32xf32, #tpu.memory_space<hbm>>
        tpu.enqueue_indirect_dma source(%dma_start3A_131 : memref<10112x32xf32, #tpu.memory_space<hbm>>) target(%arg10 : memref<128x32xf32, #tpu.memory_space<vmem>>) offsets(%dma_start3A_128 : memref<128xi32, #tpu.memory_space<vmem>>) semaphore(%arg14 : memref<!tpu.dma_semaphore, #tpu.memory_space<semaphore_mem>>)
        %add3A_132 = arith.constant 2 : i32
        %add3A_133 = arith.addi %mul3A_38, %add3A_132 : i32
        %dma_wait3A_134 = arith.constant 0 : i32
        %dma_wait3A_135 = tpu.memref_slice %arg8[%add3A_133, %dma_wait3A_134] : memref<80x128xi32, #tpu.memory_space<vmem>> -> memref<1x128xi32, #tpu.memory_space<vmem>>
        %dma_wait3A_136 = tpu.memref_squeeze %dma_wait3A_135 : memref<1x128xi32, #tpu.memory_space<vmem>> -> memref<128xi32, #tpu.memory_space<vmem>>
        %dma_wait3A_137 = arith.constant 0 : i32
        %dma_wait3A_138 = arith.constant 0 : i32
        %dma_wait3A_139 = tpu.memref_slice %arg6[%dma_wait3A_137, %dma_wait3A_138] : memref<10112x32xf32, #tpu.memory_space<vmem_shared>> -> memref<10112x32xf32, #tpu.memory_space<vmem_shared>>
        tpu.wait_indirect_dma semaphore(%arg19 : memref<!tpu.dma_semaphore, #tpu.memory_space<semaphore_mem>>) src(%arg11 : memref<128x32xf32, #tpu.memory_space<vmem>>) dst(%dma_wait3A_139 : memref<10112x32xf32, #tpu.memory_space<vmem_shared>>)
        %add3A_140 = arith.constant 4 : i32
        %add3A_141 = arith.addi %add3A_133, %add3A_140 : i32
        %dma_start3A_142 = arith.constant 0 : i32
        %dma_start3A_143 = tpu.memref_slice %arg7[%add3A_141, %dma_start3A_142] : memref<80x128xi32, #tpu.memory_space<vmem>> -> memref<1x128xi32, #tpu.memory_space<vmem>>
        %dma_start3A_144 = tpu.memref_squeeze %dma_start3A_143 : memref<1x128xi32, #tpu.memory_space<vmem>> -> memref<128xi32, #tpu.memory_space<vmem>>
        %dma_start3A_145 = arith.constant 0 : i32
        %dma_start3A_146 = arith.constant 0 : i32
        %dma_start3A_147 = tpu.memref_slice %arg2[%dma_start3A_145, %dma_start3A_146] : memref<10112x32xf32, #tpu.memory_space<hbm>> -> memref<10112x32xf32, #tpu.memory_space<hbm>>
        tpu.enqueue_indirect_dma source(%dma_start3A_147 : memref<10112x32xf32, #tpu.memory_space<hbm>>) target(%arg11 : memref<128x32xf32, #tpu.memory_space<vmem>>) offsets(%dma_start3A_144 : memref<128xi32, #tpu.memory_space<vmem>>) semaphore(%arg15 : memref<!tpu.dma_semaphore, #tpu.memory_space<semaphore_mem>>)
        %add3A_148 = arith.constant 3 : i32
        %add3A_149 = arith.addi %mul3A_38, %add3A_148 : i32
        %dma_wait3A_150 = arith.constant 0 : i32
        %dma_wait3A_151 = tpu.memref_slice %arg8[%add3A_149, %dma_wait3A_150] : memref<80x128xi32, #tpu.memory_space<vmem>> -> memref<1x128xi32, #tpu.memory_space<vmem>>
        %dma_wait3A_152 = tpu.memref_squeeze %dma_wait3A_151 : memref<1x128xi32, #tpu.memory_space<vmem>> -> memref<128xi32, #tpu.memory_space<vmem>>
        %dma_wait3A_153 = arith.constant 0 : i32
        %dma_wait3A_154 = arith.constant 0 : i32
        %dma_wait3A_155 = tpu.memref_slice %arg6[%dma_wait3A_153, %dma_wait3A_154] : memref<10112x32xf32, #tpu.memory_space<vmem_shared>> -> memref<10112x32xf32, #tpu.memory_space<vmem_shared>>
        tpu.wait_indirect_dma semaphore(%arg20 : memref<!tpu.dma_semaphore, #tpu.memory_space<semaphore_mem>>) src(%arg12 : memref<128x32xf32, #tpu.memory_space<vmem>>) dst(%dma_wait3A_155 : memref<10112x32xf32, #tpu.memory_space<vmem_shared>>)
        %add3A_156 = arith.constant 4 : i32
        %add3A_157 = arith.addi %add3A_149, %add3A_156 : i32
        %dma_start3A_158 = arith.constant 0 : i32
        %dma_start3A_159 = tpu.memref_slice %arg7[%add3A_157, %dma_start3A_158] : memref<80x128xi32, #tpu.memory_space<vmem>> -> memref<1x128xi32, #tpu.memory_space<vmem>>
        %dma_start3A_160 = tpu.memref_squeeze %dma_start3A_159 : memref<1x128xi32, #tpu.memory_space<vmem>> -> memref<128xi32, #tpu.memory_space<vmem>>
        %dma_start3A_161 = arith.constant 0 : i32
        %dma_start3A_162 = arith.constant 0 : i32
        %dma_start3A_163 = tpu.memref_slice %arg2[%dma_start3A_161, %dma_start3A_162] : memref<10112x32xf32, #tpu.memory_space<hbm>> -> memref<10112x32xf32, #tpu.memory_space<hbm>>
        tpu.enqueue_indirect_dma source(%dma_start3A_163 : memref<10112x32xf32, #tpu.memory_space<hbm>>) target(%arg12 : memref<128x32xf32, #tpu.memory_space<vmem>>) offsets(%dma_start3A_160 : memref<128xi32, #tpu.memory_space<vmem>>) semaphore(%arg16 : memref<!tpu.dma_semaphore, #tpu.memory_space<semaphore_mem>>)
      } else {
      }
      %eq3A = arith.constant 19 : i32
      %eq3A_96 = arith.cmpi eq, %scan3A_36, %eq3A : i32
      %convert_element_type3A_97 = arith.extui %eq3A_96 : i1 to i32
      %cond3A_98 = arith.constant 0 : i32
      %cond3A_99 = arith.cmpi ne, %convert_element_type3A_97, %cond3A_98 : i32
      scf.if %cond3A_99 {
        %add3A_100 = arith.constant 0 : i32
        %add3A_101 = arith.addi %mul3A_38, %add3A_100 : i32
        %dma_wait3A_102 = arith.constant 0 : i32
        %dma_wait3A_103 = tpu.memref_slice %arg8[%add3A_101, %dma_wait3A_102] : memref<80x128xi32, #tpu.memory_space<vmem>> -> memref<1x128xi32, #tpu.memory_space<vmem>>
        %dma_wait3A_104 = tpu.memref_squeeze %dma_wait3A_103 : memref<1x128xi32, #tpu.memory_space<vmem>> -> memref<128xi32, #tpu.memory_space<vmem>>
        %dma_wait3A_105 = arith.constant 0 : i32
        %dma_wait3A_106 = arith.constant 0 : i32
        %dma_wait3A_107 = tpu.memref_slice %arg6[%dma_wait3A_105, %dma_wait3A_106] : memref<10112x32xf32, #tpu.memory_space<vmem_shared>> -> memref<10112x32xf32, #tpu.memory_space<vmem_shared>>
        tpu.wait_indirect_dma semaphore(%arg17 : memref<!tpu.dma_semaphore, #tpu.memory_space<semaphore_mem>>) src(%arg9 : memref<128x32xf32, #tpu.memory_space<vmem>>) dst(%dma_wait3A_107 : memref<10112x32xf32, #tpu.memory_space<vmem_shared>>)
        %add3A_108 = arith.constant 1 : i32
        %add3A_109 = arith.addi %mul3A_38, %add3A_108 : i32
        %dma_wait3A_110 = arith.constant 0 : i32
        %dma_wait3A_111 = tpu.memref_slice %arg8[%add3A_109, %dma_wait3A_110] : memref<80x128xi32, #tpu.memory_space<vmem>> -> memref<1x128xi32, #tpu.memory_space<vmem>>
        %dma_wait3A_112 = tpu.memref_squeeze %dma_wait3A_111 : memref<1x128xi32, #tpu.memory_space<vmem>> -> memref<128xi32, #tpu.memory_space<vmem>>
        %dma_wait3A_113 = arith.constant 0 : i32
        %dma_wait3A_114 = arith.constant 0 : i32
        %dma_wait3A_115 = tpu.memref_slice %arg6[%dma_wait3A_113, %dma_wait3A_114] : memref<10112x32xf32, #tpu.memory_space<vmem_shared>> -> memref<10112x32xf32, #tpu.memory_space<vmem_shared>>
        tpu.wait_indirect_dma semaphore(%arg18 : memref<!tpu.dma_semaphore, #tpu.memory_space<semaphore_mem>>) src(%arg10 : memref<128x32xf32, #tpu.memory_space<vmem>>) dst(%dma_wait3A_115 : memref<10112x32xf32, #tpu.memory_space<vmem_shared>>)
        %add3A_116 = arith.constant 2 : i32
        %add3A_117 = arith.addi %mul3A_38, %add3A_116 : i32
        %dma_wait3A_118 = arith.constant 0 : i32
        %dma_wait3A_119 = tpu.memref_slice %arg8[%add3A_117, %dma_wait3A_118] : memref<80x128xi32, #tpu.memory_space<vmem>> -> memref<1x128xi32, #tpu.memory_space<vmem>>
        %dma_wait3A_120 = tpu.memref_squeeze %dma_wait3A_119 : memref<1x128xi32, #tpu.memory_space<vmem>> -> memref<128xi32, #tpu.memory_space<vmem>>
        %dma_wait3A_121 = arith.constant 0 : i32
        %dma_wait3A_122 = arith.constant 0 : i32
        %dma_wait3A_123 = tpu.memref_slice %arg6[%dma_wait3A_121, %dma_wait3A_122] : memref<10112x32xf32, #tpu.memory_space<vmem_shared>> -> memref<10112x32xf32, #tpu.memory_space<vmem_shared>>
        tpu.wait_indirect_dma semaphore(%arg19 : memref<!tpu.dma_semaphore, #tpu.memory_space<semaphore_mem>>) src(%arg11 : memref<128x32xf32, #tpu.memory_space<vmem>>) dst(%dma_wait3A_123 : memref<10112x32xf32, #tpu.memory_space<vmem_shared>>)
        %add3A_124 = arith.constant 3 : i32
        %add3A_125 = arith.addi %mul3A_38, %add3A_124 : i32
        %dma_wait3A_126 = arith.constant 0 : i32
        %dma_wait3A_127 = tpu.memref_slice %arg8[%add3A_125, %dma_wait3A_126] : memref<80x128xi32, #tpu.memory_space<vmem>> -> memref<1x128xi32, #tpu.memory_space<vmem>>
        %dma_wait3A_128 = tpu.memref_squeeze %dma_wait3A_127 : memref<1x128xi32, #tpu.memory_space<vmem>> -> memref<128xi32, #tpu.memory_space<vmem>>
        %dma_wait3A_129 = arith.constant 0 : i32
        %dma_wait3A_130 = arith.constant 0 : i32
        %dma_wait3A_131 = tpu.memref_slice %arg6[%dma_wait3A_129, %dma_wait3A_130] : memref<10112x32xf32, #tpu.memory_space<vmem_shared>> -> memref<10112x32xf32, #tpu.memory_space<vmem_shared>>
        tpu.wait_indirect_dma semaphore(%arg20 : memref<!tpu.dma_semaphore, #tpu.memory_space<semaphore_mem>>) src(%arg12 : memref<128x32xf32, #tpu.memory_space<vmem>>) dst(%dma_wait3A_131 : memref<10112x32xf32, #tpu.memory_space<vmem_shared>>)
      } else {
      }
    }
    %scan3A_34 = arith.constant 20 : i32
    %barrier3A_35 = arith.constant 0 : index
    tpu.barrier barrier_id(%barrier3A_35)
    "tpu.region"() ({
      %run_scoped3A = tpu.sem_alloc : memref<!tpu.dma_semaphore, #tpu.memory_space<semaphore_mem>>
      %dma_start3A_36 = arith.constant 0 : i32
      %dma_start3A_37 = arith.constant 0 : i32
      %dma_start3A_38 = tpu.memref_slice %arg5[%arg0, %dma_start3A_36, %dma_start3A_37] : memref<2x10112x32xf32, #tpu.memory_space<hbm>> -> memref<1x10112x32xf32, #tpu.memory_space<hbm>>
      %dma_start3A_39 = tpu.memref_squeeze %dma_start3A_38 : memref<1x10112x32xf32, #tpu.memory_space<hbm>> -> memref<10112x32xf32, #tpu.memory_space<hbm>>
      %dma_start3A_40 = arith.constant 0 : i32
      %dma_start3A_41 = tpu.memref_slice %dma_start3A_39[%mul3A_2, %dma_start3A_40] : memref<10112x32xf32, #tpu.memory_space<hbm>> -> memref<632x32xf32, #tpu.memory_space<hbm>>
      %dma_start3A_42 = arith.constant 0 : i32
      %dma_start3A_43 = tpu.memref_slice %arg6[%mul3A_2, %dma_start3A_42] : memref<10112x32xf32, #tpu.memory_space<vmem_shared>> -> memref<632x32xf32, #tpu.memory_space<vmem_shared>>
      tpu.enqueue_dma source(%dma_start3A_43 : memref<632x32xf32, #tpu.memory_space<vmem_shared>>) target(%dma_start3A_41 : memref<632x32xf32, #tpu.memory_space<hbm>>) target_semaphore(%run_scoped3A : memref<!tpu.dma_semaphore, #tpu.memory_space<semaphore_mem>>)
      %dma_wait3A = arith.constant 0 : i32
      %dma_wait3A_44 = arith.constant 0 : i32
      %dma_wait3A_45 = tpu.memref_slice %arg5[%arg0, %dma_wait3A, %dma_wait3A_44] : memref<2x10112x32xf32, #tpu.memory_space<hbm>> -> memref<1x10112x32xf32, #tpu.memory_space<hbm>>
      %dma_wait3A_46 = tpu.memref_squeeze %dma_wait3A_45 : memref<1x10112x32xf32, #tpu.memory_space<hbm>> -> memref<10112x32xf32, #tpu.memory_space<hbm>>
      %dma_wait3A_47 = arith.constant 0 : i32
      %dma_wait3A_48 = tpu.memref_slice %dma_wait3A_46[%mul3A_2, %dma_wait3A_47] : memref<10112x32xf32, #tpu.memory_space<hbm>> -> memref<632x32xf32, #tpu.memory_space<hbm>>
      %dma_wait3A_49 = arith.constant 0 : i32
      %dma_wait3A_50 = tpu.memref_slice %arg6[%mul3A_2, %dma_wait3A_49] : memref<10112x32xf32, #tpu.memory_space<vmem_shared>> -> memref<632x32xf32, #tpu.memory_space<vmem_shared>>
      tpu.wait_dma2 semaphore(%run_scoped3A : memref<!tpu.dma_semaphore, #tpu.memory_space<semaphore_mem>>) src(%dma_wait3A_50 : memref<632x32xf32, #tpu.memory_space<vmem_shared>>) dst(%dma_wait3A_48 : memref<632x32xf32, #tpu.memory_space<hbm>>)
      tpu.yield
    }) : () -> ()
    return
  }
}

#map = affine_map<(d0, d1) -> (0, 0, 0)>
#map1 = affine_map<(d0, d1) -> (0)>
#map2 = affine_map<(d0, d1) -> (0, 0)>
module attributes {stable_mosaic.version = 14 : i64} {
  func.func @deg(%arg0: i32, %arg1: i32, %arg2: memref<32x80x128xi32, #tpu.memory_space<hbm>>, %arg3: memref<10112xf32, #tpu.memory_space<hbm>>, %arg4: memref<32x10112xf32, #tpu.memory_space<hbm>>, %arg5: memref<10112xf32, #tpu.memory_space<vmem>>, %arg6: memref<80x128xi32, #tpu.memory_space<vmem>>) attributes {dimension_semantics = [#tpu.dimension_semantics<core_parallel>, #tpu.dimension_semantics<subcore_parallel>], iteration_bounds = array<i64: 2, 16>, scalar_prefetch = 0 : i64, scratch_operands = 2 : i64, tpu.core_type = #tpu.core_type<sc_vector_subcore>, window_params = [{transform_indices = #map}, {transform_indices = #map1}, {transform_indices = #map2}]} {
    %mul3A = arith.constant 16 : i32
    %mul3A_0 = arith.muli %arg0, %mul3A : i32
    %add3A = arith.addi %mul3A_0, %arg1 : i32
    "tpu.region"() ({
      %run_scoped3A = tpu.sem_alloc : memref<!tpu.dma_semaphore, #tpu.memory_space<semaphore_mem>>
      %dma_start3A = arith.constant 0 : i32
      %dma_start3A_7 = arith.constant 0 : i32
      %dma_start3A_8 = tpu.memref_slice %arg2[%add3A, %dma_start3A, %dma_start3A_7] : memref<32x80x128xi32, #tpu.memory_space<hbm>> -> memref<1x80x128xi32, #tpu.memory_space<hbm>>
      %dma_start3A_9 = tpu.memref_squeeze %dma_start3A_8 : memref<1x80x128xi32, #tpu.memory_space<hbm>> -> memref<80x128xi32, #tpu.memory_space<hbm>>
      %dma_start3A_10 = arith.constant 0 : i32
      %dma_start3A_11 = arith.constant 0 : i32
      %dma_start3A_12 = tpu.memref_slice %arg2[%add3A, %dma_start3A_10, %dma_start3A_11] : memref<32x80x128xi32, #tpu.memory_space<hbm>> -> memref<1x80x128xi32, #tpu.memory_space<hbm>>
      %dma_start3A_13 = tpu.memref_squeeze %dma_start3A_12 : memref<1x80x128xi32, #tpu.memory_space<hbm>> -> memref<80x128xi32, #tpu.memory_space<hbm>>
      tpu.enqueue_dma source(%dma_start3A_13 : memref<80x128xi32, #tpu.memory_space<hbm>>) target(%arg6 : memref<80x128xi32, #tpu.memory_space<vmem>>) target_semaphore(%run_scoped3A : memref<!tpu.dma_semaphore, #tpu.memory_space<semaphore_mem>>)
      %dma_wait3A = arith.constant 0 : i32
      %dma_wait3A_14 = arith.constant 0 : i32
      %dma_wait3A_15 = tpu.memref_slice %arg2[%add3A, %dma_wait3A, %dma_wait3A_14] : memref<32x80x128xi32, #tpu.memory_space<hbm>> -> memref<1x80x128xi32, #tpu.memory_space<hbm>>
      %dma_wait3A_16 = tpu.memref_squeeze %dma_wait3A_15 : memref<1x80x128xi32, #tpu.memory_space<hbm>> -> memref<80x128xi32, #tpu.memory_space<hbm>>
      %dma_wait3A_17 = arith.constant 0 : i32
      %dma_wait3A_18 = arith.constant 0 : i32
      %dma_wait3A_19 = tpu.memref_slice %arg2[%add3A, %dma_wait3A_17, %dma_wait3A_18] : memref<32x80x128xi32, #tpu.memory_space<hbm>> -> memref<1x80x128xi32, #tpu.memory_space<hbm>>
      %dma_wait3A_20 = tpu.memref_squeeze %dma_wait3A_19 : memref<1x80x128xi32, #tpu.memory_space<hbm>> -> memref<80x128xi32, #tpu.memory_space<hbm>>
      tpu.wait_dma2 semaphore(%run_scoped3A : memref<!tpu.dma_semaphore, #tpu.memory_space<semaphore_mem>>) src(%dma_wait3A_20 : memref<80x128xi32, #tpu.memory_space<hbm>>) dst(%arg6 : memref<80x128xi32, #tpu.memory_space<vmem>>)
      tpu.yield
    }) : () -> ()
    "tpu.region"() ({
      %run_scoped3A = tpu.sem_alloc : memref<!tpu.dma_semaphore, #tpu.memory_space<semaphore_mem>>
      tpu.enqueue_dma source(%arg3 : memref<10112xf32, #tpu.memory_space<hbm>>) target(%arg5 : memref<10112xf32, #tpu.memory_space<vmem>>) target_semaphore(%run_scoped3A : memref<!tpu.dma_semaphore, #tpu.memory_space<semaphore_mem>>)
      tpu.wait_dma2 semaphore(%run_scoped3A : memref<!tpu.dma_semaphore, #tpu.memory_space<semaphore_mem>>) src(%arg3 : memref<10112xf32, #tpu.memory_space<hbm>>) dst(%arg5 : memref<10112xf32, #tpu.memory_space<vmem>>)
      tpu.yield
    }) : () -> ()
    %broadcast_in_dim3A = arith.constant 1.000000e+00 : f32
    %broadcast_in_dim3A_1 = vector.broadcast %broadcast_in_dim3A : f32 to vector<16xf32>
    %scan3A = arith.constant 0 : i32
    %scan3A_2 = arith.constant 0 : i32
    %scan3A_3 = arith.constant 80 : i32
    %scan3A_4 = arith.addi %scan3A_2, %scan3A_3 : i32
    %scan3A_5 = arith.constant 1 : i32
    scf.for %scan3A_7 = %scan3A_2 to %scan3A_4 step %scan3A_5  : i32 {
      %get3A = arith.index_cast %scan3A_7 : i32 to index
      %get3A_8 = arith.constant 0 : index
      %get3A_9 = tpu.vector_load %arg6[%get3A, %get3A_8] {strides = array<i32>} : memref<80x128xi32, #tpu.memory_space<vmem>>, vector<16xi32>,
      tpu.vector_store_idx %arg5[%get3A_9], %broadcast_in_dim3A_1 {add = true} : memref<10112xf32, #tpu.memory_space<vmem>>[vector<16xi32>], vector<16xf32>,
      %get3A_10 = arith.index_cast %scan3A_7 : i32 to index
      %get3A_11 = arith.constant 16 : index
      %get3A_12 = tpu.vector_load %arg6[%get3A_10, %get3A_11] {strides = array<i32>} : memref<80x128xi32, #tpu.memory_space<vmem>>, vector<16xi32>,
      tpu.vector_store_idx %arg5[%get3A_12], %broadcast_in_dim3A_1 {add = true} : memref<10112xf32, #tpu.memory_space<vmem>>[vector<16xi32>], vector<16xf32>,
      %get3A_13 = arith.index_cast %scan3A_7 : i32 to index
      %get3A_14 = arith.constant 32 : index
      %get3A_15 = tpu.vector_load %arg6[%get3A_13, %get3A_14] {strides = array<i32>} : memref<80x128xi32, #tpu.memory_space<vmem>>, vector<16xi32>,
      tpu.vector_store_idx %arg5[%get3A_15], %broadcast_in_dim3A_1 {add = true} : memref<10112xf32, #tpu.memory_space<vmem>>[vector<16xi32>], vector<16xf32>,
      %get3A_16 = arith.index_cast %scan3A_7 : i32 to index
      %get3A_17 = arith.constant 48 : index
      %get3A_18 = tpu.vector_load %arg6[%get3A_16, %get3A_17] {strides = array<i32>} : memref<80x128xi32, #tpu.memory_space<vmem>>, vector<16xi32>,
      tpu.vector_store_idx %arg5[%get3A_18], %broadcast_in_dim3A_1 {add = true} : memref<10112xf32, #tpu.memory_space<vmem>>[vector<16xi32>], vector<16xf32>,
      %get3A_19 = arith.index_cast %scan3A_7 : i32 to index
      %get3A_20 = arith.constant 64 : index
      %get3A_21 = tpu.vector_load %arg6[%get3A_19, %get3A_20] {strides = array<i32>} : memref<80x128xi32, #tpu.memory_space<vmem>>, vector<16xi32>,
      tpu.vector_store_idx %arg5[%get3A_21], %broadcast_in_dim3A_1 {add = true} : memref<10112xf32, #tpu.memory_space<vmem>>[vector<16xi32>], vector<16xf32>,
      %get3A_22 = arith.index_cast %scan3A_7 : i32 to index
      %get3A_23 = arith.constant 80 : index
      %get3A_24 = tpu.vector_load %arg6[%get3A_22, %get3A_23] {strides = array<i32>} : memref<80x128xi32, #tpu.memory_space<vmem>>, vector<16xi32>,
      tpu.vector_store_idx %arg5[%get3A_24], %broadcast_in_dim3A_1 {add = true} : memref<10112xf32, #tpu.memory_space<vmem>>[vector<16xi32>], vector<16xf32>,
      %get3A_25 = arith.index_cast %scan3A_7 : i32 to index
      %get3A_26 = arith.constant 96 : index
      %get3A_27 = tpu.vector_load %arg6[%get3A_25, %get3A_26] {strides = array<i32>} : memref<80x128xi32, #tpu.memory_space<vmem>>, vector<16xi32>,
      tpu.vector_store_idx %arg5[%get3A_27], %broadcast_in_dim3A_1 {add = true} : memref<10112xf32, #tpu.memory_space<vmem>>[vector<16xi32>], vector<16xf32>,
      %get3A_28 = arith.index_cast %scan3A_7 : i32 to index
      %get3A_29 = arith.constant 112 : index
      %get3A_30 = tpu.vector_load %arg6[%get3A_28, %get3A_29] {strides = array<i32>} : memref<80x128xi32, #tpu.memory_space<vmem>>, vector<16xi32>,
      tpu.vector_store_idx %arg5[%get3A_30], %broadcast_in_dim3A_1 {add = true} : memref<10112xf32, #tpu.memory_space<vmem>>[vector<16xi32>], vector<16xf32>,
    }
    %scan3A_6 = arith.constant 80 : i32
    "tpu.region"() ({
      %run_scoped3A = tpu.sem_alloc : memref<!tpu.dma_semaphore, #tpu.memory_space<semaphore_mem>>
      %dma_start3A = arith.constant 0 : i32
      %dma_start3A_7 = tpu.memref_slice %arg4[%add3A, %dma_start3A] : memref<32x10112xf32, #tpu.memory_space<hbm>> -> memref<1x10112xf32, #tpu.memory_space<hbm>>
      %dma_start3A_8 = tpu.memref_squeeze %dma_start3A_7 : memref<1x10112xf32, #tpu.memory_space<hbm>> -> memref<10112xf32, #tpu.memory_space<hbm>>
      %dma_start3A_9 = arith.constant 0 : i32
      %dma_start3A_10 = tpu.memref_slice %arg4[%add3A, %dma_start3A_9] : memref<32x10112xf32, #tpu.memory_space<hbm>> -> memref<1x10112xf32, #tpu.memory_space<hbm>>
      %dma_start3A_11 = tpu.memref_squeeze %dma_start3A_10 : memref<1x10112xf32, #tpu.memory_space<hbm>> -> memref<10112xf32, #tpu.memory_space<hbm>>
      tpu.enqueue_dma source(%arg5 : memref<10112xf32, #tpu.memory_space<vmem>>) target(%dma_start3A_11 : memref<10112xf32, #tpu.memory_space<hbm>>) target_semaphore(%run_scoped3A : memref<!tpu.dma_semaphore, #tpu.memory_space<semaphore_mem>>)
      %dma_wait3A = arith.constant 0 : i32
      %dma_wait3A_12 = tpu.memref_slice %arg4[%add3A, %dma_wait3A] : memref<32x10112xf32, #tpu.memory_space<hbm>> -> memref<1x10112xf32, #tpu.memory_space<hbm>>
      %dma_wait3A_13 = tpu.memref_squeeze %dma_wait3A_12 : memref<1x10112xf32, #tpu.memory_space<hbm>> -> memref<10112xf32, #tpu.memory_space<hbm>>
      %dma_wait3A_14 = arith.constant 0 : i32
      %dma_wait3A_15 = tpu.memref_slice %arg4[%add3A, %dma_wait3A_14] : memref<32x10112xf32, #tpu.memory_space<hbm>> -> memref<1x10112xf32, #tpu.memory_space<hbm>>
      %dma_wait3A_16 = tpu.memref_squeeze %dma_wait3A_15 : memref<1x10112xf32, #tpu.memory_space<hbm>> -> memref<10112xf32, #tpu.memory_space<hbm>>
      tpu.wait_dma2 semaphore(%run_scoped3A : memref<!tpu.dma_semaphore, #tpu.memory_space<semaphore_mem>>) src(%arg5 : memref<10112xf32, #tpu.memory_space<vmem>>) dst(%dma_wait3A_16 : memref<10112xf32, #tpu.memory_space<hbm>>)
      tpu.yield
    }) : () -> ()
    return
  }
}

#map = affine_map<(d0, d1) -> (0, 0)>
#map1 = affine_map<(d0, d1) -> (0, 0, 0)>
module attributes {stable_mosaic.version = 14 : i64} {
  func.func @prop(%arg0: i32, %arg1: i32, %arg2: memref<10112x64xf32, #tpu.memory_space<hbm>>, %arg3: memref<32x80x128xi32, #tpu.memory_space<hbm>>, %arg4: memref<32x80x128xi32, #tpu.memory_space<hbm>>, %arg5: memref<2x10112x64xf32, #tpu.memory_space<hbm>>, %arg6: memref<10112x64xf32, #tpu.memory_space<vmem_shared>>, %arg7: memref<80x128xi32, #tpu.memory_space<vmem>>, %arg8: memref<80x128xi32, #tpu.memory_space<vmem>>, %arg9: memref<128x64xf32, #tpu.memory_space<vmem>>, %arg10: memref<128x64xf32, #tpu.memory_space<vmem>>, %arg11: memref<128x64xf32, #tpu.memory_space<vmem>>, %arg12: memref<128x64xf32, #tpu.memory_space<vmem>>, %arg13: memref<!tpu.dma_semaphore, #tpu.memory_space<semaphore_mem>>, %arg14: memref<!tpu.dma_semaphore, #tpu.memory_space<semaphore_mem>>, %arg15: memref<!tpu.dma_semaphore, #tpu.memory_space<semaphore_mem>>, %arg16: memref<!tpu.dma_semaphore, #tpu.memory_space<semaphore_mem>>, %arg17: memref<!tpu.dma_semaphore, #tpu.memory_space<semaphore_mem>>, %arg18: memref<!tpu.dma_semaphore, #tpu.memory_space<semaphore_mem>>, %arg19: memref<!tpu.dma_semaphore, #tpu.memory_space<semaphore_mem>>, %arg20: memref<!tpu.dma_semaphore, #tpu.memory_space<semaphore_mem>>) attributes {dimension_semantics = [#tpu.dimension_semantics<core_parallel>, #tpu.dimension_semantics<subcore_parallel>], iteration_bounds = array<i64: 2, 16>, scalar_prefetch = 0 : i64, scratch_operands = 15 : i64, tpu.core_type = #tpu.core_type<sc_vector_subcore>, window_params = [{transform_indices = #map}, {transform_indices = #map1}, {transform_indices = #map1}, {transform_indices = #map1}]} {
    %mul3A = arith.constant 16 : i32
    %mul3A_0 = arith.muli %arg0, %mul3A : i32
    %add3A = arith.addi %mul3A_0, %arg1 : i32
    %mul3A_1 = arith.constant 632 : i32
    %mul3A_2 = arith.muli %arg1, %mul3A_1 : i32
    "tpu.region"() ({
      %run_scoped3A = tpu.sem_alloc : memref<!tpu.dma_semaphore, #tpu.memory_space<semaphore_mem>>
      %dma_start3A_36 = arith.constant 0 : i32
      %dma_start3A_37 = arith.constant 0 : i32
      %dma_start3A_38 = tpu.memref_slice %arg3[%add3A, %dma_start3A_36, %dma_start3A_37] : memref<32x80x128xi32, #tpu.memory_space<hbm>> -> memref<1x80x128xi32, #tpu.memory_space<hbm>>
      %dma_start3A_39 = tpu.memref_squeeze %dma_start3A_38 : memref<1x80x128xi32, #tpu.memory_space<hbm>> -> memref<80x128xi32, #tpu.memory_space<hbm>>
      %dma_start3A_40 = arith.constant 0 : i32
      %dma_start3A_41 = arith.constant 0 : i32
      %dma_start3A_42 = tpu.memref_slice %arg3[%add3A, %dma_start3A_40, %dma_start3A_41] : memref<32x80x128xi32, #tpu.memory_space<hbm>> -> memref<1x80x128xi32, #tpu.memory_space<hbm>>
      %dma_start3A_43 = tpu.memref_squeeze %dma_start3A_42 : memref<1x80x128xi32, #tpu.memory_space<hbm>> -> memref<80x128xi32, #tpu.memory_space<hbm>>
      tpu.enqueue_dma source(%dma_start3A_43 : memref<80x128xi32, #tpu.memory_space<hbm>>) target(%arg7 : memref<80x128xi32, #tpu.memory_space<vmem>>) target_semaphore(%run_scoped3A : memref<!tpu.dma_semaphore, #tpu.memory_space<semaphore_mem>>)
      %dma_wait3A = arith.constant 0 : i32
      %dma_wait3A_44 = arith.constant 0 : i32
      %dma_wait3A_45 = tpu.memref_slice %arg3[%add3A, %dma_wait3A, %dma_wait3A_44] : memref<32x80x128xi32, #tpu.memory_space<hbm>> -> memref<1x80x128xi32, #tpu.memory_space<hbm>>
      %dma_wait3A_46 = tpu.memref_squeeze %dma_wait3A_45 : memref<1x80x128xi32, #tpu.memory_space<hbm>> -> memref<80x128xi32, #tpu.memory_space<hbm>>
      %dma_wait3A_47 = arith.constant 0 : i32
      %dma_wait3A_48 = arith.constant 0 : i32
      %dma_wait3A_49 = tpu.memref_slice %arg3[%add3A, %dma_wait3A_47, %dma_wait3A_48] : memref<32x80x128xi32, #tpu.memory_space<hbm>> -> memref<1x80x128xi32, #tpu.memory_space<hbm>>
      %dma_wait3A_50 = tpu.memref_squeeze %dma_wait3A_49 : memref<1x80x128xi32, #tpu.memory_space<hbm>> -> memref<80x128xi32, #tpu.memory_space<hbm>>
      tpu.wait_dma2 semaphore(%run_scoped3A : memref<!tpu.dma_semaphore, #tpu.memory_space<semaphore_mem>>) src(%dma_wait3A_50 : memref<80x128xi32, #tpu.memory_space<hbm>>) dst(%arg7 : memref<80x128xi32, #tpu.memory_space<vmem>>)
      tpu.yield
    }) : () -> ()
    "tpu.region"() ({
      %run_scoped3A = tpu.sem_alloc : memref<!tpu.dma_semaphore, #tpu.memory_space<semaphore_mem>>
      %dma_start3A_36 = arith.constant 0 : i32
      %dma_start3A_37 = arith.constant 0 : i32
      %dma_start3A_38 = tpu.memref_slice %arg4[%add3A, %dma_start3A_36, %dma_start3A_37] : memref<32x80x128xi32, #tpu.memory_space<hbm>> -> memref<1x80x128xi32, #tpu.memory_space<hbm>>
      %dma_start3A_39 = tpu.memref_squeeze %dma_start3A_38 : memref<1x80x128xi32, #tpu.memory_space<hbm>> -> memref<80x128xi32, #tpu.memory_space<hbm>>
      %dma_start3A_40 = arith.constant 0 : i32
      %dma_start3A_41 = arith.constant 0 : i32
      %dma_start3A_42 = tpu.memref_slice %arg4[%add3A, %dma_start3A_40, %dma_start3A_41] : memref<32x80x128xi32, #tpu.memory_space<hbm>> -> memref<1x80x128xi32, #tpu.memory_space<hbm>>
      %dma_start3A_43 = tpu.memref_squeeze %dma_start3A_42 : memref<1x80x128xi32, #tpu.memory_space<hbm>> -> memref<80x128xi32, #tpu.memory_space<hbm>>
      tpu.enqueue_dma source(%dma_start3A_43 : memref<80x128xi32, #tpu.memory_space<hbm>>) target(%arg8 : memref<80x128xi32, #tpu.memory_space<vmem>>) target_semaphore(%run_scoped3A : memref<!tpu.dma_semaphore, #tpu.memory_space<semaphore_mem>>)
      %dma_wait3A = arith.constant 0 : i32
      %dma_wait3A_44 = arith.constant 0 : i32
      %dma_wait3A_45 = tpu.memref_slice %arg4[%add3A, %dma_wait3A, %dma_wait3A_44] : memref<32x80x128xi32, #tpu.memory_space<hbm>> -> memref<1x80x128xi32, #tpu.memory_space<hbm>>
      %dma_wait3A_46 = tpu.memref_squeeze %dma_wait3A_45 : memref<1x80x128xi32, #tpu.memory_space<hbm>> -> memref<80x128xi32, #tpu.memory_space<hbm>>
      %dma_wait3A_47 = arith.constant 0 : i32
      %dma_wait3A_48 = arith.constant 0 : i32
      %dma_wait3A_49 = tpu.memref_slice %arg4[%add3A, %dma_wait3A_47, %dma_wait3A_48] : memref<32x80x128xi32, #tpu.memory_space<hbm>> -> memref<1x80x128xi32, #tpu.memory_space<hbm>>
      %dma_wait3A_50 = tpu.memref_squeeze %dma_wait3A_49 : memref<1x80x128xi32, #tpu.memory_space<hbm>> -> memref<80x128xi32, #tpu.memory_space<hbm>>
      tpu.wait_dma2 semaphore(%run_scoped3A : memref<!tpu.dma_semaphore, #tpu.memory_space<semaphore_mem>>) src(%dma_wait3A_50 : memref<80x128xi32, #tpu.memory_space<hbm>>) dst(%arg8 : memref<80x128xi32, #tpu.memory_space<vmem>>)
      tpu.yield
    }) : () -> ()
    "tpu.region"() ({
      %run_scoped3A = tpu.sem_alloc : memref<!tpu.dma_semaphore, #tpu.memory_space<semaphore_mem>>
      %dma_start3A_36 = arith.constant 0 : i32
      %dma_start3A_37 = tpu.memref_slice %arg6[%mul3A_2, %dma_start3A_36] : memref<10112x64xf32, #tpu.memory_space<vmem_shared>> -> memref<632x64xf32, #tpu.memory_space<vmem_shared>>
      %dma_start3A_38 = arith.constant 0 : i32
      %dma_start3A_39 = tpu.memref_slice %arg2[%mul3A_2, %dma_start3A_38] : memref<10112x64xf32, #tpu.memory_space<hbm>> -> memref<632x64xf32, #tpu.memory_space<hbm>>
      tpu.enqueue_dma source(%dma_start3A_39 : memref<632x64xf32, #tpu.memory_space<hbm>>) target(%dma_start3A_37 : memref<632x64xf32, #tpu.memory_space<vmem_shared>>) target_semaphore(%run_scoped3A : memref<!tpu.dma_semaphore, #tpu.memory_space<semaphore_mem>>)
      %dma_wait3A = arith.constant 0 : i32
      %dma_wait3A_40 = tpu.memref_slice %arg6[%mul3A_2, %dma_wait3A] : memref<10112x64xf32, #tpu.memory_space<vmem_shared>> -> memref<632x64xf32, #tpu.memory_space<vmem_shared>>
      %dma_wait3A_41 = arith.constant 0 : i32
      %dma_wait3A_42 = tpu.memref_slice %arg2[%mul3A_2, %dma_wait3A_41] : memref<10112x64xf32, #tpu.memory_space<hbm>> -> memref<632x64xf32, #tpu.memory_space<hbm>>
      tpu.wait_dma2 semaphore(%run_scoped3A : memref<!tpu.dma_semaphore, #tpu.memory_space<semaphore_mem>>) src(%dma_wait3A_42 : memref<632x64xf32, #tpu.memory_space<hbm>>) dst(%dma_wait3A_40 : memref<632x64xf32, #tpu.memory_space<vmem_shared>>)
      tpu.yield
    }) : () -> ()
    %barrier3A = arith.constant 0 : index
    tpu.barrier barrier_id(%barrier3A)
    %dma_start3A = arith.constant 0 : i32
    %dma_start3A_3 = arith.constant 0 : i32
    %dma_start3A_4 = tpu.memref_slice %arg7[%dma_start3A, %dma_start3A_3] : memref<80x128xi32, #tpu.memory_space<vmem>> -> memref<1x128xi32, #tpu.memory_space<vmem>>
    %dma_start3A_5 = tpu.memref_squeeze %dma_start3A_4 : memref<1x128xi32, #tpu.memory_space<vmem>> -> memref<128xi32, #tpu.memory_space<vmem>>
    %dma_start3A_6 = arith.constant 0 : i32
    %dma_start3A_7 = arith.constant 0 : i32
    %dma_start3A_8 = tpu.memref_slice %arg2[%dma_start3A_6, %dma_start3A_7] : memref<10112x64xf32, #tpu.memory_space<hbm>> -> memref<10112x64xf32, #tpu.memory_space<hbm>>
    tpu.enqueue_indirect_dma source(%dma_start3A_8 : memref<10112x64xf32, #tpu.memory_space<hbm>>) target(%arg9 : memref<128x64xf32, #tpu.memory_space<vmem>>) offsets(%dma_start3A_5 : memref<128xi32, #tpu.memory_space<vmem>>) semaphore(%arg13 : memref<!tpu.dma_semaphore, #tpu.memory_space<semaphore_mem>>)
    %dma_start3A_9 = arith.constant 1 : i32
    %dma_start3A_10 = arith.constant 0 : i32
    %dma_start3A_11 = tpu.memref_slice %arg7[%dma_start3A_9, %dma_start3A_10] : memref<80x128xi32, #tpu.memory_space<vmem>> -> memref<1x128xi32, #tpu.memory_space<vmem>>
    %dma_start3A_12 = tpu.memref_squeeze %dma_start3A_11 : memref<1x128xi32, #tpu.memory_space<vmem>> -> memref<128xi32, #tpu.memory_space<vmem>>
    %dma_start3A_13 = arith.constant 0 : i32
    %dma_start3A_14 = arith.constant 0 : i32
    %dma_start3A_15 = tpu.memref_slice %arg2[%dma_start3A_13, %dma_start3A_14] : memref<10112x64xf32, #tpu.memory_space<hbm>> -> memref<10112x64xf32, #tpu.memory_space<hbm>>
    tpu.enqueue_indirect_dma source(%dma_start3A_15 : memref<10112x64xf32, #tpu.memory_space<hbm>>) target(%arg10 : memref<128x64xf32, #tpu.memory_space<vmem>>) offsets(%dma_start3A_12 : memref<128xi32, #tpu.memory_space<vmem>>) semaphore(%arg14 : memref<!tpu.dma_semaphore, #tpu.memory_space<semaphore_mem>>)
    %dma_start3A_16 = arith.constant 2 : i32
    %dma_start3A_17 = arith.constant 0 : i32
    %dma_start3A_18 = tpu.memref_slice %arg7[%dma_start3A_16, %dma_start3A_17] : memref<80x128xi32, #tpu.memory_space<vmem>> -> memref<1x128xi32, #tpu.memory_space<vmem>>
    %dma_start3A_19 = tpu.memref_squeeze %dma_start3A_18 : memref<1x128xi32, #tpu.memory_space<vmem>> -> memref<128xi32, #tpu.memory_space<vmem>>
    %dma_start3A_20 = arith.constant 0 : i32
    %dma_start3A_21 = arith.constant 0 : i32
    %dma_start3A_22 = tpu.memref_slice %arg2[%dma_start3A_20, %dma_start3A_21] : memref<10112x64xf32, #tpu.memory_space<hbm>> -> memref<10112x64xf32, #tpu.memory_space<hbm>>
    tpu.enqueue_indirect_dma source(%dma_start3A_22 : memref<10112x64xf32, #tpu.memory_space<hbm>>) target(%arg11 : memref<128x64xf32, #tpu.memory_space<vmem>>) offsets(%dma_start3A_19 : memref<128xi32, #tpu.memory_space<vmem>>) semaphore(%arg15 : memref<!tpu.dma_semaphore, #tpu.memory_space<semaphore_mem>>)
    %dma_start3A_23 = arith.constant 3 : i32
    %dma_start3A_24 = arith.constant 0 : i32
    %dma_start3A_25 = tpu.memref_slice %arg7[%dma_start3A_23, %dma_start3A_24] : memref<80x128xi32, #tpu.memory_space<vmem>> -> memref<1x128xi32, #tpu.memory_space<vmem>>
    %dma_start3A_26 = tpu.memref_squeeze %dma_start3A_25 : memref<1x128xi32, #tpu.memory_space<vmem>> -> memref<128xi32, #tpu.memory_space<vmem>>
    %dma_start3A_27 = arith.constant 0 : i32
    %dma_start3A_28 = arith.constant 0 : i32
    %dma_start3A_29 = tpu.memref_slice %arg2[%dma_start3A_27, %dma_start3A_28] : memref<10112x64xf32, #tpu.memory_space<hbm>> -> memref<10112x64xf32, #tpu.memory_space<hbm>>
    tpu.enqueue_indirect_dma source(%dma_start3A_29 : memref<10112x64xf32, #tpu.memory_space<hbm>>) target(%arg12 : memref<128x64xf32, #tpu.memory_space<vmem>>) offsets(%dma_start3A_26 : memref<128xi32, #tpu.memory_space<vmem>>) semaphore(%arg16 : memref<!tpu.dma_semaphore, #tpu.memory_space<semaphore_mem>>)
    %scan3A = arith.constant 0 : i32
    %scan3A_30 = arith.constant 0 : i32
    %scan3A_31 = arith.constant 20 : i32
    %scan3A_32 = arith.addi %scan3A_30, %scan3A_31 : i32
    %scan3A_33 = arith.constant 1 : i32
    scf.for %scan3A_36 = %scan3A_30 to %scan3A_32 step %scan3A_33  : i32 {
      %mul3A_37 = arith.constant 4 : i32
      %mul3A_38 = arith.muli %scan3A_36, %mul3A_37 : i32
      %add3A_39 = arith.constant 0 : i32
      %add3A_40 = arith.addi %mul3A_38, %add3A_39 : i32
      %dma_wait3A = arith.constant 0 : i32
      %dma_wait3A_41 = tpu.memref_slice %arg7[%add3A_40, %dma_wait3A] : memref<80x128xi32, #tpu.memory_space<vmem>> -> memref<1x128xi32, #tpu.memory_space<vmem>>
      %dma_wait3A_42 = tpu.memref_squeeze %dma_wait3A_41 : memref<1x128xi32, #tpu.memory_space<vmem>> -> memref<128xi32, #tpu.memory_space<vmem>>
      %dma_wait3A_43 = arith.constant 0 : i32
      %dma_wait3A_44 = arith.constant 0 : i32
      %dma_wait3A_45 = tpu.memref_slice %arg2[%dma_wait3A_43, %dma_wait3A_44] : memref<10112x64xf32, #tpu.memory_space<hbm>> -> memref<10112x64xf32, #tpu.memory_space<hbm>>
      tpu.wait_indirect_dma semaphore(%arg13 : memref<!tpu.dma_semaphore, #tpu.memory_space<semaphore_mem>>) src(%dma_wait3A_45 : memref<10112x64xf32, #tpu.memory_space<hbm>>) dst(%arg9 : memref<128x64xf32, #tpu.memory_space<vmem>>)
      %dma_start3A_46 = arith.constant 0 : i32
      %dma_start3A_47 = tpu.memref_slice %arg8[%add3A_40, %dma_start3A_46] : memref<80x128xi32, #tpu.memory_space<vmem>> -> memref<1x128xi32, #tpu.memory_space<vmem>>
      %dma_start3A_48 = tpu.memref_squeeze %dma_start3A_47 : memref<1x128xi32, #tpu.memory_space<vmem>> -> memref<128xi32, #tpu.memory_space<vmem>>
      %dma_start3A_49 = arith.constant 0 : i32
      %dma_start3A_50 = arith.constant 0 : i32
      %dma_start3A_51 = tpu.memref_slice %arg6[%dma_start3A_49, %dma_start3A_50] : memref<10112x64xf32, #tpu.memory_space<vmem_shared>> -> memref<10112x64xf32, #tpu.memory_space<vmem_shared>>
      tpu.enqueue_indirect_dma source(%arg9 : memref<128x64xf32, #tpu.memory_space<vmem>>) target(%dma_start3A_51 : memref<10112x64xf32, #tpu.memory_space<vmem_shared>>) offsets(%dma_start3A_48 : memref<128xi32, #tpu.memory_space<vmem>>) semaphore(%arg17 : memref<!tpu.dma_semaphore, #tpu.memory_space<semaphore_mem>>) {add = true}
      %add3A_52 = arith.constant 1 : i32
      %add3A_53 = arith.addi %mul3A_38, %add3A_52 : i32
      %dma_wait3A_54 = arith.constant 0 : i32
      %dma_wait3A_55 = tpu.memref_slice %arg7[%add3A_53, %dma_wait3A_54] : memref<80x128xi32, #tpu.memory_space<vmem>> -> memref<1x128xi32, #tpu.memory_space<vmem>>
      %dma_wait3A_56 = tpu.memref_squeeze %dma_wait3A_55 : memref<1x128xi32, #tpu.memory_space<vmem>> -> memref<128xi32, #tpu.memory_space<vmem>>
      %dma_wait3A_57 = arith.constant 0 : i32
      %dma_wait3A_58 = arith.constant 0 : i32
      %dma_wait3A_59 = tpu.memref_slice %arg2[%dma_wait3A_57, %dma_wait3A_58] : memref<10112x64xf32, #tpu.memory_space<hbm>> -> memref<10112x64xf32, #tpu.memory_space<hbm>>
      tpu.wait_indirect_dma semaphore(%arg14 : memref<!tpu.dma_semaphore, #tpu.memory_space<semaphore_mem>>) src(%dma_wait3A_59 : memref<10112x64xf32, #tpu.memory_space<hbm>>) dst(%arg10 : memref<128x64xf32, #tpu.memory_space<vmem>>)
      %dma_start3A_60 = arith.constant 0 : i32
      %dma_start3A_61 = tpu.memref_slice %arg8[%add3A_53, %dma_start3A_60] : memref<80x128xi32, #tpu.memory_space<vmem>> -> memref<1x128xi32, #tpu.memory_space<vmem>>
      %dma_start3A_62 = tpu.memref_squeeze %dma_start3A_61 : memref<1x128xi32, #tpu.memory_space<vmem>> -> memref<128xi32, #tpu.memory_space<vmem>>
      %dma_start3A_63 = arith.constant 0 : i32
      %dma_start3A_64 = arith.constant 0 : i32
      %dma_start3A_65 = tpu.memref_slice %arg6[%dma_start3A_63, %dma_start3A_64] : memref<10112x64xf32, #tpu.memory_space<vmem_shared>> -> memref<10112x64xf32, #tpu.memory_space<vmem_shared>>
      tpu.enqueue_indirect_dma source(%arg10 : memref<128x64xf32, #tpu.memory_space<vmem>>) target(%dma_start3A_65 : memref<10112x64xf32, #tpu.memory_space<vmem_shared>>) offsets(%dma_start3A_62 : memref<128xi32, #tpu.memory_space<vmem>>) semaphore(%arg18 : memref<!tpu.dma_semaphore, #tpu.memory_space<semaphore_mem>>) {add = true}
      %add3A_66 = arith.constant 2 : i32
      %add3A_67 = arith.addi %mul3A_38, %add3A_66 : i32
      %dma_wait3A_68 = arith.constant 0 : i32
      %dma_wait3A_69 = tpu.memref_slice %arg7[%add3A_67, %dma_wait3A_68] : memref<80x128xi32, #tpu.memory_space<vmem>> -> memref<1x128xi32, #tpu.memory_space<vmem>>
      %dma_wait3A_70 = tpu.memref_squeeze %dma_wait3A_69 : memref<1x128xi32, #tpu.memory_space<vmem>> -> memref<128xi32, #tpu.memory_space<vmem>>
      %dma_wait3A_71 = arith.constant 0 : i32
      %dma_wait3A_72 = arith.constant 0 : i32
      %dma_wait3A_73 = tpu.memref_slice %arg2[%dma_wait3A_71, %dma_wait3A_72] : memref<10112x64xf32, #tpu.memory_space<hbm>> -> memref<10112x64xf32, #tpu.memory_space<hbm>>
      tpu.wait_indirect_dma semaphore(%arg15 : memref<!tpu.dma_semaphore, #tpu.memory_space<semaphore_mem>>) src(%dma_wait3A_73 : memref<10112x64xf32, #tpu.memory_space<hbm>>) dst(%arg11 : memref<128x64xf32, #tpu.memory_space<vmem>>)
      %dma_start3A_74 = arith.constant 0 : i32
      %dma_start3A_75 = tpu.memref_slice %arg8[%add3A_67, %dma_start3A_74] : memref<80x128xi32, #tpu.memory_space<vmem>> -> memref<1x128xi32, #tpu.memory_space<vmem>>
      %dma_start3A_76 = tpu.memref_squeeze %dma_start3A_75 : memref<1x128xi32, #tpu.memory_space<vmem>> -> memref<128xi32, #tpu.memory_space<vmem>>
      %dma_start3A_77 = arith.constant 0 : i32
      %dma_start3A_78 = arith.constant 0 : i32
      %dma_start3A_79 = tpu.memref_slice %arg6[%dma_start3A_77, %dma_start3A_78] : memref<10112x64xf32, #tpu.memory_space<vmem_shared>> -> memref<10112x64xf32, #tpu.memory_space<vmem_shared>>
      tpu.enqueue_indirect_dma source(%arg11 : memref<128x64xf32, #tpu.memory_space<vmem>>) target(%dma_start3A_79 : memref<10112x64xf32, #tpu.memory_space<vmem_shared>>) offsets(%dma_start3A_76 : memref<128xi32, #tpu.memory_space<vmem>>) semaphore(%arg19 : memref<!tpu.dma_semaphore, #tpu.memory_space<semaphore_mem>>) {add = true}
      %add3A_80 = arith.constant 3 : i32
      %add3A_81 = arith.addi %mul3A_38, %add3A_80 : i32
      %dma_wait3A_82 = arith.constant 0 : i32
      %dma_wait3A_83 = tpu.memref_slice %arg7[%add3A_81, %dma_wait3A_82] : memref<80x128xi32, #tpu.memory_space<vmem>> -> memref<1x128xi32, #tpu.memory_space<vmem>>
      %dma_wait3A_84 = tpu.memref_squeeze %dma_wait3A_83 : memref<1x128xi32, #tpu.memory_space<vmem>> -> memref<128xi32, #tpu.memory_space<vmem>>
      %dma_wait3A_85 = arith.constant 0 : i32
      %dma_wait3A_86 = arith.constant 0 : i32
      %dma_wait3A_87 = tpu.memref_slice %arg2[%dma_wait3A_85, %dma_wait3A_86] : memref<10112x64xf32, #tpu.memory_space<hbm>> -> memref<10112x64xf32, #tpu.memory_space<hbm>>
      tpu.wait_indirect_dma semaphore(%arg16 : memref<!tpu.dma_semaphore, #tpu.memory_space<semaphore_mem>>) src(%dma_wait3A_87 : memref<10112x64xf32, #tpu.memory_space<hbm>>) dst(%arg12 : memref<128x64xf32, #tpu.memory_space<vmem>>)
      %dma_start3A_88 = arith.constant 0 : i32
      %dma_start3A_89 = tpu.memref_slice %arg8[%add3A_81, %dma_start3A_88] : memref<80x128xi32, #tpu.memory_space<vmem>> -> memref<1x128xi32, #tpu.memory_space<vmem>>
      %dma_start3A_90 = tpu.memref_squeeze %dma_start3A_89 : memref<1x128xi32, #tpu.memory_space<vmem>> -> memref<128xi32, #tpu.memory_space<vmem>>
      %dma_start3A_91 = arith.constant 0 : i32
      %dma_start3A_92 = arith.constant 0 : i32
      %dma_start3A_93 = tpu.memref_slice %arg6[%dma_start3A_91, %dma_start3A_92] : memref<10112x64xf32, #tpu.memory_space<vmem_shared>> -> memref<10112x64xf32, #tpu.memory_space<vmem_shared>>
      tpu.enqueue_indirect_dma source(%arg12 : memref<128x64xf32, #tpu.memory_space<vmem>>) target(%dma_start3A_93 : memref<10112x64xf32, #tpu.memory_space<vmem_shared>>) offsets(%dma_start3A_90 : memref<128xi32, #tpu.memory_space<vmem>>) semaphore(%arg20 : memref<!tpu.dma_semaphore, #tpu.memory_space<semaphore_mem>>) {add = true}
      %lt3A = arith.constant 19 : i32
      %lt3A_94 = arith.cmpi slt, %scan3A_36, %lt3A : i32
      %convert_element_type3A = arith.extui %lt3A_94 : i1 to i32
      %cond3A = arith.constant 0 : i32
      %cond3A_95 = arith.cmpi ne, %convert_element_type3A, %cond3A : i32
      scf.if %cond3A_95 {
        %add3A_100 = arith.constant 0 : i32
        %add3A_101 = arith.addi %mul3A_38, %add3A_100 : i32
        %dma_wait3A_102 = arith.constant 0 : i32
        %dma_wait3A_103 = tpu.memref_slice %arg8[%add3A_101, %dma_wait3A_102] : memref<80x128xi32, #tpu.memory_space<vmem>> -> memref<1x128xi32, #tpu.memory_space<vmem>>
        %dma_wait3A_104 = tpu.memref_squeeze %dma_wait3A_103 : memref<1x128xi32, #tpu.memory_space<vmem>> -> memref<128xi32, #tpu.memory_space<vmem>>
        %dma_wait3A_105 = arith.constant 0 : i32
        %dma_wait3A_106 = arith.constant 0 : i32
        %dma_wait3A_107 = tpu.memref_slice %arg6[%dma_wait3A_105, %dma_wait3A_106] : memref<10112x64xf32, #tpu.memory_space<vmem_shared>> -> memref<10112x64xf32, #tpu.memory_space<vmem_shared>>
        tpu.wait_indirect_dma semaphore(%arg17 : memref<!tpu.dma_semaphore, #tpu.memory_space<semaphore_mem>>) src(%arg9 : memref<128x64xf32, #tpu.memory_space<vmem>>) dst(%dma_wait3A_107 : memref<10112x64xf32, #tpu.memory_space<vmem_shared>>)
        %add3A_108 = arith.constant 4 : i32
        %add3A_109 = arith.addi %add3A_101, %add3A_108 : i32
        %dma_start3A_110 = arith.constant 0 : i32
        %dma_start3A_111 = tpu.memref_slice %arg7[%add3A_109, %dma_start3A_110] : memref<80x128xi32, #tpu.memory_space<vmem>> -> memref<1x128xi32, #tpu.memory_space<vmem>>
        %dma_start3A_112 = tpu.memref_squeeze %dma_start3A_111 : memref<1x128xi32, #tpu.memory_space<vmem>> -> memref<128xi32, #tpu.memory_space<vmem>>
        %dma_start3A_113 = arith.constant 0 : i32
        %dma_start3A_114 = arith.constant 0 : i32
        %dma_start3A_115 = tpu.memref_slice %arg2[%dma_start3A_113, %dma_start3A_114] : memref<10112x64xf32, #tpu.memory_space<hbm>> -> memref<10112x64xf32, #tpu.memory_space<hbm>>
        tpu.enqueue_indirect_dma source(%dma_start3A_115 : memref<10112x64xf32, #tpu.memory_space<hbm>>) target(%arg9 : memref<128x64xf32, #tpu.memory_space<vmem>>) offsets(%dma_start3A_112 : memref<128xi32, #tpu.memory_space<vmem>>) semaphore(%arg13 : memref<!tpu.dma_semaphore, #tpu.memory_space<semaphore_mem>>)
        %add3A_116 = arith.constant 1 : i32
        %add3A_117 = arith.addi %mul3A_38, %add3A_116 : i32
        %dma_wait3A_118 = arith.constant 0 : i32
        %dma_wait3A_119 = tpu.memref_slice %arg8[%add3A_117, %dma_wait3A_118] : memref<80x128xi32, #tpu.memory_space<vmem>> -> memref<1x128xi32, #tpu.memory_space<vmem>>
        %dma_wait3A_120 = tpu.memref_squeeze %dma_wait3A_119 : memref<1x128xi32, #tpu.memory_space<vmem>> -> memref<128xi32, #tpu.memory_space<vmem>>
        %dma_wait3A_121 = arith.constant 0 : i32
        %dma_wait3A_122 = arith.constant 0 : i32
        %dma_wait3A_123 = tpu.memref_slice %arg6[%dma_wait3A_121, %dma_wait3A_122] : memref<10112x64xf32, #tpu.memory_space<vmem_shared>> -> memref<10112x64xf32, #tpu.memory_space<vmem_shared>>
        tpu.wait_indirect_dma semaphore(%arg18 : memref<!tpu.dma_semaphore, #tpu.memory_space<semaphore_mem>>) src(%arg10 : memref<128x64xf32, #tpu.memory_space<vmem>>) dst(%dma_wait3A_123 : memref<10112x64xf32, #tpu.memory_space<vmem_shared>>)
        %add3A_124 = arith.constant 4 : i32
        %add3A_125 = arith.addi %add3A_117, %add3A_124 : i32
        %dma_start3A_126 = arith.constant 0 : i32
        %dma_start3A_127 = tpu.memref_slice %arg7[%add3A_125, %dma_start3A_126] : memref<80x128xi32, #tpu.memory_space<vmem>> -> memref<1x128xi32, #tpu.memory_space<vmem>>
        %dma_start3A_128 = tpu.memref_squeeze %dma_start3A_127 : memref<1x128xi32, #tpu.memory_space<vmem>> -> memref<128xi32, #tpu.memory_space<vmem>>
        %dma_start3A_129 = arith.constant 0 : i32
        %dma_start3A_130 = arith.constant 0 : i32
        %dma_start3A_131 = tpu.memref_slice %arg2[%dma_start3A_129, %dma_start3A_130] : memref<10112x64xf32, #tpu.memory_space<hbm>> -> memref<10112x64xf32, #tpu.memory_space<hbm>>
        tpu.enqueue_indirect_dma source(%dma_start3A_131 : memref<10112x64xf32, #tpu.memory_space<hbm>>) target(%arg10 : memref<128x64xf32, #tpu.memory_space<vmem>>) offsets(%dma_start3A_128 : memref<128xi32, #tpu.memory_space<vmem>>) semaphore(%arg14 : memref<!tpu.dma_semaphore, #tpu.memory_space<semaphore_mem>>)
        %add3A_132 = arith.constant 2 : i32
        %add3A_133 = arith.addi %mul3A_38, %add3A_132 : i32
        %dma_wait3A_134 = arith.constant 0 : i32
        %dma_wait3A_135 = tpu.memref_slice %arg8[%add3A_133, %dma_wait3A_134] : memref<80x128xi32, #tpu.memory_space<vmem>> -> memref<1x128xi32, #tpu.memory_space<vmem>>
        %dma_wait3A_136 = tpu.memref_squeeze %dma_wait3A_135 : memref<1x128xi32, #tpu.memory_space<vmem>> -> memref<128xi32, #tpu.memory_space<vmem>>
        %dma_wait3A_137 = arith.constant 0 : i32
        %dma_wait3A_138 = arith.constant 0 : i32
        %dma_wait3A_139 = tpu.memref_slice %arg6[%dma_wait3A_137, %dma_wait3A_138] : memref<10112x64xf32, #tpu.memory_space<vmem_shared>> -> memref<10112x64xf32, #tpu.memory_space<vmem_shared>>
        tpu.wait_indirect_dma semaphore(%arg19 : memref<!tpu.dma_semaphore, #tpu.memory_space<semaphore_mem>>) src(%arg11 : memref<128x64xf32, #tpu.memory_space<vmem>>) dst(%dma_wait3A_139 : memref<10112x64xf32, #tpu.memory_space<vmem_shared>>)
        %add3A_140 = arith.constant 4 : i32
        %add3A_141 = arith.addi %add3A_133, %add3A_140 : i32
        %dma_start3A_142 = arith.constant 0 : i32
        %dma_start3A_143 = tpu.memref_slice %arg7[%add3A_141, %dma_start3A_142] : memref<80x128xi32, #tpu.memory_space<vmem>> -> memref<1x128xi32, #tpu.memory_space<vmem>>
        %dma_start3A_144 = tpu.memref_squeeze %dma_start3A_143 : memref<1x128xi32, #tpu.memory_space<vmem>> -> memref<128xi32, #tpu.memory_space<vmem>>
        %dma_start3A_145 = arith.constant 0 : i32
        %dma_start3A_146 = arith.constant 0 : i32
        %dma_start3A_147 = tpu.memref_slice %arg2[%dma_start3A_145, %dma_start3A_146] : memref<10112x64xf32, #tpu.memory_space<hbm>> -> memref<10112x64xf32, #tpu.memory_space<hbm>>
        tpu.enqueue_indirect_dma source(%dma_start3A_147 : memref<10112x64xf32, #tpu.memory_space<hbm>>) target(%arg11 : memref<128x64xf32, #tpu.memory_space<vmem>>) offsets(%dma_start3A_144 : memref<128xi32, #tpu.memory_space<vmem>>) semaphore(%arg15 : memref<!tpu.dma_semaphore, #tpu.memory_space<semaphore_mem>>)
        %add3A_148 = arith.constant 3 : i32
        %add3A_149 = arith.addi %mul3A_38, %add3A_148 : i32
        %dma_wait3A_150 = arith.constant 0 : i32
        %dma_wait3A_151 = tpu.memref_slice %arg8[%add3A_149, %dma_wait3A_150] : memref<80x128xi32, #tpu.memory_space<vmem>> -> memref<1x128xi32, #tpu.memory_space<vmem>>
        %dma_wait3A_152 = tpu.memref_squeeze %dma_wait3A_151 : memref<1x128xi32, #tpu.memory_space<vmem>> -> memref<128xi32, #tpu.memory_space<vmem>>
        %dma_wait3A_153 = arith.constant 0 : i32
        %dma_wait3A_154 = arith.constant 0 : i32
        %dma_wait3A_155 = tpu.memref_slice %arg6[%dma_wait3A_153, %dma_wait3A_154] : memref<10112x64xf32, #tpu.memory_space<vmem_shared>> -> memref<10112x64xf32, #tpu.memory_space<vmem_shared>>
        tpu.wait_indirect_dma semaphore(%arg20 : memref<!tpu.dma_semaphore, #tpu.memory_space<semaphore_mem>>) src(%arg12 : memref<128x64xf32, #tpu.memory_space<vmem>>) dst(%dma_wait3A_155 : memref<10112x64xf32, #tpu.memory_space<vmem_shared>>)
        %add3A_156 = arith.constant 4 : i32
        %add3A_157 = arith.addi %add3A_149, %add3A_156 : i32
        %dma_start3A_158 = arith.constant 0 : i32
        %dma_start3A_159 = tpu.memref_slice %arg7[%add3A_157, %dma_start3A_158] : memref<80x128xi32, #tpu.memory_space<vmem>> -> memref<1x128xi32, #tpu.memory_space<vmem>>
        %dma_start3A_160 = tpu.memref_squeeze %dma_start3A_159 : memref<1x128xi32, #tpu.memory_space<vmem>> -> memref<128xi32, #tpu.memory_space<vmem>>
        %dma_start3A_161 = arith.constant 0 : i32
        %dma_start3A_162 = arith.constant 0 : i32
        %dma_start3A_163 = tpu.memref_slice %arg2[%dma_start3A_161, %dma_start3A_162] : memref<10112x64xf32, #tpu.memory_space<hbm>> -> memref<10112x64xf32, #tpu.memory_space<hbm>>
        tpu.enqueue_indirect_dma source(%dma_start3A_163 : memref<10112x64xf32, #tpu.memory_space<hbm>>) target(%arg12 : memref<128x64xf32, #tpu.memory_space<vmem>>) offsets(%dma_start3A_160 : memref<128xi32, #tpu.memory_space<vmem>>) semaphore(%arg16 : memref<!tpu.dma_semaphore, #tpu.memory_space<semaphore_mem>>)
      } else {
      }
      %eq3A = arith.constant 19 : i32
      %eq3A_96 = arith.cmpi eq, %scan3A_36, %eq3A : i32
      %convert_element_type3A_97 = arith.extui %eq3A_96 : i1 to i32
      %cond3A_98 = arith.constant 0 : i32
      %cond3A_99 = arith.cmpi ne, %convert_element_type3A_97, %cond3A_98 : i32
      scf.if %cond3A_99 {
        %add3A_100 = arith.constant 0 : i32
        %add3A_101 = arith.addi %mul3A_38, %add3A_100 : i32
        %dma_wait3A_102 = arith.constant 0 : i32
        %dma_wait3A_103 = tpu.memref_slice %arg8[%add3A_101, %dma_wait3A_102] : memref<80x128xi32, #tpu.memory_space<vmem>> -> memref<1x128xi32, #tpu.memory_space<vmem>>
        %dma_wait3A_104 = tpu.memref_squeeze %dma_wait3A_103 : memref<1x128xi32, #tpu.memory_space<vmem>> -> memref<128xi32, #tpu.memory_space<vmem>>
        %dma_wait3A_105 = arith.constant 0 : i32
        %dma_wait3A_106 = arith.constant 0 : i32
        %dma_wait3A_107 = tpu.memref_slice %arg6[%dma_wait3A_105, %dma_wait3A_106] : memref<10112x64xf32, #tpu.memory_space<vmem_shared>> -> memref<10112x64xf32, #tpu.memory_space<vmem_shared>>
        tpu.wait_indirect_dma semaphore(%arg17 : memref<!tpu.dma_semaphore, #tpu.memory_space<semaphore_mem>>) src(%arg9 : memref<128x64xf32, #tpu.memory_space<vmem>>) dst(%dma_wait3A_107 : memref<10112x64xf32, #tpu.memory_space<vmem_shared>>)
        %add3A_108 = arith.constant 1 : i32
        %add3A_109 = arith.addi %mul3A_38, %add3A_108 : i32
        %dma_wait3A_110 = arith.constant 0 : i32
        %dma_wait3A_111 = tpu.memref_slice %arg8[%add3A_109, %dma_wait3A_110] : memref<80x128xi32, #tpu.memory_space<vmem>> -> memref<1x128xi32, #tpu.memory_space<vmem>>
        %dma_wait3A_112 = tpu.memref_squeeze %dma_wait3A_111 : memref<1x128xi32, #tpu.memory_space<vmem>> -> memref<128xi32, #tpu.memory_space<vmem>>
        %dma_wait3A_113 = arith.constant 0 : i32
        %dma_wait3A_114 = arith.constant 0 : i32
        %dma_wait3A_115 = tpu.memref_slice %arg6[%dma_wait3A_113, %dma_wait3A_114] : memref<10112x64xf32, #tpu.memory_space<vmem_shared>> -> memref<10112x64xf32, #tpu.memory_space<vmem_shared>>
        tpu.wait_indirect_dma semaphore(%arg18 : memref<!tpu.dma_semaphore, #tpu.memory_space<semaphore_mem>>) src(%arg10 : memref<128x64xf32, #tpu.memory_space<vmem>>) dst(%dma_wait3A_115 : memref<10112x64xf32, #tpu.memory_space<vmem_shared>>)
        %add3A_116 = arith.constant 2 : i32
        %add3A_117 = arith.addi %mul3A_38, %add3A_116 : i32
        %dma_wait3A_118 = arith.constant 0 : i32
        %dma_wait3A_119 = tpu.memref_slice %arg8[%add3A_117, %dma_wait3A_118] : memref<80x128xi32, #tpu.memory_space<vmem>> -> memref<1x128xi32, #tpu.memory_space<vmem>>
        %dma_wait3A_120 = tpu.memref_squeeze %dma_wait3A_119 : memref<1x128xi32, #tpu.memory_space<vmem>> -> memref<128xi32, #tpu.memory_space<vmem>>
        %dma_wait3A_121 = arith.constant 0 : i32
        %dma_wait3A_122 = arith.constant 0 : i32
        %dma_wait3A_123 = tpu.memref_slice %arg6[%dma_wait3A_121, %dma_wait3A_122] : memref<10112x64xf32, #tpu.memory_space<vmem_shared>> -> memref<10112x64xf32, #tpu.memory_space<vmem_shared>>
        tpu.wait_indirect_dma semaphore(%arg19 : memref<!tpu.dma_semaphore, #tpu.memory_space<semaphore_mem>>) src(%arg11 : memref<128x64xf32, #tpu.memory_space<vmem>>) dst(%dma_wait3A_123 : memref<10112x64xf32, #tpu.memory_space<vmem_shared>>)
        %add3A_124 = arith.constant 3 : i32
        %add3A_125 = arith.addi %mul3A_38, %add3A_124 : i32
        %dma_wait3A_126 = arith.constant 0 : i32
        %dma_wait3A_127 = tpu.memref_slice %arg8[%add3A_125, %dma_wait3A_126] : memref<80x128xi32, #tpu.memory_space<vmem>> -> memref<1x128xi32, #tpu.memory_space<vmem>>
        %dma_wait3A_128 = tpu.memref_squeeze %dma_wait3A_127 : memref<1x128xi32, #tpu.memory_space<vmem>> -> memref<128xi32, #tpu.memory_space<vmem>>
        %dma_wait3A_129 = arith.constant 0 : i32
        %dma_wait3A_130 = arith.constant 0 : i32
        %dma_wait3A_131 = tpu.memref_slice %arg6[%dma_wait3A_129, %dma_wait3A_130] : memref<10112x64xf32, #tpu.memory_space<vmem_shared>> -> memref<10112x64xf32, #tpu.memory_space<vmem_shared>>
        tpu.wait_indirect_dma semaphore(%arg20 : memref<!tpu.dma_semaphore, #tpu.memory_space<semaphore_mem>>) src(%arg12 : memref<128x64xf32, #tpu.memory_space<vmem>>) dst(%dma_wait3A_131 : memref<10112x64xf32, #tpu.memory_space<vmem_shared>>)
      } else {
      }
    }
    %scan3A_34 = arith.constant 20 : i32
    %barrier3A_35 = arith.constant 0 : index
    tpu.barrier barrier_id(%barrier3A_35)
    "tpu.region"() ({
      %run_scoped3A = tpu.sem_alloc : memref<!tpu.dma_semaphore, #tpu.memory_space<semaphore_mem>>
      %dma_start3A_36 = arith.constant 0 : i32
      %dma_start3A_37 = arith.constant 0 : i32
      %dma_start3A_38 = tpu.memref_slice %arg5[%arg0, %dma_start3A_36, %dma_start3A_37] : memref<2x10112x64xf32, #tpu.memory_space<hbm>> -> memref<1x10112x64xf32, #tpu.memory_space<hbm>>
      %dma_start3A_39 = tpu.memref_squeeze %dma_start3A_38 : memref<1x10112x64xf32, #tpu.memory_space<hbm>> -> memref<10112x64xf32, #tpu.memory_space<hbm>>
      %dma_start3A_40 = arith.constant 0 : i32
      %dma_start3A_41 = tpu.memref_slice %dma_start3A_39[%mul3A_2, %dma_start3A_40] : memref<10112x64xf32, #tpu.memory_space<hbm>> -> memref<632x64xf32, #tpu.memory_space<hbm>>
      %dma_start3A_42 = arith.constant 0 : i32
      %dma_start3A_43 = tpu.memref_slice %arg6[%mul3A_2, %dma_start3A_42] : memref<10112x64xf32, #tpu.memory_space<vmem_shared>> -> memref<632x64xf32, #tpu.memory_space<vmem_shared>>
      tpu.enqueue_dma source(%dma_start3A_43 : memref<632x64xf32, #tpu.memory_space<vmem_shared>>) target(%dma_start3A_41 : memref<632x64xf32, #tpu.memory_space<hbm>>) target_semaphore(%run_scoped3A : memref<!tpu.dma_semaphore, #tpu.memory_space<semaphore_mem>>)
      %dma_wait3A = arith.constant 0 : i32
      %dma_wait3A_44 = arith.constant 0 : i32
      %dma_wait3A_45 = tpu.memref_slice %arg5[%arg0, %dma_wait3A, %dma_wait3A_44] : memref<2x10112x64xf32, #tpu.memory_space<hbm>> -> memref<1x10112x64xf32, #tpu.memory_space<hbm>>
      %dma_wait3A_46 = tpu.memref_squeeze %dma_wait3A_45 : memref<1x10112x64xf32, #tpu.memory_space<hbm>> -> memref<10112x64xf32, #tpu.memory_space<hbm>>
      %dma_wait3A_47 = arith.constant 0 : i32
      %dma_wait3A_48 = tpu.memref_slice %dma_wait3A_46[%mul3A_2, %dma_wait3A_47] : memref<10112x64xf32, #tpu.memory_space<hbm>> -> memref<632x64xf32, #tpu.memory_space<hbm>>
      %dma_wait3A_49 = arith.constant 0 : i32
      %dma_wait3A_50 = tpu.memref_slice %arg6[%mul3A_2, %dma_wait3A_49] : memref<10112x64xf32, #tpu.memory_space<vmem_shared>> -> memref<632x64xf32, #tpu.memory_space<vmem_shared>>
      tpu.wait_dma2 semaphore(%run_scoped3A : memref<!tpu.dma_semaphore, #tpu.memory_space<semaphore_mem>>) src(%dma_wait3A_50 : memref<632x64xf32, #tpu.memory_space<vmem_shared>>) dst(%dma_wait3A_48 : memref<632x64xf32, #tpu.memory_space<hbm>>)
      tpu.yield
    }) : () -> ()
    return
  }
}

#map = affine_map<(d0, d1) -> (0, 0)>
#map1 = affine_map<(d0, d1) -> (0, 0, 0)>
module attributes {stable_mosaic.version = 14 : i64} {
  func.func @prop(%arg0: i32, %arg1: i32, %arg2: memref<10112x64xf32, #tpu.memory_space<hbm>>, %arg3: memref<32x80x128xi32, #tpu.memory_space<hbm>>, %arg4: memref<32x80x128xi32, #tpu.memory_space<hbm>>, %arg5: memref<2x10112x64xf32, #tpu.memory_space<hbm>>, %arg6: memref<10112x64xf32, #tpu.memory_space<vmem_shared>>, %arg7: memref<80x128xi32, #tpu.memory_space<vmem>>, %arg8: memref<80x128xi32, #tpu.memory_space<vmem>>, %arg9: memref<128x64xf32, #tpu.memory_space<vmem>>, %arg10: memref<128x64xf32, #tpu.memory_space<vmem>>, %arg11: memref<128x64xf32, #tpu.memory_space<vmem>>, %arg12: memref<128x64xf32, #tpu.memory_space<vmem>>, %arg13: memref<!tpu.dma_semaphore, #tpu.memory_space<semaphore_mem>>, %arg14: memref<!tpu.dma_semaphore, #tpu.memory_space<semaphore_mem>>, %arg15: memref<!tpu.dma_semaphore, #tpu.memory_space<semaphore_mem>>, %arg16: memref<!tpu.dma_semaphore, #tpu.memory_space<semaphore_mem>>, %arg17: memref<!tpu.dma_semaphore, #tpu.memory_space<semaphore_mem>>, %arg18: memref<!tpu.dma_semaphore, #tpu.memory_space<semaphore_mem>>, %arg19: memref<!tpu.dma_semaphore, #tpu.memory_space<semaphore_mem>>, %arg20: memref<!tpu.dma_semaphore, #tpu.memory_space<semaphore_mem>>) attributes {dimension_semantics = [#tpu.dimension_semantics<core_parallel>, #tpu.dimension_semantics<subcore_parallel>], iteration_bounds = array<i64: 2, 16>, scalar_prefetch = 0 : i64, scratch_operands = 15 : i64, tpu.core_type = #tpu.core_type<sc_vector_subcore>, window_params = [{transform_indices = #map}, {transform_indices = #map1}, {transform_indices = #map1}, {transform_indices = #map1}]} {
    %mul3A = arith.constant 16 : i32
    %mul3A_0 = arith.muli %arg0, %mul3A : i32
    %add3A = arith.addi %mul3A_0, %arg1 : i32
    %mul3A_1 = arith.constant 632 : i32
    %mul3A_2 = arith.muli %arg1, %mul3A_1 : i32
    "tpu.region"() ({
      %run_scoped3A = tpu.sem_alloc : memref<!tpu.dma_semaphore, #tpu.memory_space<semaphore_mem>>
      %dma_start3A_36 = arith.constant 0 : i32
      %dma_start3A_37 = arith.constant 0 : i32
      %dma_start3A_38 = tpu.memref_slice %arg3[%add3A, %dma_start3A_36, %dma_start3A_37] : memref<32x80x128xi32, #tpu.memory_space<hbm>> -> memref<1x80x128xi32, #tpu.memory_space<hbm>>
      %dma_start3A_39 = tpu.memref_squeeze %dma_start3A_38 : memref<1x80x128xi32, #tpu.memory_space<hbm>> -> memref<80x128xi32, #tpu.memory_space<hbm>>
      %dma_start3A_40 = arith.constant 0 : i32
      %dma_start3A_41 = arith.constant 0 : i32
      %dma_start3A_42 = tpu.memref_slice %arg3[%add3A, %dma_start3A_40, %dma_start3A_41] : memref<32x80x128xi32, #tpu.memory_space<hbm>> -> memref<1x80x128xi32, #tpu.memory_space<hbm>>
      %dma_start3A_43 = tpu.memref_squeeze %dma_start3A_42 : memref<1x80x128xi32, #tpu.memory_space<hbm>> -> memref<80x128xi32, #tpu.memory_space<hbm>>
      tpu.enqueue_dma source(%dma_start3A_43 : memref<80x128xi32, #tpu.memory_space<hbm>>) target(%arg7 : memref<80x128xi32, #tpu.memory_space<vmem>>) target_semaphore(%run_scoped3A : memref<!tpu.dma_semaphore, #tpu.memory_space<semaphore_mem>>)
      %dma_wait3A = arith.constant 0 : i32
      %dma_wait3A_44 = arith.constant 0 : i32
      %dma_wait3A_45 = tpu.memref_slice %arg3[%add3A, %dma_wait3A, %dma_wait3A_44] : memref<32x80x128xi32, #tpu.memory_space<hbm>> -> memref<1x80x128xi32, #tpu.memory_space<hbm>>
      %dma_wait3A_46 = tpu.memref_squeeze %dma_wait3A_45 : memref<1x80x128xi32, #tpu.memory_space<hbm>> -> memref<80x128xi32, #tpu.memory_space<hbm>>
      %dma_wait3A_47 = arith.constant 0 : i32
      %dma_wait3A_48 = arith.constant 0 : i32
      %dma_wait3A_49 = tpu.memref_slice %arg3[%add3A, %dma_wait3A_47, %dma_wait3A_48] : memref<32x80x128xi32, #tpu.memory_space<hbm>> -> memref<1x80x128xi32, #tpu.memory_space<hbm>>
      %dma_wait3A_50 = tpu.memref_squeeze %dma_wait3A_49 : memref<1x80x128xi32, #tpu.memory_space<hbm>> -> memref<80x128xi32, #tpu.memory_space<hbm>>
      tpu.wait_dma2 semaphore(%run_scoped3A : memref<!tpu.dma_semaphore, #tpu.memory_space<semaphore_mem>>) src(%dma_wait3A_50 : memref<80x128xi32, #tpu.memory_space<hbm>>) dst(%arg7 : memref<80x128xi32, #tpu.memory_space<vmem>>)
      tpu.yield
    }) : () -> ()
    "tpu.region"() ({
      %run_scoped3A = tpu.sem_alloc : memref<!tpu.dma_semaphore, #tpu.memory_space<semaphore_mem>>
      %dma_start3A_36 = arith.constant 0 : i32
      %dma_start3A_37 = arith.constant 0 : i32
      %dma_start3A_38 = tpu.memref_slice %arg4[%add3A, %dma_start3A_36, %dma_start3A_37] : memref<32x80x128xi32, #tpu.memory_space<hbm>> -> memref<1x80x128xi32, #tpu.memory_space<hbm>>
      %dma_start3A_39 = tpu.memref_squeeze %dma_start3A_38 : memref<1x80x128xi32, #tpu.memory_space<hbm>> -> memref<80x128xi32, #tpu.memory_space<hbm>>
      %dma_start3A_40 = arith.constant 0 : i32
      %dma_start3A_41 = arith.constant 0 : i32
      %dma_start3A_42 = tpu.memref_slice %arg4[%add3A, %dma_start3A_40, %dma_start3A_41] : memref<32x80x128xi32, #tpu.memory_space<hbm>> -> memref<1x80x128xi32, #tpu.memory_space<hbm>>
      %dma_start3A_43 = tpu.memref_squeeze %dma_start3A_42 : memref<1x80x128xi32, #tpu.memory_space<hbm>> -> memref<80x128xi32, #tpu.memory_space<hbm>>
      tpu.enqueue_dma source(%dma_start3A_43 : memref<80x128xi32, #tpu.memory_space<hbm>>) target(%arg8 : memref<80x128xi32, #tpu.memory_space<vmem>>) target_semaphore(%run_scoped3A : memref<!tpu.dma_semaphore, #tpu.memory_space<semaphore_mem>>)
      %dma_wait3A = arith.constant 0 : i32
      %dma_wait3A_44 = arith.constant 0 : i32
      %dma_wait3A_45 = tpu.memref_slice %arg4[%add3A, %dma_wait3A, %dma_wait3A_44] : memref<32x80x128xi32, #tpu.memory_space<hbm>> -> memref<1x80x128xi32, #tpu.memory_space<hbm>>
      %dma_wait3A_46 = tpu.memref_squeeze %dma_wait3A_45 : memref<1x80x128xi32, #tpu.memory_space<hbm>> -> memref<80x128xi32, #tpu.memory_space<hbm>>
      %dma_wait3A_47 = arith.constant 0 : i32
      %dma_wait3A_48 = arith.constant 0 : i32
      %dma_wait3A_49 = tpu.memref_slice %arg4[%add3A, %dma_wait3A_47, %dma_wait3A_48] : memref<32x80x128xi32, #tpu.memory_space<hbm>> -> memref<1x80x128xi32, #tpu.memory_space<hbm>>
      %dma_wait3A_50 = tpu.memref_squeeze %dma_wait3A_49 : memref<1x80x128xi32, #tpu.memory_space<hbm>> -> memref<80x128xi32, #tpu.memory_space<hbm>>
      tpu.wait_dma2 semaphore(%run_scoped3A : memref<!tpu.dma_semaphore, #tpu.memory_space<semaphore_mem>>) src(%dma_wait3A_50 : memref<80x128xi32, #tpu.memory_space<hbm>>) dst(%arg8 : memref<80x128xi32, #tpu.memory_space<vmem>>)
      tpu.yield
    }) : () -> ()
    "tpu.region"() ({
      %run_scoped3A = tpu.sem_alloc : memref<!tpu.dma_semaphore, #tpu.memory_space<semaphore_mem>>
      %dma_start3A_36 = arith.constant 0 : i32
      %dma_start3A_37 = tpu.memref_slice %arg6[%mul3A_2, %dma_start3A_36] : memref<10112x64xf32, #tpu.memory_space<vmem_shared>> -> memref<632x64xf32, #tpu.memory_space<vmem_shared>>
      %dma_start3A_38 = arith.constant 0 : i32
      %dma_start3A_39 = tpu.memref_slice %arg2[%mul3A_2, %dma_start3A_38] : memref<10112x64xf32, #tpu.memory_space<hbm>> -> memref<632x64xf32, #tpu.memory_space<hbm>>
      tpu.enqueue_dma source(%dma_start3A_39 : memref<632x64xf32, #tpu.memory_space<hbm>>) target(%dma_start3A_37 : memref<632x64xf32, #tpu.memory_space<vmem_shared>>) target_semaphore(%run_scoped3A : memref<!tpu.dma_semaphore, #tpu.memory_space<semaphore_mem>>)
      %dma_wait3A = arith.constant 0 : i32
      %dma_wait3A_40 = tpu.memref_slice %arg6[%mul3A_2, %dma_wait3A] : memref<10112x64xf32, #tpu.memory_space<vmem_shared>> -> memref<632x64xf32, #tpu.memory_space<vmem_shared>>
      %dma_wait3A_41 = arith.constant 0 : i32
      %dma_wait3A_42 = tpu.memref_slice %arg2[%mul3A_2, %dma_wait3A_41] : memref<10112x64xf32, #tpu.memory_space<hbm>> -> memref<632x64xf32, #tpu.memory_space<hbm>>
      tpu.wait_dma2 semaphore(%run_scoped3A : memref<!tpu.dma_semaphore, #tpu.memory_space<semaphore_mem>>) src(%dma_wait3A_42 : memref<632x64xf32, #tpu.memory_space<hbm>>) dst(%dma_wait3A_40 : memref<632x64xf32, #tpu.memory_space<vmem_shared>>)
      tpu.yield
    }) : () -> ()
    %barrier3A = arith.constant 0 : index
    tpu.barrier barrier_id(%barrier3A)
    %dma_start3A = arith.constant 0 : i32
    %dma_start3A_3 = arith.constant 0 : i32
    %dma_start3A_4 = tpu.memref_slice %arg7[%dma_start3A, %dma_start3A_3] : memref<80x128xi32, #tpu.memory_space<vmem>> -> memref<1x128xi32, #tpu.memory_space<vmem>>
    %dma_start3A_5 = tpu.memref_squeeze %dma_start3A_4 : memref<1x128xi32, #tpu.memory_space<vmem>> -> memref<128xi32, #tpu.memory_space<vmem>>
    %dma_start3A_6 = arith.constant 0 : i32
    %dma_start3A_7 = arith.constant 0 : i32
    %dma_start3A_8 = tpu.memref_slice %arg2[%dma_start3A_6, %dma_start3A_7] : memref<10112x64xf32, #tpu.memory_space<hbm>> -> memref<10112x64xf32, #tpu.memory_space<hbm>>
    tpu.enqueue_indirect_dma source(%dma_start3A_8 : memref<10112x64xf32, #tpu.memory_space<hbm>>) target(%arg9 : memref<128x64xf32, #tpu.memory_space<vmem>>) offsets(%dma_start3A_5 : memref<128xi32, #tpu.memory_space<vmem>>) semaphore(%arg13 : memref<!tpu.dma_semaphore, #tpu.memory_space<semaphore_mem>>)
    %dma_start3A_9 = arith.constant 1 : i32
    %dma_start3A_10 = arith.constant 0 : i32
    %dma_start3A_11 = tpu.memref_slice %arg7[%dma_start3A_9, %dma_start3A_10] : memref<80x128xi32, #tpu.memory_space<vmem>> -> memref<1x128xi32, #tpu.memory_space<vmem>>
    %dma_start3A_12 = tpu.memref_squeeze %dma_start3A_11 : memref<1x128xi32, #tpu.memory_space<vmem>> -> memref<128xi32, #tpu.memory_space<vmem>>
    %dma_start3A_13 = arith.constant 0 : i32
    %dma_start3A_14 = arith.constant 0 : i32
    %dma_start3A_15 = tpu.memref_slice %arg2[%dma_start3A_13, %dma_start3A_14] : memref<10112x64xf32, #tpu.memory_space<hbm>> -> memref<10112x64xf32, #tpu.memory_space<hbm>>
    tpu.enqueue_indirect_dma source(%dma_start3A_15 : memref<10112x64xf32, #tpu.memory_space<hbm>>) target(%arg10 : memref<128x64xf32, #tpu.memory_space<vmem>>) offsets(%dma_start3A_12 : memref<128xi32, #tpu.memory_space<vmem>>) semaphore(%arg14 : memref<!tpu.dma_semaphore, #tpu.memory_space<semaphore_mem>>)
    %dma_start3A_16 = arith.constant 2 : i32
    %dma_start3A_17 = arith.constant 0 : i32
    %dma_start3A_18 = tpu.memref_slice %arg7[%dma_start3A_16, %dma_start3A_17] : memref<80x128xi32, #tpu.memory_space<vmem>> -> memref<1x128xi32, #tpu.memory_space<vmem>>
    %dma_start3A_19 = tpu.memref_squeeze %dma_start3A_18 : memref<1x128xi32, #tpu.memory_space<vmem>> -> memref<128xi32, #tpu.memory_space<vmem>>
    %dma_start3A_20 = arith.constant 0 : i32
    %dma_start3A_21 = arith.constant 0 : i32
    %dma_start3A_22 = tpu.memref_slice %arg2[%dma_start3A_20, %dma_start3A_21] : memref<10112x64xf32, #tpu.memory_space<hbm>> -> memref<10112x64xf32, #tpu.memory_space<hbm>>
    tpu.enqueue_indirect_dma source(%dma_start3A_22 : memref<10112x64xf32, #tpu.memory_space<hbm>>) target(%arg11 : memref<128x64xf32, #tpu.memory_space<vmem>>) offsets(%dma_start3A_19 : memref<128xi32, #tpu.memory_space<vmem>>) semaphore(%arg15 : memref<!tpu.dma_semaphore, #tpu.memory_space<semaphore_mem>>)
    %dma_start3A_23 = arith.constant 3 : i32
    %dma_start3A_24 = arith.constant 0 : i32
    %dma_start3A_25 = tpu.memref_slice %arg7[%dma_start3A_23, %dma_start3A_24] : memref<80x128xi32, #tpu.memory_space<vmem>> -> memref<1x128xi32, #tpu.memory_space<vmem>>
    %dma_start3A_26 = tpu.memref_squeeze %dma_start3A_25 : memref<1x128xi32, #tpu.memory_space<vmem>> -> memref<128xi32, #tpu.memory_space<vmem>>
    %dma_start3A_27 = arith.constant 0 : i32
    %dma_start3A_28 = arith.constant 0 : i32
    %dma_start3A_29 = tpu.memref_slice %arg2[%dma_start3A_27, %dma_start3A_28] : memref<10112x64xf32, #tpu.memory_space<hbm>> -> memref<10112x64xf32, #tpu.memory_space<hbm>>
    tpu.enqueue_indirect_dma source(%dma_start3A_29 : memref<10112x64xf32, #tpu.memory_space<hbm>>) target(%arg12 : memref<128x64xf32, #tpu.memory_space<vmem>>) offsets(%dma_start3A_26 : memref<128xi32, #tpu.memory_space<vmem>>) semaphore(%arg16 : memref<!tpu.dma_semaphore, #tpu.memory_space<semaphore_mem>>)
    %scan3A = arith.constant 0 : i32
    %scan3A_30 = arith.constant 0 : i32
    %scan3A_31 = arith.constant 20 : i32
    %scan3A_32 = arith.addi %scan3A_30, %scan3A_31 : i32
    %scan3A_33 = arith.constant 1 : i32
    scf.for %scan3A_36 = %scan3A_30 to %scan3A_32 step %scan3A_33  : i32 {
      %mul3A_37 = arith.constant 4 : i32
      %mul3A_38 = arith.muli %scan3A_36, %mul3A_37 : i32
      %add3A_39 = arith.constant 0 : i32
      %add3A_40 = arith.addi %mul3A_38, %add3A_39 : i32
      %dma_wait3A = arith.constant 0 : i32
      %dma_wait3A_41 = tpu.memref_slice %arg7[%add3A_40, %dma_wait3A] : memref<80x128xi32, #tpu.memory_space<vmem>> -> memref<1x128xi32, #tpu.memory_space<vmem>>
      %dma_wait3A_42 = tpu.memref_squeeze %dma_wait3A_41 : memref<1x128xi32, #tpu.memory_space<vmem>> -> memref<128xi32, #tpu.memory_space<vmem>>
      %dma_wait3A_43 = arith.constant 0 : i32
      %dma_wait3A_44 = arith.constant 0 : i32
      %dma_wait3A_45 = tpu.memref_slice %arg2[%dma_wait3A_43, %dma_wait3A_44] : memref<10112x64xf32, #tpu.memory_space<hbm>> -> memref<10112x64xf32, #tpu.memory_space<hbm>>
      tpu.wait_indirect_dma semaphore(%arg13 : memref<!tpu.dma_semaphore, #tpu.memory_space<semaphore_mem>>) src(%dma_wait3A_45 : memref<10112x64xf32, #tpu.memory_space<hbm>>) dst(%arg9 : memref<128x64xf32, #tpu.memory_space<vmem>>)
      %dma_start3A_46 = arith.constant 0 : i32
      %dma_start3A_47 = tpu.memref_slice %arg8[%add3A_40, %dma_start3A_46] : memref<80x128xi32, #tpu.memory_space<vmem>> -> memref<1x128xi32, #tpu.memory_space<vmem>>
      %dma_start3A_48 = tpu.memref_squeeze %dma_start3A_47 : memref<1x128xi32, #tpu.memory_space<vmem>> -> memref<128xi32, #tpu.memory_space<vmem>>
      %dma_start3A_49 = arith.constant 0 : i32
      %dma_start3A_50 = arith.constant 0 : i32
      %dma_start3A_51 = tpu.memref_slice %arg6[%dma_start3A_49, %dma_start3A_50] : memref<10112x64xf32, #tpu.memory_space<vmem_shared>> -> memref<10112x64xf32, #tpu.memory_space<vmem_shared>>
      tpu.enqueue_indirect_dma source(%arg9 : memref<128x64xf32, #tpu.memory_space<vmem>>) target(%dma_start3A_51 : memref<10112x64xf32, #tpu.memory_space<vmem_shared>>) offsets(%dma_start3A_48 : memref<128xi32, #tpu.memory_space<vmem>>) semaphore(%arg17 : memref<!tpu.dma_semaphore, #tpu.memory_space<semaphore_mem>>) {add = true}
      %add3A_52 = arith.constant 1 : i32
      %add3A_53 = arith.addi %mul3A_38, %add3A_52 : i32
      %dma_wait3A_54 = arith.constant 0 : i32
      %dma_wait3A_55 = tpu.memref_slice %arg7[%add3A_53, %dma_wait3A_54] : memref<80x128xi32, #tpu.memory_space<vmem>> -> memref<1x128xi32, #tpu.memory_space<vmem>>
      %dma_wait3A_56 = tpu.memref_squeeze %dma_wait3A_55 : memref<1x128xi32, #tpu.memory_space<vmem>> -> memref<128xi32, #tpu.memory_space<vmem>>
      %dma_wait3A_57 = arith.constant 0 : i32
      %dma_wait3A_58 = arith.constant 0 : i32
      %dma_wait3A_59 = tpu.memref_slice %arg2[%dma_wait3A_57, %dma_wait3A_58] : memref<10112x64xf32, #tpu.memory_space<hbm>> -> memref<10112x64xf32, #tpu.memory_space<hbm>>
      tpu.wait_indirect_dma semaphore(%arg14 : memref<!tpu.dma_semaphore, #tpu.memory_space<semaphore_mem>>) src(%dma_wait3A_59 : memref<10112x64xf32, #tpu.memory_space<hbm>>) dst(%arg10 : memref<128x64xf32, #tpu.memory_space<vmem>>)
      %dma_start3A_60 = arith.constant 0 : i32
      %dma_start3A_61 = tpu.memref_slice %arg8[%add3A_53, %dma_start3A_60] : memref<80x128xi32, #tpu.memory_space<vmem>> -> memref<1x128xi32, #tpu.memory_space<vmem>>
      %dma_start3A_62 = tpu.memref_squeeze %dma_start3A_61 : memref<1x128xi32, #tpu.memory_space<vmem>> -> memref<128xi32, #tpu.memory_space<vmem>>
      %dma_start3A_63 = arith.constant 0 : i32
      %dma_start3A_64 = arith.constant 0 : i32
      %dma_start3A_65 = tpu.memref_slice %arg6[%dma_start3A_63, %dma_start3A_64] : memref<10112x64xf32, #tpu.memory_space<vmem_shared>> -> memref<10112x64xf32, #tpu.memory_space<vmem_shared>>
      tpu.enqueue_indirect_dma source(%arg10 : memref<128x64xf32, #tpu.memory_space<vmem>>) target(%dma_start3A_65 : memref<10112x64xf32, #tpu.memory_space<vmem_shared>>) offsets(%dma_start3A_62 : memref<128xi32, #tpu.memory_space<vmem>>) semaphore(%arg18 : memref<!tpu.dma_semaphore, #tpu.memory_space<semaphore_mem>>) {add = true}
      %add3A_66 = arith.constant 2 : i32
      %add3A_67 = arith.addi %mul3A_38, %add3A_66 : i32
      %dma_wait3A_68 = arith.constant 0 : i32
      %dma_wait3A_69 = tpu.memref_slice %arg7[%add3A_67, %dma_wait3A_68] : memref<80x128xi32, #tpu.memory_space<vmem>> -> memref<1x128xi32, #tpu.memory_space<vmem>>
      %dma_wait3A_70 = tpu.memref_squeeze %dma_wait3A_69 : memref<1x128xi32, #tpu.memory_space<vmem>> -> memref<128xi32, #tpu.memory_space<vmem>>
      %dma_wait3A_71 = arith.constant 0 : i32
      %dma_wait3A_72 = arith.constant 0 : i32
      %dma_wait3A_73 = tpu.memref_slice %arg2[%dma_wait3A_71, %dma_wait3A_72] : memref<10112x64xf32, #tpu.memory_space<hbm>> -> memref<10112x64xf32, #tpu.memory_space<hbm>>
      tpu.wait_indirect_dma semaphore(%arg15 : memref<!tpu.dma_semaphore, #tpu.memory_space<semaphore_mem>>) src(%dma_wait3A_73 : memref<10112x64xf32, #tpu.memory_space<hbm>>) dst(%arg11 : memref<128x64xf32, #tpu.memory_space<vmem>>)
      %dma_start3A_74 = arith.constant 0 : i32
      %dma_start3A_75 = tpu.memref_slice %arg8[%add3A_67, %dma_start3A_74] : memref<80x128xi32, #tpu.memory_space<vmem>> -> memref<1x128xi32, #tpu.memory_space<vmem>>
      %dma_start3A_76 = tpu.memref_squeeze %dma_start3A_75 : memref<1x128xi32, #tpu.memory_space<vmem>> -> memref<128xi32, #tpu.memory_space<vmem>>
      %dma_start3A_77 = arith.constant 0 : i32
      %dma_start3A_78 = arith.constant 0 : i32
      %dma_start3A_79 = tpu.memref_slice %arg6[%dma_start3A_77, %dma_start3A_78] : memref<10112x64xf32, #tpu.memory_space<vmem_shared>> -> memref<10112x64xf32, #tpu.memory_space<vmem_shared>>
      tpu.enqueue_indirect_dma source(%arg11 : memref<128x64xf32, #tpu.memory_space<vmem>>) target(%dma_start3A_79 : memref<10112x64xf32, #tpu.memory_space<vmem_shared>>) offsets(%dma_start3A_76 : memref<128xi32, #tpu.memory_space<vmem>>) semaphore(%arg19 : memref<!tpu.dma_semaphore, #tpu.memory_space<semaphore_mem>>) {add = true}
      %add3A_80 = arith.constant 3 : i32
      %add3A_81 = arith.addi %mul3A_38, %add3A_80 : i32
      %dma_wait3A_82 = arith.constant 0 : i32
      %dma_wait3A_83 = tpu.memref_slice %arg7[%add3A_81, %dma_wait3A_82] : memref<80x128xi32, #tpu.memory_space<vmem>> -> memref<1x128xi32, #tpu.memory_space<vmem>>
      %dma_wait3A_84 = tpu.memref_squeeze %dma_wait3A_83 : memref<1x128xi32, #tpu.memory_space<vmem>> -> memref<128xi32, #tpu.memory_space<vmem>>
      %dma_wait3A_85 = arith.constant 0 : i32
      %dma_wait3A_86 = arith.constant 0 : i32
      %dma_wait3A_87 = tpu.memref_slice %arg2[%dma_wait3A_85, %dma_wait3A_86] : memref<10112x64xf32, #tpu.memory_space<hbm>> -> memref<10112x64xf32, #tpu.memory_space<hbm>>
      tpu.wait_indirect_dma semaphore(%arg16 : memref<!tpu.dma_semaphore, #tpu.memory_space<semaphore_mem>>) src(%dma_wait3A_87 : memref<10112x64xf32, #tpu.memory_space<hbm>>) dst(%arg12 : memref<128x64xf32, #tpu.memory_space<vmem>>)
      %dma_start3A_88 = arith.constant 0 : i32
      %dma_start3A_89 = tpu.memref_slice %arg8[%add3A_81, %dma_start3A_88] : memref<80x128xi32, #tpu.memory_space<vmem>> -> memref<1x128xi32, #tpu.memory_space<vmem>>
      %dma_start3A_90 = tpu.memref_squeeze %dma_start3A_89 : memref<1x128xi32, #tpu.memory_space<vmem>> -> memref<128xi32, #tpu.memory_space<vmem>>
      %dma_start3A_91 = arith.constant 0 : i32
      %dma_start3A_92 = arith.constant 0 : i32
      %dma_start3A_93 = tpu.memref_slice %arg6[%dma_start3A_91, %dma_start3A_92] : memref<10112x64xf32, #tpu.memory_space<vmem_shared>> -> memref<10112x64xf32, #tpu.memory_space<vmem_shared>>
      tpu.enqueue_indirect_dma source(%arg12 : memref<128x64xf32, #tpu.memory_space<vmem>>) target(%dma_start3A_93 : memref<10112x64xf32, #tpu.memory_space<vmem_shared>>) offsets(%dma_start3A_90 : memref<128xi32, #tpu.memory_space<vmem>>) semaphore(%arg20 : memref<!tpu.dma_semaphore, #tpu.memory_space<semaphore_mem>>) {add = true}
      %lt3A = arith.constant 19 : i32
      %lt3A_94 = arith.cmpi slt, %scan3A_36, %lt3A : i32
      %convert_element_type3A = arith.extui %lt3A_94 : i1 to i32
      %cond3A = arith.constant 0 : i32
      %cond3A_95 = arith.cmpi ne, %convert_element_type3A, %cond3A : i32
      scf.if %cond3A_95 {
        %add3A_100 = arith.constant 0 : i32
        %add3A_101 = arith.addi %mul3A_38, %add3A_100 : i32
        %dma_wait3A_102 = arith.constant 0 : i32
        %dma_wait3A_103 = tpu.memref_slice %arg8[%add3A_101, %dma_wait3A_102] : memref<80x128xi32, #tpu.memory_space<vmem>> -> memref<1x128xi32, #tpu.memory_space<vmem>>
        %dma_wait3A_104 = tpu.memref_squeeze %dma_wait3A_103 : memref<1x128xi32, #tpu.memory_space<vmem>> -> memref<128xi32, #tpu.memory_space<vmem>>
        %dma_wait3A_105 = arith.constant 0 : i32
        %dma_wait3A_106 = arith.constant 0 : i32
        %dma_wait3A_107 = tpu.memref_slice %arg6[%dma_wait3A_105, %dma_wait3A_106] : memref<10112x64xf32, #tpu.memory_space<vmem_shared>> -> memref<10112x64xf32, #tpu.memory_space<vmem_shared>>
        tpu.wait_indirect_dma semaphore(%arg17 : memref<!tpu.dma_semaphore, #tpu.memory_space<semaphore_mem>>) src(%arg9 : memref<128x64xf32, #tpu.memory_space<vmem>>) dst(%dma_wait3A_107 : memref<10112x64xf32, #tpu.memory_space<vmem_shared>>)
        %add3A_108 = arith.constant 4 : i32
        %add3A_109 = arith.addi %add3A_101, %add3A_108 : i32
        %dma_start3A_110 = arith.constant 0 : i32
        %dma_start3A_111 = tpu.memref_slice %arg7[%add3A_109, %dma_start3A_110] : memref<80x128xi32, #tpu.memory_space<vmem>> -> memref<1x128xi32, #tpu.memory_space<vmem>>
        %dma_start3A_112 = tpu.memref_squeeze %dma_start3A_111 : memref<1x128xi32, #tpu.memory_space<vmem>> -> memref<128xi32, #tpu.memory_space<vmem>>
        %dma_start3A_113 = arith.constant 0 : i32
        %dma_start3A_114 = arith.constant 0 : i32
        %dma_start3A_115 = tpu.memref_slice %arg2[%dma_start3A_113, %dma_start3A_114] : memref<10112x64xf32, #tpu.memory_space<hbm>> -> memref<10112x64xf32, #tpu.memory_space<hbm>>
        tpu.enqueue_indirect_dma source(%dma_start3A_115 : memref<10112x64xf32, #tpu.memory_space<hbm>>) target(%arg9 : memref<128x64xf32, #tpu.memory_space<vmem>>) offsets(%dma_start3A_112 : memref<128xi32, #tpu.memory_space<vmem>>) semaphore(%arg13 : memref<!tpu.dma_semaphore, #tpu.memory_space<semaphore_mem>>)
        %add3A_116 = arith.constant 1 : i32
        %add3A_117 = arith.addi %mul3A_38, %add3A_116 : i32
        %dma_wait3A_118 = arith.constant 0 : i32
        %dma_wait3A_119 = tpu.memref_slice %arg8[%add3A_117, %dma_wait3A_118] : memref<80x128xi32, #tpu.memory_space<vmem>> -> memref<1x128xi32, #tpu.memory_space<vmem>>
        %dma_wait3A_120 = tpu.memref_squeeze %dma_wait3A_119 : memref<1x128xi32, #tpu.memory_space<vmem>> -> memref<128xi32, #tpu.memory_space<vmem>>
        %dma_wait3A_121 = arith.constant 0 : i32
        %dma_wait3A_122 = arith.constant 0 : i32
        %dma_wait3A_123 = tpu.memref_slice %arg6[%dma_wait3A_121, %dma_wait3A_122] : memref<10112x64xf32, #tpu.memory_space<vmem_shared>> -> memref<10112x64xf32, #tpu.memory_space<vmem_shared>>
        tpu.wait_indirect_dma semaphore(%arg18 : memref<!tpu.dma_semaphore, #tpu.memory_space<semaphore_mem>>) src(%arg10 : memref<128x64xf32, #tpu.memory_space<vmem>>) dst(%dma_wait3A_123 : memref<10112x64xf32, #tpu.memory_space<vmem_shared>>)
        %add3A_124 = arith.constant 4 : i32
        %add3A_125 = arith.addi %add3A_117, %add3A_124 : i32
        %dma_start3A_126 = arith.constant 0 : i32
        %dma_start3A_127 = tpu.memref_slice %arg7[%add3A_125, %dma_start3A_126] : memref<80x128xi32, #tpu.memory_space<vmem>> -> memref<1x128xi32, #tpu.memory_space<vmem>>
        %dma_start3A_128 = tpu.memref_squeeze %dma_start3A_127 : memref<1x128xi32, #tpu.memory_space<vmem>> -> memref<128xi32, #tpu.memory_space<vmem>>
        %dma_start3A_129 = arith.constant 0 : i32
        %dma_start3A_130 = arith.constant 0 : i32
        %dma_start3A_131 = tpu.memref_slice %arg2[%dma_start3A_129, %dma_start3A_130] : memref<10112x64xf32, #tpu.memory_space<hbm>> -> memref<10112x64xf32, #tpu.memory_space<hbm>>
        tpu.enqueue_indirect_dma source(%dma_start3A_131 : memref<10112x64xf32, #tpu.memory_space<hbm>>) target(%arg10 : memref<128x64xf32, #tpu.memory_space<vmem>>) offsets(%dma_start3A_128 : memref<128xi32, #tpu.memory_space<vmem>>) semaphore(%arg14 : memref<!tpu.dma_semaphore, #tpu.memory_space<semaphore_mem>>)
        %add3A_132 = arith.constant 2 : i32
        %add3A_133 = arith.addi %mul3A_38, %add3A_132 : i32
        %dma_wait3A_134 = arith.constant 0 : i32
        %dma_wait3A_135 = tpu.memref_slice %arg8[%add3A_133, %dma_wait3A_134] : memref<80x128xi32, #tpu.memory_space<vmem>> -> memref<1x128xi32, #tpu.memory_space<vmem>>
        %dma_wait3A_136 = tpu.memref_squeeze %dma_wait3A_135 : memref<1x128xi32, #tpu.memory_space<vmem>> -> memref<128xi32, #tpu.memory_space<vmem>>
        %dma_wait3A_137 = arith.constant 0 : i32
        %dma_wait3A_138 = arith.constant 0 : i32
        %dma_wait3A_139 = tpu.memref_slice %arg6[%dma_wait3A_137, %dma_wait3A_138] : memref<10112x64xf32, #tpu.memory_space<vmem_shared>> -> memref<10112x64xf32, #tpu.memory_space<vmem_shared>>
        tpu.wait_indirect_dma semaphore(%arg19 : memref<!tpu.dma_semaphore, #tpu.memory_space<semaphore_mem>>) src(%arg11 : memref<128x64xf32, #tpu.memory_space<vmem>>) dst(%dma_wait3A_139 : memref<10112x64xf32, #tpu.memory_space<vmem_shared>>)
        %add3A_140 = arith.constant 4 : i32
        %add3A_141 = arith.addi %add3A_133, %add3A_140 : i32
        %dma_start3A_142 = arith.constant 0 : i32
        %dma_start3A_143 = tpu.memref_slice %arg7[%add3A_141, %dma_start3A_142] : memref<80x128xi32, #tpu.memory_space<vmem>> -> memref<1x128xi32, #tpu.memory_space<vmem>>
        %dma_start3A_144 = tpu.memref_squeeze %dma_start3A_143 : memref<1x128xi32, #tpu.memory_space<vmem>> -> memref<128xi32, #tpu.memory_space<vmem>>
        %dma_start3A_145 = arith.constant 0 : i32
        %dma_start3A_146 = arith.constant 0 : i32
        %dma_start3A_147 = tpu.memref_slice %arg2[%dma_start3A_145, %dma_start3A_146] : memref<10112x64xf32, #tpu.memory_space<hbm>> -> memref<10112x64xf32, #tpu.memory_space<hbm>>
        tpu.enqueue_indirect_dma source(%dma_start3A_147 : memref<10112x64xf32, #tpu.memory_space<hbm>>) target(%arg11 : memref<128x64xf32, #tpu.memory_space<vmem>>) offsets(%dma_start3A_144 : memref<128xi32, #tpu.memory_space<vmem>>) semaphore(%arg15 : memref<!tpu.dma_semaphore, #tpu.memory_space<semaphore_mem>>)
        %add3A_148 = arith.constant 3 : i32
        %add3A_149 = arith.addi %mul3A_38, %add3A_148 : i32
        %dma_wait3A_150 = arith.constant 0 : i32
        %dma_wait3A_151 = tpu.memref_slice %arg8[%add3A_149, %dma_wait3A_150] : memref<80x128xi32, #tpu.memory_space<vmem>> -> memref<1x128xi32, #tpu.memory_space<vmem>>
        %dma_wait3A_152 = tpu.memref_squeeze %dma_wait3A_151 : memref<1x128xi32, #tpu.memory_space<vmem>> -> memref<128xi32, #tpu.memory_space<vmem>>
        %dma_wait3A_153 = arith.constant 0 : i32
        %dma_wait3A_154 = arith.constant 0 : i32
        %dma_wait3A_155 = tpu.memref_slice %arg6[%dma_wait3A_153, %dma_wait3A_154] : memref<10112x64xf32, #tpu.memory_space<vmem_shared>> -> memref<10112x64xf32, #tpu.memory_space<vmem_shared>>
        tpu.wait_indirect_dma semaphore(%arg20 : memref<!tpu.dma_semaphore, #tpu.memory_space<semaphore_mem>>) src(%arg12 : memref<128x64xf32, #tpu.memory_space<vmem>>) dst(%dma_wait3A_155 : memref<10112x64xf32, #tpu.memory_space<vmem_shared>>)
        %add3A_156 = arith.constant 4 : i32
        %add3A_157 = arith.addi %add3A_149, %add3A_156 : i32
        %dma_start3A_158 = arith.constant 0 : i32
        %dma_start3A_159 = tpu.memref_slice %arg7[%add3A_157, %dma_start3A_158] : memref<80x128xi32, #tpu.memory_space<vmem>> -> memref<1x128xi32, #tpu.memory_space<vmem>>
        %dma_start3A_160 = tpu.memref_squeeze %dma_start3A_159 : memref<1x128xi32, #tpu.memory_space<vmem>> -> memref<128xi32, #tpu.memory_space<vmem>>
        %dma_start3A_161 = arith.constant 0 : i32
        %dma_start3A_162 = arith.constant 0 : i32
        %dma_start3A_163 = tpu.memref_slice %arg2[%dma_start3A_161, %dma_start3A_162] : memref<10112x64xf32, #tpu.memory_space<hbm>> -> memref<10112x64xf32, #tpu.memory_space<hbm>>
        tpu.enqueue_indirect_dma source(%dma_start3A_163 : memref<10112x64xf32, #tpu.memory_space<hbm>>) target(%arg12 : memref<128x64xf32, #tpu.memory_space<vmem>>) offsets(%dma_start3A_160 : memref<128xi32, #tpu.memory_space<vmem>>) semaphore(%arg16 : memref<!tpu.dma_semaphore, #tpu.memory_space<semaphore_mem>>)
      } else {
      }
      %eq3A = arith.constant 19 : i32
      %eq3A_96 = arith.cmpi eq, %scan3A_36, %eq3A : i32
      %convert_element_type3A_97 = arith.extui %eq3A_96 : i1 to i32
      %cond3A_98 = arith.constant 0 : i32
      %cond3A_99 = arith.cmpi ne, %convert_element_type3A_97, %cond3A_98 : i32
      scf.if %cond3A_99 {
        %add3A_100 = arith.constant 0 : i32
        %add3A_101 = arith.addi %mul3A_38, %add3A_100 : i32
        %dma_wait3A_102 = arith.constant 0 : i32
        %dma_wait3A_103 = tpu.memref_slice %arg8[%add3A_101, %dma_wait3A_102] : memref<80x128xi32, #tpu.memory_space<vmem>> -> memref<1x128xi32, #tpu.memory_space<vmem>>
        %dma_wait3A_104 = tpu.memref_squeeze %dma_wait3A_103 : memref<1x128xi32, #tpu.memory_space<vmem>> -> memref<128xi32, #tpu.memory_space<vmem>>
        %dma_wait3A_105 = arith.constant 0 : i32
        %dma_wait3A_106 = arith.constant 0 : i32
        %dma_wait3A_107 = tpu.memref_slice %arg6[%dma_wait3A_105, %dma_wait3A_106] : memref<10112x64xf32, #tpu.memory_space<vmem_shared>> -> memref<10112x64xf32, #tpu.memory_space<vmem_shared>>
        tpu.wait_indirect_dma semaphore(%arg17 : memref<!tpu.dma_semaphore, #tpu.memory_space<semaphore_mem>>) src(%arg9 : memref<128x64xf32, #tpu.memory_space<vmem>>) dst(%dma_wait3A_107 : memref<10112x64xf32, #tpu.memory_space<vmem_shared>>)
        %add3A_108 = arith.constant 1 : i32
        %add3A_109 = arith.addi %mul3A_38, %add3A_108 : i32
        %dma_wait3A_110 = arith.constant 0 : i32
        %dma_wait3A_111 = tpu.memref_slice %arg8[%add3A_109, %dma_wait3A_110] : memref<80x128xi32, #tpu.memory_space<vmem>> -> memref<1x128xi32, #tpu.memory_space<vmem>>
        %dma_wait3A_112 = tpu.memref_squeeze %dma_wait3A_111 : memref<1x128xi32, #tpu.memory_space<vmem>> -> memref<128xi32, #tpu.memory_space<vmem>>
        %dma_wait3A_113 = arith.constant 0 : i32
        %dma_wait3A_114 = arith.constant 0 : i32
        %dma_wait3A_115 = tpu.memref_slice %arg6[%dma_wait3A_113, %dma_wait3A_114] : memref<10112x64xf32, #tpu.memory_space<vmem_shared>> -> memref<10112x64xf32, #tpu.memory_space<vmem_shared>>
        tpu.wait_indirect_dma semaphore(%arg18 : memref<!tpu.dma_semaphore, #tpu.memory_space<semaphore_mem>>) src(%arg10 : memref<128x64xf32, #tpu.memory_space<vmem>>) dst(%dma_wait3A_115 : memref<10112x64xf32, #tpu.memory_space<vmem_shared>>)
        %add3A_116 = arith.constant 2 : i32
        %add3A_117 = arith.addi %mul3A_38, %add3A_116 : i32
        %dma_wait3A_118 = arith.constant 0 : i32
        %dma_wait3A_119 = tpu.memref_slice %arg8[%add3A_117, %dma_wait3A_118] : memref<80x128xi32, #tpu.memory_space<vmem>> -> memref<1x128xi32, #tpu.memory_space<vmem>>
        %dma_wait3A_120 = tpu.memref_squeeze %dma_wait3A_119 : memref<1x128xi32, #tpu.memory_space<vmem>> -> memref<128xi32, #tpu.memory_space<vmem>>
        %dma_wait3A_121 = arith.constant 0 : i32
        %dma_wait3A_122 = arith.constant 0 : i32
        %dma_wait3A_123 = tpu.memref_slice %arg6[%dma_wait3A_121, %dma_wait3A_122] : memref<10112x64xf32, #tpu.memory_space<vmem_shared>> -> memref<10112x64xf32, #tpu.memory_space<vmem_shared>>
        tpu.wait_indirect_dma semaphore(%arg19 : memref<!tpu.dma_semaphore, #tpu.memory_space<semaphore_mem>>) src(%arg11 : memref<128x64xf32, #tpu.memory_space<vmem>>) dst(%dma_wait3A_123 : memref<10112x64xf32, #tpu.memory_space<vmem_shared>>)
        %add3A_124 = arith.constant 3 : i32
        %add3A_125 = arith.addi %mul3A_38, %add3A_124 : i32
        %dma_wait3A_126 = arith.constant 0 : i32
        %dma_wait3A_127 = tpu.memref_slice %arg8[%add3A_125, %dma_wait3A_126] : memref<80x128xi32, #tpu.memory_space<vmem>> -> memref<1x128xi32, #tpu.memory_space<vmem>>
        %dma_wait3A_128 = tpu.memref_squeeze %dma_wait3A_127 : memref<1x128xi32, #tpu.memory_space<vmem>> -> memref<128xi32, #tpu.memory_space<vmem>>
        %dma_wait3A_129 = arith.constant 0 : i32
        %dma_wait3A_130 = arith.constant 0 : i32
        %dma_wait3A_131 = tpu.memref_slice %arg6[%dma_wait3A_129, %dma_wait3A_130] : memref<10112x64xf32, #tpu.memory_space<vmem_shared>> -> memref<10112x64xf32, #tpu.memory_space<vmem_shared>>
        tpu.wait_indirect_dma semaphore(%arg20 : memref<!tpu.dma_semaphore, #tpu.memory_space<semaphore_mem>>) src(%arg12 : memref<128x64xf32, #tpu.memory_space<vmem>>) dst(%dma_wait3A_131 : memref<10112x64xf32, #tpu.memory_space<vmem_shared>>)
      } else {
      }
    }
    %scan3A_34 = arith.constant 20 : i32
    %barrier3A_35 = arith.constant 0 : index
    tpu.barrier barrier_id(%barrier3A_35)
    "tpu.region"() ({
      %run_scoped3A = tpu.sem_alloc : memref<!tpu.dma_semaphore, #tpu.memory_space<semaphore_mem>>
      %dma_start3A_36 = arith.constant 0 : i32
      %dma_start3A_37 = arith.constant 0 : i32
      %dma_start3A_38 = tpu.memref_slice %arg5[%arg0, %dma_start3A_36, %dma_start3A_37] : memref<2x10112x64xf32, #tpu.memory_space<hbm>> -> memref<1x10112x64xf32, #tpu.memory_space<hbm>>
      %dma_start3A_39 = tpu.memref_squeeze %dma_start3A_38 : memref<1x10112x64xf32, #tpu.memory_space<hbm>> -> memref<10112x64xf32, #tpu.memory_space<hbm>>
      %dma_start3A_40 = arith.constant 0 : i32
      %dma_start3A_41 = tpu.memref_slice %dma_start3A_39[%mul3A_2, %dma_start3A_40] : memref<10112x64xf32, #tpu.memory_space<hbm>> -> memref<632x64xf32, #tpu.memory_space<hbm>>
      %dma_start3A_42 = arith.constant 0 : i32
      %dma_start3A_43 = tpu.memref_slice %arg6[%mul3A_2, %dma_start3A_42] : memref<10112x64xf32, #tpu.memory_space<vmem_shared>> -> memref<632x64xf32, #tpu.memory_space<vmem_shared>>
      tpu.enqueue_dma source(%dma_start3A_43 : memref<632x64xf32, #tpu.memory_space<vmem_shared>>) target(%dma_start3A_41 : memref<632x64xf32, #tpu.memory_space<hbm>>) target_semaphore(%run_scoped3A : memref<!tpu.dma_semaphore, #tpu.memory_space<semaphore_mem>>)
      %dma_wait3A = arith.constant 0 : i32
      %dma_wait3A_44 = arith.constant 0 : i32
      %dma_wait3A_45 = tpu.memref_slice %arg5[%arg0, %dma_wait3A, %dma_wait3A_44] : memref<2x10112x64xf32, #tpu.memory_space<hbm>> -> memref<1x10112x64xf32, #tpu.memory_space<hbm>>
      %dma_wait3A_46 = tpu.memref_squeeze %dma_wait3A_45 : memref<1x10112x64xf32, #tpu.memory_space<hbm>> -> memref<10112x64xf32, #tpu.memory_space<hbm>>
      %dma_wait3A_47 = arith.constant 0 : i32
      %dma_wait3A_48 = tpu.memref_slice %dma_wait3A_46[%mul3A_2, %dma_wait3A_47] : memref<10112x64xf32, #tpu.memory_space<hbm>> -> memref<632x64xf32, #tpu.memory_space<hbm>>
      %dma_wait3A_49 = arith.constant 0 : i32
      %dma_wait3A_50 = tpu.memref_slice %arg6[%mul3A_2, %dma_wait3A_49] : memref<10112x64xf32, #tpu.memory_space<vmem_shared>> -> memref<632x64xf32, #tpu.memory_space<vmem_shared>>
      tpu.wait_dma2 semaphore(%run_scoped3A : memref<!tpu.dma_semaphore, #tpu.memory_space<semaphore_mem>>) src(%dma_wait3A_50 : memref<632x64xf32, #tpu.memory_space<vmem_shared>>) dst(%dma_wait3A_48 : memref<632x64xf32, #tpu.memory_space<hbm>>)
      tpu.yield
    }) : () -> ()
    return
  }
}

module attributes {stable_mosaic.version = 14 : i64} {
  func.func @_tc_first(%arg0: memref<10112x128xf32, #tpu.memory_space<vmem>>, %arg1: memref<128x64xf32, #tpu.memory_space<vmem>>, %arg2: memref<10112x32xf32, #tpu.memory_space<vmem>>, %arg3: memref<10112x64xf32, #tpu.memory_space<vmem>>, %arg4: memref<10112x1xf32, #tpu.memory_space<vmem>>) attributes {dimension_semantics = [], scalar_prefetch = 0 : i64, scratch_operands = 0 : i64, tpu.core_type = #tpu.core_type<tc>} {
    %get3A = arith.constant 0 : index
    %get3A_0 = arith.constant 0 : index
    %get3A_1 = vector.load %arg2[%get3A, %get3A_0] : memref<10112x32xf32, #tpu.memory_space<vmem>>, vector<10112x32xf32>
    %reduce_sum3A = arith.constant dense<0.000000e+00> : vector<10112xf32>
    %reduce_sum3A_2 = vector.multi_reduction <add>, %get3A_1, %reduce_sum3A [1] : vector<10112x32xf32> to vector<10112xf32>
    %broadcast_in_dim3A = vector.shape_cast %reduce_sum3A_2 : vector<10112xf32> to vector<10112x1xf32>
    %add3A = arith.constant 1.000000e+00 : f32
    %add3A_3 = vector.broadcast %add3A : f32 to vector<10112x1xf32>
    %add3A_4 = arith.addf %broadcast_in_dim3A, %add3A_3 : vector<10112x1xf32>
    %rsqrt3A = math.rsqrt %add3A_4 : vector<10112x1xf32>
    %swap3A = arith.constant 0 : index
    %swap3A_5 = arith.constant 0 : index
    %swap3A_6 = vector.load %arg4[%swap3A, %swap3A_5] : memref<10112x1xf32, #tpu.memory_space<vmem>>, vector<10112x1xf32>
    tpu.vector_store %arg4[%swap3A, %swap3A_5], %rsqrt3A {strides = array<i32>} : memref<10112x1xf32, #tpu.memory_space<vmem>>, vector<10112x1xf32>,
    %get3A_7 = arith.constant 0 : index
    %get3A_8 = arith.constant 0 : index
    %get3A_9 = vector.load %arg0[%get3A_7, %get3A_8] : memref<10112x128xf32, #tpu.memory_space<vmem>>, vector<10112x128xf32>
    %get3A_10 = arith.constant 0 : index
    %get3A_11 = arith.constant 0 : index
    %get3A_12 = vector.load %arg1[%get3A_10, %get3A_11] : memref<128x64xf32, #tpu.memory_space<vmem>>, vector<128x64xf32>
    %dot_general3A = arith.constant dense<0.000000e+00> : vector<10112x64xf32>
    %dot_general3A_13 = tpu.matmul %get3A_9, %get3A_12, %dot_general3A {dimension_numbers = #tpu.dot_dimension_numbers<[1], [0], [0], [1], [0, 0, 1, 1], [], []>, transpose_lhs_hint = false} : vector<10112x128xf32>, vector<128x64xf32>, vector<10112x64xf32> -> vector<10112x64xf32>
    %mul3A = vector.broadcast %rsqrt3A : vector<10112x1xf32> to vector<10112x64xf32>
    %mul3A_14 = arith.mulf %mul3A, %dot_general3A_13 : vector<10112x64xf32>
    %swap3A_15 = arith.constant 0 : index
    %swap3A_16 = arith.constant 0 : index
    %swap3A_17 = vector.load %arg3[%swap3A_15, %swap3A_16] : memref<10112x64xf32, #tpu.memory_space<vmem>>, vector<10112x64xf32>
    tpu.vector_store %arg3[%swap3A_15, %swap3A_16], %mul3A_14 {strides = array<i32>} : memref<10112x64xf32, #tpu.memory_space<vmem>>, vector<10112x64xf32>,
    return
  }
}

module attributes {stable_mosaic.version = 14 : i64} {
  func.func @_tc_mid(%arg0: memref<10112x64xf32, #tpu.memory_space<vmem>>, %arg1: memref<10112x64xf32, #tpu.memory_space<vmem>>, %arg2: memref<10112x64xf32, #tpu.memory_space<vmem>>, %arg3: memref<10112x1xf32, #tpu.memory_space<vmem>>, %arg4: memref<1x64xf32, #tpu.memory_space<vmem>>, %arg5: memref<64x64xf32, #tpu.memory_space<vmem>>, %arg6: memref<10112x64xf32, #tpu.memory_space<vmem>>) attributes {dimension_semantics = [], scalar_prefetch = 0 : i64, scratch_operands = 0 : i64, tpu.core_type = #tpu.core_type<tc>} {
    %get3A = arith.constant 0 : index
    %get3A_0 = arith.constant 0 : index
    %get3A_1 = vector.load %arg0[%get3A, %get3A_0] : memref<10112x64xf32, #tpu.memory_space<vmem>>, vector<10112x64xf32>
    %get3A_2 = arith.constant 0 : index
    %get3A_3 = arith.constant 0 : index
    %get3A_4 = vector.load %arg1[%get3A_2, %get3A_3] : memref<10112x64xf32, #tpu.memory_space<vmem>>, vector<10112x64xf32>
    %add3A = arith.addf %get3A_1, %get3A_4 : vector<10112x64xf32>
    %get3A_5 = arith.constant 0 : index
    %get3A_6 = arith.constant 0 : index
    %get3A_7 = vector.load %arg2[%get3A_5, %get3A_6] : memref<10112x64xf32, #tpu.memory_space<vmem>>, vector<10112x64xf32>
    %sub3A = arith.subf %add3A, %get3A_7 : vector<10112x64xf32>
    %get3A_8 = arith.constant 0 : index
    %get3A_9 = arith.constant 0 : index
    %get3A_10 = vector.load %arg3[%get3A_8, %get3A_9] : memref<10112x1xf32, #tpu.memory_space<vmem>>, vector<10112x1xf32>
    %mul3A = vector.broadcast %get3A_10 : vector<10112x1xf32> to vector<10112x64xf32>
    %mul3A_11 = arith.mulf %mul3A, %sub3A : vector<10112x64xf32>
    %get3A_12 = arith.constant 0 : index
    %get3A_13 = arith.constant 0 : index
    %get3A_14 = vector.load %arg4[%get3A_12, %get3A_13] : memref<1x64xf32, #tpu.memory_space<vmem>>, vector<1x64xf32>
    %add3A_15 = vector.broadcast %get3A_14 : vector<1x64xf32> to vector<10112x64xf32>
    %add3A_16 = arith.addf %mul3A_11, %add3A_15 : vector<10112x64xf32>
    %max3A = arith.constant 0.000000e+00 : f32
    %max3A_17 = vector.broadcast %max3A : f32 to vector<10112x64xf32>
    %max3A_18 = arith.maximumf %add3A_16, %max3A_17 : vector<10112x64xf32>
    %get3A_19 = arith.constant 0 : index
    %get3A_20 = arith.constant 0 : index
    %get3A_21 = vector.load %arg3[%get3A_19, %get3A_20] : memref<10112x1xf32, #tpu.memory_space<vmem>>, vector<10112x1xf32>
    %get3A_22 = arith.constant 0 : index
    %get3A_23 = arith.constant 0 : index
    %get3A_24 = vector.load %arg5[%get3A_22, %get3A_23] : memref<64x64xf32, #tpu.memory_space<vmem>>, vector<64x64xf32>
    %dot_general3A = arith.constant dense<0.000000e+00> : vector<10112x64xf32>
    %dot_general3A_25 = tpu.matmul %max3A_18, %get3A_24, %dot_general3A {dimension_numbers = #tpu.dot_dimension_numbers<[1], [0], [0], [1], [0, 0, 1, 1], [], []>, transpose_lhs_hint = false} : vector<10112x64xf32>, vector<64x64xf32>, vector<10112x64xf32> -> vector<10112x64xf32>
    %mul3A_26 = vector.broadcast %get3A_21 : vector<10112x1xf32> to vector<10112x64xf32>
    %mul3A_27 = arith.mulf %mul3A_26, %dot_general3A_25 : vector<10112x64xf32>
    %swap3A = arith.constant 0 : index
    %swap3A_28 = arith.constant 0 : index
    %swap3A_29 = vector.load %arg6[%swap3A, %swap3A_28] : memref<10112x64xf32, #tpu.memory_space<vmem>>, vector<10112x64xf32>
    tpu.vector_store %arg6[%swap3A, %swap3A_28], %mul3A_27 {strides = array<i32>} : memref<10112x64xf32, #tpu.memory_space<vmem>>, vector<10112x64xf32>,
    return
  }
}

module attributes {stable_mosaic.version = 14 : i64} {
  func.func @_tc_mid(%arg0: memref<10112x64xf32, #tpu.memory_space<vmem>>, %arg1: memref<10112x64xf32, #tpu.memory_space<vmem>>, %arg2: memref<10112x64xf32, #tpu.memory_space<vmem>>, %arg3: memref<10112x1xf32, #tpu.memory_space<vmem>>, %arg4: memref<1x64xf32, #tpu.memory_space<vmem>>, %arg5: memref<64x32xf32, #tpu.memory_space<vmem>>, %arg6: memref<10112x32xf32, #tpu.memory_space<vmem>>) attributes {dimension_semantics = [], scalar_prefetch = 0 : i64, scratch_operands = 0 : i64, tpu.core_type = #tpu.core_type<tc>} {
    %get3A = arith.constant 0 : index
    %get3A_0 = arith.constant 0 : index
    %get3A_1 = vector.load %arg0[%get3A, %get3A_0] : memref<10112x64xf32, #tpu.memory_space<vmem>>, vector<10112x64xf32>
    %get3A_2 = arith.constant 0 : index
    %get3A_3 = arith.constant 0 : index
    %get3A_4 = vector.load %arg1[%get3A_2, %get3A_3] : memref<10112x64xf32, #tpu.memory_space<vmem>>, vector<10112x64xf32>
    %add3A = arith.addf %get3A_1, %get3A_4 : vector<10112x64xf32>
    %get3A_5 = arith.constant 0 : index
    %get3A_6 = arith.constant 0 : index
    %get3A_7 = vector.load %arg2[%get3A_5, %get3A_6] : memref<10112x64xf32, #tpu.memory_space<vmem>>, vector<10112x64xf32>
    %sub3A = arith.subf %add3A, %get3A_7 : vector<10112x64xf32>
    %get3A_8 = arith.constant 0 : index
    %get3A_9 = arith.constant 0 : index
    %get3A_10 = vector.load %arg3[%get3A_8, %get3A_9] : memref<10112x1xf32, #tpu.memory_space<vmem>>, vector<10112x1xf32>
    %mul3A = vector.broadcast %get3A_10 : vector<10112x1xf32> to vector<10112x64xf32>
    %mul3A_11 = arith.mulf %mul3A, %sub3A : vector<10112x64xf32>
    %get3A_12 = arith.constant 0 : index
    %get3A_13 = arith.constant 0 : index
    %get3A_14 = vector.load %arg4[%get3A_12, %get3A_13] : memref<1x64xf32, #tpu.memory_space<vmem>>, vector<1x64xf32>
    %add3A_15 = vector.broadcast %get3A_14 : vector<1x64xf32> to vector<10112x64xf32>
    %add3A_16 = arith.addf %mul3A_11, %add3A_15 : vector<10112x64xf32>
    %max3A = arith.constant 0.000000e+00 : f32
    %max3A_17 = vector.broadcast %max3A : f32 to vector<10112x64xf32>
    %max3A_18 = arith.maximumf %add3A_16, %max3A_17 : vector<10112x64xf32>
    %get3A_19 = arith.constant 0 : index
    %get3A_20 = arith.constant 0 : index
    %get3A_21 = vector.load %arg3[%get3A_19, %get3A_20] : memref<10112x1xf32, #tpu.memory_space<vmem>>, vector<10112x1xf32>
    %get3A_22 = arith.constant 0 : index
    %get3A_23 = arith.constant 0 : index
    %get3A_24 = vector.load %arg5[%get3A_22, %get3A_23] : memref<64x32xf32, #tpu.memory_space<vmem>>, vector<64x32xf32>
    %dot_general3A = arith.constant dense<0.000000e+00> : vector<10112x32xf32>
    %dot_general3A_25 = tpu.matmul %max3A_18, %get3A_24, %dot_general3A {dimension_numbers = #tpu.dot_dimension_numbers<[1], [0], [0], [1], [0, 0, 1, 1], [], []>, transpose_lhs_hint = false} : vector<10112x64xf32>, vector<64x32xf32>, vector<10112x32xf32> -> vector<10112x32xf32>
    %mul3A_26 = vector.broadcast %get3A_21 : vector<10112x1xf32> to vector<10112x32xf32>
    %mul3A_27 = arith.mulf %mul3A_26, %dot_general3A_25 : vector<10112x32xf32>
    %swap3A = arith.constant 0 : index
    %swap3A_28 = arith.constant 0 : index
    %swap3A_29 = vector.load %arg6[%swap3A, %swap3A_28] : memref<10112x32xf32, #tpu.memory_space<vmem>>, vector<10112x32xf32>
    tpu.vector_store %arg6[%swap3A, %swap3A_28], %mul3A_27 {strides = array<i32>} : memref<10112x32xf32, #tpu.memory_space<vmem>>, vector<10112x32xf32>,
    return
  }
}

module attributes {stable_mosaic.version = 14 : i64} {
  func.func @_tc_final(%arg0: memref<10112x32xf32, #tpu.memory_space<vmem>>, %arg1: memref<10112x32xf32, #tpu.memory_space<vmem>>, %arg2: memref<10112x32xf32, #tpu.memory_space<vmem>>, %arg3: memref<10112x1xf32, #tpu.memory_space<vmem>>, %arg4: memref<1x32xf32, #tpu.memory_space<vmem>>, %arg5: memref<1x10112xi32, #tpu.memory_space<vmem>>, %arg6: memref<16x32xf32, #tpu.memory_space<vmem>>) attributes {dimension_semantics = [], scalar_prefetch = 0 : i64, scratch_operands = 0 : i64, tpu.core_type = #tpu.core_type<tc>} {
    %get3A = arith.constant 0 : index
    %get3A_0 = arith.constant 0 : index
    %get3A_1 = vector.load %arg0[%get3A, %get3A_0] : memref<10112x32xf32, #tpu.memory_space<vmem>>, vector<10112x32xf32>
    %get3A_2 = arith.constant 0 : index
    %get3A_3 = arith.constant 0 : index
    %get3A_4 = vector.load %arg1[%get3A_2, %get3A_3] : memref<10112x32xf32, #tpu.memory_space<vmem>>, vector<10112x32xf32>
    %add3A = arith.addf %get3A_1, %get3A_4 : vector<10112x32xf32>
    %get3A_5 = arith.constant 0 : index
    %get3A_6 = arith.constant 0 : index
    %get3A_7 = vector.load %arg2[%get3A_5, %get3A_6] : memref<10112x32xf32, #tpu.memory_space<vmem>>, vector<10112x32xf32>
    %sub3A = arith.subf %add3A, %get3A_7 : vector<10112x32xf32>
    %get3A_8 = arith.constant 0 : index
    %get3A_9 = arith.constant 0 : index
    %get3A_10 = vector.load %arg3[%get3A_8, %get3A_9] : memref<10112x1xf32, #tpu.memory_space<vmem>>, vector<10112x1xf32>
    %mul3A = vector.broadcast %get3A_10 : vector<10112x1xf32> to vector<10112x32xf32>
    %mul3A_11 = arith.mulf %mul3A, %sub3A : vector<10112x32xf32>
    %get3A_12 = arith.constant 0 : index
    %get3A_13 = arith.constant 0 : index
    %get3A_14 = vector.load %arg4[%get3A_12, %get3A_13] : memref<1x32xf32, #tpu.memory_space<vmem>>, vector<1x32xf32>
    %add3A_15 = vector.broadcast %get3A_14 : vector<1x32xf32> to vector<10112x32xf32>
    %add3A_16 = arith.addf %mul3A_11, %add3A_15 : vector<10112x32xf32>
    %iota3A = tpu.iota {dimensions = array<i32: 0>} : vector<16x10112xi32>
    %get3A_17 = arith.constant 0 : index
    %get3A_18 = arith.constant 0 : index
    %get3A_19 = vector.load %arg5[%get3A_17, %get3A_18] : memref<1x10112xi32, #tpu.memory_space<vmem>>, vector<1x10112xi32>
    %eq3A = vector.broadcast %get3A_19 : vector<1x10112xi32> to vector<16x10112xi32>
    %eq3A_20 = arith.cmpi eq, %eq3A, %iota3A : vector<16x10112xi32>
    %convert_element_type3A = arith.extui %eq3A_20 : vector<16x10112xi1> to vector<16x10112xi32>
    %convert_element_type3A_21 = arith.sitofp %convert_element_type3A : vector<16x10112xi32> to vector<16x10112xf32>
    %dot_general3A = arith.constant dense<0.000000e+00> : vector<16x32xf32>
    %dot_general3A_22 = tpu.matmul %convert_element_type3A_21, %add3A_16, %dot_general3A {dimension_numbers = #tpu.dot_dimension_numbers<[1], [0], [0], [1], [0, 0, 1, 1], [], []>, transpose_lhs_hint = false} : vector<16x10112xf32>, vector<10112x32xf32>, vector<16x32xf32> -> vector<16x32xf32>
    %reduce_sum3A = arith.constant dense<0.000000e+00> : vector<16xf32>
    %reduce_sum3A_23 = vector.multi_reduction <add>, %convert_element_type3A_21, %reduce_sum3A [1] : vector<16x10112xf32> to vector<16xf32>
    %broadcast_in_dim3A = vector.shape_cast %reduce_sum3A_23 : vector<16xf32> to vector<16x1xf32>
    %max3A = arith.constant 1.000000e+00 : f32
    %max3A_24 = vector.broadcast %max3A : f32 to vector<16x1xf32>
    %max3A_25 = arith.maximumf %broadcast_in_dim3A, %max3A_24 : vector<16x1xf32>
    %div3A = vector.broadcast %max3A_25 : vector<16x1xf32> to vector<16x32xf32>
    %div3A_26 = arith.divf %dot_general3A_22, %div3A : vector<16x32xf32>
    %swap3A = arith.constant 0 : index
    %swap3A_27 = arith.constant 0 : index
    %swap3A_28 = vector.load %arg6[%swap3A, %swap3A_27] : memref<16x32xf32, #tpu.memory_space<vmem>>, vector<16x32xf32>
    tpu.vector_store %arg6[%swap3A, %swap3A_27], %div3A_26 {strides = array<i32>} : memref<16x32xf32, #tpu.memory_space<vmem>>, vector<16x32xf32>,
    return
  }
}

</mosaic_0001>

<sc_bundles>
// kernel: kernel.10.cloned.1.call-start
scs
__scs_entry_jumppad:
0x0: {  	(pc) =	sbr.rel $0x88, $3  }
0x1: {  	(tag) =	ssettag $0x0;
	lr =	simm.s32 $0x1  }
0x2: {  	[smem:$0x3F98] =	sst lr;
	_ =	strace $0xD0000000  }
0x3: {  	_ = 	snop  }
0x4: {  	_ = 	snop  }
0x5: {  	_ = 	snop  }
0x6: {  	_ = 	snop  }
0x7: {  	_ = 	snop  }
__scs_overlays_trampoline_lowered:
0x8: {  	[smem:$0x3FA7] =	sst s0  }
0x9: {  	[smem:$0x3FA8] =	sst s1  }
0xa: {  	[smem:$0x3FA9] =	sst s2  }
0xb: {  	[smem:$0x3FAA] =	sst s3  }
0xc: {  	[smem:$0x3FAB] =	sst s4  }
0xd: {  	[smem:$0x3FAC] =	sst s5  }
0xe: {  	[smem:$0x3FAD] =	sst s6  }
0xf: {  	[smem:$0x3FAE] =	sst s7  }
0x10: {  	[smem:$0x3FAF] =	sst s8  }
0x11: {  	[smem:$0x3FB0] =	sst s9;
	s0 =	simm.s32 @!p0 $0x0  }
0x12: {  	s1 =	sld [smem:$0x3F96];
	s0 =	simm.s32 @p0 $0x1  }
0x13: {  	[smem:$0x3FB1] =	sst s0;
	s0 =	simm.s32 @!p1 $0x0  }
0x14: {  	s2 =	sld [smem:$0x3F95];
	s0 =	simm.s32 @p1 $0x1  }
0x15: {  	[smem:$0x3FB2] =	sst s0;
	s0 =	simm.s32 @!p2 $0x0  }
0x16: {  	s3 =	sld [smem:$0x3FDB];
	s0 =	simm.s32 @p2 $0x1  }
0x17: {  	s4 =	simm.s32 $0x1BF5;
	[smem:$0x3FB4] =	sst s0  }
0x18: {  	s0 =	sld [smem:$0x3F97];
	_ =	swait.ge [sflag:s4], $0x0  }
0x19: {  	s7 =	sld [smem:$0x3F98]  }
0x1a: {  	s8 =	sadd.s32 $0xFFFFE003, lr  }
0x1b: {  	s9 =	sadd.s32 $0xFFFFFEF7, lr;
	s5 =	simm.s32 $0xFFFFFFFF;
	p2 =	slt.u32 s8, $0xFFFFF086  }
0x1c: {  	p1 =	slt.u32 s9, $0xF7A;
	s5 =	simm.s32 @!p2 $0x0  }
0x1d: {  	s5 =	simm.s32 @p1 $0x1;
	p0 =	seq.s32 s7, s2  }
0x1e: {  	s7 =	smul.u32 @!p0 $0xF7A, s2;
	p2 =	seq.s32 @!p0 s5, $0x0  }
0x1f: {  	s9 =	smul.u32 $0xF7A, s1;
	s8 =	simm.s32 @!p0 $0x1BF5;
	p2 =	por !p2, p0  }
0x20: {  	[sflag:s8] =	ssyncset.s32 @!p0 $0xFFFFF086;
	s6 =	sadd.s32 @!p0 s3, s7;
	s7 =	simm.s32 @!p0 $0x108  }
0x21: {  	s3 =	sadd.s32 s3, s9;
	s6 =	sadd.s32 @!p0 $0x88, s6;
	s7 =	simm.s32 @p2 $0x1082  }
0x22: {  	[simem:s7], [sflag:s8] =	dma.local @!p0 [hbm:s6], $0xF7A  }
0x23: {  	s9 =	sor.u32 $0xD0000000, s2;
	s6 =	simm.s32 $0x108;
	_ =	swait.ge @!p0 [sflag:s8], $0x0  }
0x24: {  	s3 =	sadd.s32 $0x88, s3;
	s6 =	simm.s32 @!p1 $0x1082;
	[sflag:s4] =	ssyncset.s32 $0xFFFFF086  }
0x25: {  	[simem:s6], [sflag:s4] =	dma.local [hbm:s3], $0xF7A  }
0x26: {  	[smem:$0x3F98] =	sst s1;
	(tag) =	ssettag s2;
	_ =	strace s9  }
0x27: {  	s1 =	sld [smem:$0x3FA8]  }
0x28: {  	s2 =	sld [smem:$0x3FA9]  }
0x29: {  	s4 =	sld [smem:$0x3FAB]  }
0x2a: {  	p0 =	seq.s32 s5, $0x0;
	s5 =	sld [smem:$0x3FAC]  }
0x2b: {  	s6 =	sld [smem:$0x3FAD]  }
0x2c: {  	s7 =	sld [smem:$0x3FAE]  }
0x2d: {  	s3 =	simm.s32 $0x108;
	s8 =	sld [smem:$0x3FAF]  }
0x2e: {  	s3 =	simm.s32 @!p0 $0x1082;
	s9 =	sld [smem:$0x3FB0]  }
0x2f: {  	lr =	sadd.s32 s0, s3;
	s0 =	sld [smem:$0x3FA7]  }
0x30: {  	s3 =	sld [smem:$0x3FAA]  }
0x31: {  	[smem:$0x3FB3] =	sst s10  }
0x32: {  	s10 =	sld [smem:$0x3FB1];
	_ =	sdelay $0x3  }
0x33: {  	p0 =	seq.s32 s10, $0x1;
	s10 =	sld [smem:$0x3FB3];
	_ =	sdelay $0x3  }
0x34: {  	[smem:$0x3FB3] =	sst s10  }
0x35: {  	s10 =	sld [smem:$0x3FB2];
	_ =	sdelay $0x3  }
0x36: {  	p1 =	seq.s32 s10, $0x1;
	s10 =	sld [smem:$0x3FB3];
	_ =	sdelay $0x3  }
0x37: {  	[smem:$0x3FB3] =	sst s10  }
0x38: {  	s10 =	sld [smem:$0x3FB4]  }
0x39: {  	_ = 	snop;
	(pc) =	sbr.ind lr, $3  }
0x3a: {  	_ = 	snop  }
0x3b: {  	_ = 	snop  }
0x3c: {  	p2 =	seq.s32 s10, $0x1;
	s10 =	sld [smem:$0x3FB3]  }
0x3d: {  	_ =	shalt  }
0x3e: {  	_ =	shalt  }
0x3f: {  	_ =	shalt  }
0x40: {  	_ =	shalt  }
0x41: {  	_ =	shalt  }
0x42: {  	_ =	shalt  }
0x43: {  	_ =	shalt  }
0x44: {  	_ =	shalt  }
0x45: {  	_ =	shalt  }
0x46: {  	_ =	shalt  }
0x47: {  	_ =	shalt  }
0x48: {  	_ =	shalt  }
0x49: {  	_ =	shalt  }
0x4a: {  	_ =	shalt  }
0x4b: {  	_ =	shalt  }
0x4c: {  	_ =	shalt  }
0x4d: {  	_ =	shalt  }
0x4e: {  	_ =	shalt  }
0x4f: {  	_ =	shalt  }
0x50: {  	_ =	shalt  }
0x51: {  	_ =	shalt  }
0x52: {  	_ =	shalt  }
0x53: {  	_ =	shalt  }
0x54: {  	_ =	shalt  }
0x55: {  	_ =	shalt  }
0x56: {  	_ =	shalt  }
0x57: {  	_ =	shalt  }
0x58: {  	_ =	shalt  }
0x59: {  	_ =	shalt  }
0x5a: {  	_ =	shalt  }
0x5b: {  	_ =	shalt  }
0x5c: {  	_ =	shalt  }
0x5d: {  	_ =	shalt  }
0x5e: {  	_ =	shalt  }
0x5f: {  	_ =	shalt  }
0x60: {  	_ =	shalt  }
0x61: {  	_ =	shalt  }
0x62: {  	_ =	shalt  }
0x63: {  	_ =	shalt  }
0x64: {  	_ =	shalt  }
0x65: {  	_ =	shalt  }
0x66: {  	_ =	shalt  }
0x67: {  	_ =	shalt  }
0x68: {  	_ =	shalt  }
0x69: {  	_ =	shalt  }
0x6a: {  	_ =	shalt  }
0x6b: {  	_ =	shalt  }
0x6c: {  	_ =	shalt  }
0x6d: {  	_ =	shalt  }
0x6e: {  	_ =	shalt  }
0x6f: {  	_ =	shalt  }
0x70: {  	_ =	shalt  }
0x71: {  	_ =	shalt  }
0x72: {  	_ =	shalt  }
0x73: {  	_ =	shalt  }
0x74: {  	_ =	shalt  }
0x75: {  	_ =	shalt  }
0x76: {  	_ =	shalt  }
0x77: {  	_ =	shalt  }
0x78: {  	_ =	shalt  }
0x79: {  	_ =	shalt  }
0x7a: {  	_ =	shalt  }
0x7b: {  	_ =	shalt  }
0x7c: {  	_ =	shalt  }
0x7d: {  	_ =	shalt  }
0x7e: {  	_ =	shalt  }
0x7f: {  	_ =	shalt  }
0x80: {  	_ =	shalt  }
0x81: {  	_ =	shalt  }
0x82: {  	_ =	shalt  }
0x83: {  	_ =	shalt  }
0x84: {  	_ =	shalt  }
0x85: {  	_ =	shalt  }
0x86: {  	_ =	shalt  }
0x87: {  	_ =	shalt  }
.Lfunc_end0:
.L_simem_size_0:
called_computation_lowered:
.L_overlay_start_0:
0x88: {  	s2 =	sld [smem:$0x3FD9]  }
0x89: {  	s3 =	sld [smem:$0x3FFE];
	_ =	sdelay $0x1  }
0x8a: {  	s1 =	srdreg.scid  }
0x8b: {  	s0 =	sand.u32 $0x1, s1  }
0x8c: {  	s16 =	sshll.u32 s0, $0xA;
	s2 =	sadd.s32 s3, s2  }
0x8d: {  	s2 =	sadd.s32 s2, s16  }
0x8e: {  	[smem:$0x3FBF] =	sst s2  }
0x8f: {  	_ = 	snop  }
0x90: {  	(tm) =	ssettm $0x1  }
0x91: {  	s17 =	sld [smem:$0x3FFB];
	_ =	sdelay $0x3  }
0x92: {  	_ =	strace s17  }
0x93: {  	s2 =	sld [smem:$0x3FFC];
	_ =	sdelay $0x3  }
0x94: {  	_ =	strace s2  }
0x95: {  	s2 =	sld [smem:$0x3FFD];
	_ =	sdelay $0x3  }
0x96: {  	_ =	strace s2  }
0x97: {  	_ =	strace $0x8FFFFFFF  }
0x98: {  	s18 =	sld [smem:$0x3FDB];
	_ =	sdelay $0x1  }
0x99: {  	s19 =	simm.s32 $_scs_section_size  }
0x9a: {  	s4 =	simm.s32 $_size__tile_overlayer_lowered;
	s5 =	simm.s32 $_tile_overlayer_lowered  }
0x9b: {  	s22 =	simm.s32 $0x1BFF;
	s21 =	sshll.u32 s5, $0x1;
	s2 =	sadd.s32 s19, s18  }
0x9c: {  	s6 =	simm.s32 $0x0;
	s20 =	sshll.u32 s4, $0x1;
	s4 =	sadd.s32 s21, s2  }
0x9d: {  	[timem:s6], [sflag:s22] =	dma.local [hbm:s4], s20  }
0x9e: {  	_ =	swait.ge [sflag:s22], s20  }
0x9f: {  	s3 =	ssub.s32 $0x0, s20;
	[sflag:s22] =	ssyncset.done $0x0  }
0xa0: {  	[sflag:s22] =	ssyncadd.s32 s3;
	_ =	sdelay $0x1  }
0xa1: {  	s23 =	simm.s32 $0x1B8B  }
0xa2: {  	_ =	swait.ge [sflag:s23], $0x1  }
0xa3: {  	[sflag:s23] =	ssyncset.done $0x0  }
0xa4: {  	s25 =	simm.s32 $0x1B8E;
	s24 =	sld [smem:$0x3FFE];
	[sflag:s23] =	ssyncadd.s32 $0xFFFFFFFF  }
0xa5: {  	s26 =	simm.s32 $execute0_lowered;
	[smem:$0x3FD2] =	sst s25  }
0xa6: {  	s4 =	sshll.u32 s26, $0x1;
	_ =	strace $0x80000046;
	[dreg:$0x1] =	wrdreg $0xFFFFFFFF  }
0xa7: {  	s28 =	simm.s32 $_size_execute0_lowered;
	s2 =	sadd.s32 s2, s4;
	[dreg:$0x0] =	wrdreg $0x0  }
0xa8: {  	s4 =	sshll.u32 s28, $0x1;
	[dreg:$0x2] =	wrdreg s2  }
0xa9: {  	[dreg:$0x3] =	wrdreg s4  }
0xaa: {  	[dreg:$0x4] =	wrdreg $0xC0  }
0xab: {  	_ =	task [dreg:s6], $0x5FFFF  }
0xac: {  	[dreg:$0x1] =	wrdreg $0xFFFFFFFF  }
0xad: {  	[dreg:$0x0] =	wrdreg $0x60  }
0xae: {  	[dreg:$0x2] =	wrdreg s24  }
0xaf: {  	[dreg:$0x3] =	wrdreg $0x9  }
0xb0: {  	_ =	task.clear_ibuf [dreg:s6], $0x4FFFF;
	_ =	strace $0x90000046  }
0xb1: {  	s29 =	simm.s32 $0x9;
	_ =	strace $0x80000048  }
0xb2: {  	_ =	swait.ge [sflag:s29], $0x1  }
0xb3: {  	[sflag:s29] =	ssyncadd.s32 $0xFFFFFFFF  }
0xb4: {  	_ =	strace $0x90000048  }
0xb5: {  	_ =	sfence  }
0xb6: {  	s30 =	sld [smem:$0x0];
	_ =	sdelay $0x2  }
0xb7: {  	s31 =	sshll.u32 s1, $0xD;
	s1 =	sshrl.u32 s1, $0x2  }
0xb8: {  	s3 =	sand.u32 $0x4000, s31;
	s1 =	sadd.s32 s1, s30  }
0xb9: {  	s0 =	sor.u32 s3, s0;
	s1 =	sshll.u32 s1, $0x11  }
0xba: {  	s0 =	sor.u32 s1, s0  }
0xbb: {  	s0 =	sadd.s32 $0x8F2B, s0  }
0xbc: {  	[sflag:s0] =	ssyncadd.remote.s32 $0x1  }
0xbd: {  	_ =	sfence.sel $0xFFFF  }
0xbe: {  	[dreg:$0x0] =	wrdreg $0xFFFFFFFF;
	(pc) =	sbr.abs _section_cstart, $3  }
0xbf: {  	[dreg:$0x1] =	wrdreg $0xFFFFFFFF  }
0xc0: {  	_ =	task.clear_ibuf [dreg:s6], $0x2FFFF;
	_ =	strace $0x9FFFFFFF  }
0xc1: {  	(tm) =	ssettm $0x7FFFFFFF  }
tec
execute0_lowered:
.L_overlay_start_1:
0x0: {  	(tag) =	ssettag $0x1  }
0x1: {  	s0 =	srdreg.scid  }
0x2: {  	s4 =	rddreg [dreg:$0x0];
	s3 =	sand.u32 $0x1, s0  }
0x3: {  	s2 =	simm.s32 $0x0;
	s0 =	stileid.u32;
	s1 =	sshll.u32 s3, $0x4  }
0x4: {  	s9 =	simm.s32 $0x0;
	[smem:$0x7FF] =	sst s2;
	s5 =	sor.u32 s0, s1  }
0x5: {  	s7 =	ssub.s32 $0x2, s3;
	s3 =	sadd.s32 $0xCA00, s4;
	s6 =	smul.u32 $0x500, s5  }
0x6: {  	s1 =	rddreg [dreg:$0x1];
	s8 =	sshrl.u32 s7, $0x1;
	s5 =	smul.u32 $0x4F0, s5  }
0x7: {  	_ =	strace $0x80000047;
	s7 =	ssub.s32 s7, s8;
	s6 =	sadd.s32 s6, s4  }
0x8: {  	s8 =	simm.s32 $0x1;
	s5 =	sadd.s32 s5, s4;
	s4 =	sadd.s32 $0x2A00, s6  }
0x9: {  	v0 =	vimm.f32 $1.000000000e+00;
	s5 =	sadd.s32 $0xD000, s5;
	s6 =	smax.u32 s7, $0x1;
	s7 =	simm.s32 $0x2780  }
.LBB2_1:
0xa: {  	[tilespmem:s7], [sflag:$0x1] =	stream.linear.gather [hbm4b:s4+s2], $0x2800, $0x38;
	[tilespmem:$0x4F80] =	vst v63  }
0xb: {  	_ =	swait.ge [sflag:s8], $0x2800  }
0xc: {  	[sflag:s8] =	ssyncset.done $0x0  }
0xd: {  	[sflag:s8] =	ssyncadd.s32 $0xFFFFD800  }
0xe: {  	[tilespmem:s2], [sflag:$0x1] =	stream.linear.gather [hbm4b:s3+s2], $0x2780, $0x38;
	[tilespmem:$0x4F80] =	vst v63  }
0xf: {  	_ =	swait.ge [sflag:s8], $0x2780  }
0x10: {  	[sflag:s8] =	ssyncset.done $0x0  }
0x11: {  	s10 =	simm.s32 $0x0;
	[sflag:s8] =	ssyncadd.s32 $0xFFFFD880  }
.LBB2_2:
0x12: {  	s11 =	sshra.s32 s10, $0x2  }
0x13: {  	v1 =	vld [tilespmem:s11+$0x2780];
	_ =	sdelay $0x7  }
0x14: {  	[tilespmem:v1+s2+$0x0] =	vst.idx.add.f32.msk $0xffff, v0  }
0x15: {  	v1 =	vld [tilespmem:s11+$0x2790];
	_ =	sdelay $0x7  }
0x16: {  	[tilespmem:v1+s2+$0x0] =	vst.idx.add.f32.msk $0xffff, v0  }
0x17: {  	v1 =	vld [tilespmem:s11+$0x27A0];
	_ =	sdelay $0x7  }
0x18: {  	[tilespmem:v1+s2+$0x0] =	vst.idx.add.f32.msk $0xffff, v0  }
0x19: {  	v1 =	vld [tilespmem:s11+$0x27B0];
	_ =	sdelay $0x7  }
0x1a: {  	[tilespmem:v1+s2+$0x0] =	vst.idx.add.f32.msk $0xffff, v0  }
0x1b: {  	v1 =	vld [tilespmem:s11+$0x27C0];
	_ =	sdelay $0x7  }
0x1c: {  	[tilespmem:v1+s2+$0x0] =	vst.idx.add.f32.msk $0xffff, v0  }
0x1d: {  	v1 =	vld [tilespmem:s11+$0x27D0];
	_ =	sdelay $0x7  }
0x1e: {  	[tilespmem:v1+s2+$0x0] =	vst.idx.add.f32.msk $0xffff, v0  }
0x1f: {  	v1 =	vld [tilespmem:s11+$0x27E0];
	_ =	sdelay $0x7  }
0x20: {  	[tilespmem:v1+s2+$0x0] =	vst.idx.add.f32.msk $0xffff, v0  }
0x21: {  	v1 =	vld [tilespmem:s11+$0x27F0];
	_ =	sdelay $0x2  }
0x22: {  	p0 =	sne.s32 s10, $0x9E00  }
.Ltmp0:
0x23: {  	_ = 	snop;
	(pc) =	sbr.rel @p0 .LBB2_2-.Ltmp0, $2  }
0x24: {  	_ =	sdelay $0x2  }
0x25: {  	s10 =	sadd.s32 $0x200, s10;
	[tilespmem:v1+s2+$0x0] =	vst.idx.add.f32.msk $0xffff, v0  }
0x26: {  	s9 =	sadd.s32 $0x1, s9  }
0x27: {  	p0 =	sne.s32 s9, s6  }
.Ltmp1:
0x28: {  	_ = 	snop;
	(pc) =	sbr.rel @p0 .LBB2_1-.Ltmp1, $4  }
0x29: {  	[hbm4b:s5+s2] =	stream.linear.scatter [tilespmem:s2], [sflag:$0x1], $0x2780, $0x38;
	[tilespmem:$0x4F80] =	vst v63  }
0x2a: {  	_ =	swait.ge [sflag:s8], $0x2780  }
0x2b: {  	[sflag:s8] =	ssyncset.done $0x0  }
0x2c: {  	[sflag:s8] =	ssyncadd.s32 $0xFFFFD880  }
0x2d: {  	_ =	sfence.sel $0x180000  }
0x2e: {  	[bflag:$0x0] =	sbarrier.arrive $0xFFFF  }
0x2f: {  	p0 =	sne.s32 s0, $0x0;
	_ =	strace $0x90000047  }
0x30: {  	s0 =	sadd.s32 @!p0 $0x100000, s1;
	[bflag:$0x2] =	sbarrier.arrive $0xFFFF  }
0x31: {  	[sflag:s0] =	ssyncadd.tile.s32 @!p0 $0x1;
	_ =	shalt  }
.Lfunc_end2:
_tile_overlayer_lowered:
.L_overlay_start_2:
0x32: {  	(tag) =	ssettag $0x2  }
0x33: {  	s0 =	rddreg [dreg:$0x0];
	s2 =	stileid.u32  }
0x34: {  	s1 =	rddreg [dreg:$0x1];
	p0 =	sne.s32 s2, $0x0  }
0x35: {  	s3 =	rddreg [dreg:$0x2];
	[bflag:$0x3] =	sbarrier.arrive $0xFFFF;
	s2 =	simm.s32 @!p0 $0x1C01  }
0x36: {  	[timem:s3], [sflag:s2] =	dma.local @!p0 [hbm:s0], s1  }
0x37: {  	s0 =	simm.s32 @!p0 $0x1  }
0x38: {  	_ =	swait.ge @!p0 [sflag:s0], s1  }
0x39: {  	s1 =	ssub.s32 @!p0 $0x0, s1;
	[sflag:s0] =	ssyncset.done @!p0 $0x0  }
0x3a: {  	[sflag:s0] =	ssyncadd.s32 @!p0 s1  }
0x3b: {  	[bflag:$0x3] =	sbarrier.arrive $0xFFFF  }
0x3c: {  	_ =	shalt  }

// kernel: kernel.13.cloned.1.call-start
scs
__scs_entry_jumppad:
0x0: {  	(pc) =	sbr.rel $0x88, $3  }
0x1: {  	(tag) =	ssettag $0x0;
	lr =	simm.s32 $0x1  }
0x2: {  	[smem:$0x3F98] =	sst lr;
	_ =	strace $0xD0000000  }
0x3: {  	_ = 	snop  }
0x4: {  	_ = 	snop  }
0x5: {  	_ = 	snop  }
0x6: {  	_ = 	snop  }
0x7: {  	_ = 	snop  }
__scs_overlays_trampoline_lowered:
0x8: {  	[smem:$0x3FA7] =	sst s0  }
0x9: {  	[smem:$0x3FA8] =	sst s1  }
0xa: {  	[smem:$0x3FA9] =	sst s2  }
0xb: {  	[smem:$0x3FAA] =	sst s3  }
0xc: {  	[smem:$0x3FAB] =	sst s4  }
0xd: {  	[smem:$0x3FAC] =	sst s5  }
0xe: {  	[smem:$0x3FAD] =	sst s6  }
0xf: {  	[smem:$0x3FAE] =	sst s7  }
0x10: {  	[smem:$0x3FAF] =	sst s8  }
0x11: {  	[smem:$0x3FB0] =	sst s9;
	s0 =	simm.s32 @!p0 $0x0  }
0x12: {  	s1 =	sld [smem:$0x3F96];
	s0 =	simm.s32 @p0 $0x1  }
0x13: {  	[smem:$0x3FB1] =	sst s0;
	s0 =	simm.s32 @!p1 $0x0  }
0x14: {  	s2 =	sld [smem:$0x3F95];
	s0 =	simm.s32 @p1 $0x1  }
0x15: {  	[smem:$0x3FB2] =	sst s0;
	s0 =	simm.s32 @!p2 $0x0  }
0x16: {  	s3 =	sld [smem:$0x3FDB];
	s0 =	simm.s32 @p2 $0x1  }
0x17: {  	s4 =	simm.s32 $0x1BF5;
	[smem:$0x3FB4] =	sst s0  }
0x18: {  	s0 =	sld [smem:$0x3F97];
	_ =	swait.ge [sflag:s4], $0x0  }
0x19: {  	s7 =	sld [smem:$0x3F98]  }
0x1a: {  	s8 =	sadd.s32 $0xFFFFE003, lr  }
0x1b: {  	s9 =	sadd.s32 $0xFFFFFEF7, lr;
	s5 =	simm.s32 $0xFFFFFFFF;
	p2 =	slt.u32 s8, $0xFFFFF086  }
0x1c: {  	p1 =	slt.u32 s9, $0xF7A;
	s5 =	simm.s32 @!p2 $0x0  }
0x1d: {  	s5 =	simm.s32 @p1 $0x1;
	p0 =	seq.s32 s7, s2  }
0x1e: {  	s7 =	smul.u32 @!p0 $0xF7A, s2;
	p2 =	seq.s32 @!p0 s5, $0x0  }
0x1f: {  	s9 =	smul.u32 $0xF7A, s1;
	s8 =	simm.s32 @!p0 $0x1BF5;
	p2 =	por !p2, p0  }
0x20: {  	[sflag:s8] =	ssyncset.s32 @!p0 $0xFFFFF086;
	s6 =	sadd.s32 @!p0 s3, s7;
	s7 =	simm.s32 @!p0 $0x108  }
0x21: {  	s3 =	sadd.s32 s3, s9;
	s6 =	sadd.s32 @!p0 $0x88, s6;
	s7 =	simm.s32 @p2 $0x1082  }
0x22: {  	[simem:s7], [sflag:s8] =	dma.local @!p0 [hbm:s6], $0xF7A  }
0x23: {  	s9 =	sor.u32 $0xD0000000, s2;
	s6 =	simm.s32 $0x108;
	_ =	swait.ge @!p0 [sflag:s8], $0x0  }
0x24: {  	s3 =	sadd.s32 $0x88, s3;
	s6 =	simm.s32 @!p1 $0x1082;
	[sflag:s4] =	ssyncset.s32 $0xFFFFF086  }
0x25: {  	[simem:s6], [sflag:s4] =	dma.local [hbm:s3], $0xF7A  }
0x26: {  	[smem:$0x3F98] =	sst s1;
	(tag) =	ssettag s2;
	_ =	strace s9  }
0x27: {  	s1 =	sld [smem:$0x3FA8]  }
0x28: {  	s2 =	sld [smem:$0x3FA9]  }
0x29: {  	s4 =	sld [smem:$0x3FAB]  }
0x2a: {  	p0 =	seq.s32 s5, $0x0;
	s5 =	sld [smem:$0x3FAC]  }
0x2b: {  	s6 =	sld [smem:$0x3FAD]  }
0x2c: {  	s7 =	sld [smem:$0x3FAE]  }
0x2d: {  	s3 =	simm.s32 $0x108;
	s8 =	sld [smem:$0x3FAF]  }
0x2e: {  	s3 =	simm.s32 @!p0 $0x1082;
	s9 =	sld [smem:$0x3FB0]  }
0x2f: {  	lr =	sadd.s32 s0, s3;
	s0 =	sld [smem:$0x3FA7]  }
0x30: {  	s3 =	sld [smem:$0x3FAA]  }
0x31: {  	[smem:$0x3FB3] =	sst s10  }
0x32: {  	s10 =	sld [smem:$0x3FB1];
	_ =	sdelay $0x3  }
0x33: {  	p0 =	seq.s32 s10, $0x1;
	s10 =	sld [smem:$0x3FB3];
	_ =	sdelay $0x3  }
0x34: {  	[smem:$0x3FB3] =	sst s10  }
0x35: {  	s10 =	sld [smem:$0x3FB2];
	_ =	sdelay $0x3  }
0x36: {  	p1 =	seq.s32 s10, $0x1;
	s10 =	sld [smem:$0x3FB3];
	_ =	sdelay $0x3  }
0x37: {  	[smem:$0x3FB3] =	sst s10  }
0x38: {  	s10 =	sld [smem:$0x3FB4]  }
0x39: {  	_ = 	snop;
	(pc) =	sbr.ind lr, $3  }
0x3a: {  	_ = 	snop  }
0x3b: {  	_ = 	snop  }
0x3c: {  	p2 =	seq.s32 s10, $0x1;
	s10 =	sld [smem:$0x3FB3]  }
0x3d: {  	_ =	shalt  }
0x3e: {  	_ =	shalt  }
0x3f: {  	_ =	shalt  }
0x40: {  	_ =	shalt  }
0x41: {  	_ =	shalt  }
0x42: {  	_ =	shalt  }
0x43: {  	_ =	shalt  }
0x44: {  	_ =	shalt  }
0x45: {  	_ =	shalt  }
0x46: {  	_ =	shalt  }
0x47: {  	_ =	shalt  }
0x48: {  	_ =	shalt  }
0x49: {  	_ =	shalt  }
0x4a: {  	_ =	shalt  }
0x4b: {  	_ =	shalt  }
0x4c: {  	_ =	shalt  }
0x4d: {  	_ =	shalt  }
0x4e: {  	_ =	shalt  }
0x4f: {  	_ =	shalt  }
0x50: {  	_ =	shalt  }
0x51: {  	_ =	shalt  }
0x52: {  	_ =	shalt  }
0x53: {  	_ =	shalt  }
0x54: {  	_ =	shalt  }
0x55: {  	_ =	shalt  }
0x56: {  	_ =	shalt  }
0x57: {  	_ =	shalt  }
0x58: {  	_ =	shalt  }
0x59: {  	_ =	shalt  }
0x5a: {  	_ =	shalt  }
0x5b: {  	_ =	shalt  }
0x5c: {  	_ =	shalt  }
0x5d: {  	_ =	shalt  }
0x5e: {  	_ =	shalt  }
0x5f: {  	_ =	shalt  }
0x60: {  	_ =	shalt  }
0x61: {  	_ =	shalt  }
0x62: {  	_ =	shalt  }
0x63: {  	_ =	shalt  }
0x64: {  	_ =	shalt  }
0x65: {  	_ =	shalt  }
0x66: {  	_ =	shalt  }
0x67: {  	_ =	shalt  }
0x68: {  	_ =	shalt  }
0x69: {  	_ =	shalt  }
0x6a: {  	_ =	shalt  }
0x6b: {  	_ =	shalt  }
0x6c: {  	_ =	shalt  }
0x6d: {  	_ =	shalt  }
0x6e: {  	_ =	shalt  }
0x6f: {  	_ =	shalt  }
0x70: {  	_ =	shalt  }
0x71: {  	_ =	shalt  }
0x72: {  	_ =	shalt  }
0x73: {  	_ =	shalt  }
0x74: {  	_ =	shalt  }
0x75: {  	_ =	shalt  }
0x76: {  	_ =	shalt  }
0x77: {  	_ =	shalt  }
0x78: {  	_ =	shalt  }
0x79: {  	_ =	shalt  }
0x7a: {  	_ =	shalt  }
0x7b: {  	_ =	shalt  }
0x7c: {  	_ =	shalt  }
0x7d: {  	_ =	shalt  }
0x7e: {  	_ =	shalt  }
0x7f: {  	_ =	shalt  }
0x80: {  	_ =	shalt  }
0x81: {  	_ =	shalt  }
0x82: {  	_ =	shalt  }
0x83: {  	_ =	shalt  }
0x84: {  	_ =	shalt  }
0x85: {  	_ =	shalt  }
0x86: {  	_ =	shalt  }
0x87: {  	_ =	shalt  }
.Lfunc_end0:
.L_simem_size_0:
called_computation.1_lowered:
.L_overlay_start_0:
0x88: {  	s2 =	sld [smem:$0x3FD9]  }
0x89: {  	s3 =	sld [smem:$0x3FFE];
	_ =	sdelay $0x1  }
0x8a: {  	s1 =	srdreg.scid  }
0x8b: {  	s0 =	sand.u32 $0x1, s1  }
0x8c: {  	s16 =	sshll.u32 s0, $0xA;
	s2 =	sadd.s32 s3, s2  }
0x8d: {  	s2 =	sadd.s32 s2, s16  }
0x8e: {  	[smem:$0x3FBF] =	sst s2  }
0x8f: {  	_ = 	snop  }
0x90: {  	(tm) =	ssettm $0x1  }
0x91: {  	s17 =	sld [smem:$0x3FFB];
	_ =	sdelay $0x3  }
0x92: {  	_ =	strace s17  }
0x93: {  	s2 =	sld [smem:$0x3FFC];
	_ =	sdelay $0x3  }
0x94: {  	_ =	strace s2  }
0x95: {  	s2 =	sld [smem:$0x3FFD];
	_ =	sdelay $0x3  }
0x96: {  	_ =	strace s2  }
0x97: {  	_ =	strace $0x8FFFFFFF  }
0x98: {  	s18 =	sld [smem:$0x3FDB];
	_ =	sdelay $0x1  }
0x99: {  	s19 =	simm.s32 $_scs_section_size  }
0x9a: {  	s4 =	simm.s32 $_size__tile_overlayer_lowered;
	s5 =	simm.s32 $_tile_overlayer_lowered  }
0x9b: {  	s22 =	simm.s32 $0x1BFF;
	s21 =	sshll.u32 s5, $0x1;
	s2 =	sadd.s32 s19, s18  }
0x9c: {  	s6 =	simm.s32 $0x0;
	s20 =	sshll.u32 s4, $0x1;
	s4 =	sadd.s32 s21, s2  }
0x9d: {  	[timem:s6], [sflag:s22] =	dma.local [hbm:s4], s20  }
0x9e: {  	_ =	swait.ge [sflag:s22], s20  }
0x9f: {  	s3 =	ssub.s32 $0x0, s20;
	[sflag:s22] =	ssyncset.done $0x0  }
0xa0: {  	[sflag:s22] =	ssyncadd.s32 s3;
	_ =	sdelay $0x1  }
0xa1: {  	s23 =	simm.s32 $0x1B8B  }
0xa2: {  	_ =	swait.ge [sflag:s23], $0x1  }
0xa3: {  	[sflag:s23] =	ssyncset.done $0x0  }
0xa4: {  	s25 =	simm.s32 $0x1B8E;
	s24 =	sld [smem:$0x3FFE];
	[sflag:s23] =	ssyncadd.s32 $0xFFFFFFFF  }
0xa5: {  	s26 =	simm.s32 $execute0_lowered;
	[smem:$0x3FD2] =	sst s25  }
0xa6: {  	s4 =	sshll.u32 s26, $0x1;
	_ =	strace $0x80000049;
	[dreg:$0x1] =	wrdreg $0xFFFFFFFF  }
0xa7: {  	s28 =	simm.s32 $_size_execute0_lowered;
	s2 =	sadd.s32 s2, s4;
	[dreg:$0x0] =	wrdreg $0x0  }
0xa8: {  	s4 =	sshll.u32 s28, $0x1;
	[dreg:$0x2] =	wrdreg s2  }
0xa9: {  	[dreg:$0x3] =	wrdreg s4  }
0xaa: {  	[dreg:$0x4] =	wrdreg $0xC0  }
0xab: {  	_ =	task [dreg:s6], $0x5FFFF  }
0xac: {  	[dreg:$0x1] =	wrdreg $0xFFFFFFFF  }
0xad: {  	[dreg:$0x0] =	wrdreg $0x60  }
0xae: {  	[dreg:$0x2] =	wrdreg s24  }
0xaf: {  	[dreg:$0x3] =	wrdreg $0x0  }
0xb0: {  	[dreg:$0x4] =	wrdreg $0x9  }
0xb1: {  	_ =	task.clear_ibuf [dreg:s6], $0x5FFFF;
	_ =	strace $0x90000049  }
0xb2: {  	s29 =	simm.s32 $0x9;
	_ =	strace $0x8000004B  }
0xb3: {  	_ =	swait.ge [sflag:s29], $0x1  }
0xb4: {  	[sflag:s29] =	ssyncadd.s32 $0xFFFFFFFF  }
0xb5: {  	_ =	strace $0x9000004B  }
0xb6: {  	_ =	sfence  }
0xb7: {  	s30 =	sld [smem:$0x0];
	_ =	sdelay $0x2  }
0xb8: {  	s31 =	sshll.u32 s1, $0xD;
	s1 =	sshrl.u32 s1, $0x2  }
0xb9: {  	s3 =	sand.u32 $0x4000, s31;
	s1 =	sadd.s32 s1, s30  }
0xba: {  	s0 =	sor.u32 s3, s0;
	s1 =	sshll.u32 s1, $0x11  }
0xbb: {  	s0 =	sor.u32 s1, s0  }
0xbc: {  	s0 =	sadd.s32 $0x8F2B, s0  }
0xbd: {  	[sflag:s0] =	ssyncadd.remote.s32 $0x1  }
0xbe: {  	_ =	sfence.sel $0xFFFF  }
0xbf: {  	[dreg:$0x0] =	wrdreg $0xFFFFFFFF;
	(pc) =	sbr.abs _section_cstart, $3  }
0xc0: {  	[dreg:$0x1] =	wrdreg $0xFFFFFFFF  }
0xc1: {  	_ =	task.clear_ibuf [dreg:s6], $0x2FFFF;
	_ =	strace $0x9FFFFFFF  }
0xc2: {  	(tm) =	ssettm $0x7FFFFFFF  }
0xc3: {  	_ =	shalt  }
tec
execute0_lowered:
.L_overlay_start_1:
0x0: {  	(tag) =	ssettag $0x1  }
0x1: {  	s1 =	rddreg [dreg:$0x0]  }
0x2: {  	s0 =	srdreg.scid;
	s2 =	rddreg [dreg:$0x1]  }
0x3: {  	s12 =	stileid.u32;
	s3 =	simm.s32 $0x0;
	s9 =	simm.s32 $0x9E00  }
0x4: {  	s10 =	simm.s32 $0x9;
	s14 =	simm.s32 $0x80;
	s15 =	simm.s32 $0xEE00  }
0x5: {  	s17 =	simm.s32 $0x10E00;
	s19 =	simm.s32 $0x12E00;
	s21 =	simm.s32 $0x14E00  }
0x6: {  	s22 =	simm.s32 $0x1;
	s23 =	simm.s32 $0x2;
	s28 =	simm.s32 $0x5  }
0x7: {  	s29 =	simm.s32 $0x6;
	s30 =	simm.s32 $0x7;
	s31 =	simm.s32 $0x8  }
0x8: {  	s16 =	simm.s32 $0xED80;
	s18 =	simm.s32 $0x0;
	s0 =	sand.u32 $0x1, s0  }
0x9: {  	[smem:$0x7FF] =	sst s3;
	s7 =	smul.u32 $0x9E00, s12;
	s26 =	sshll.u32 s12, $0x6  }
0xa: {  	s4 =	sshll.u32 s0, $0x4;
	s6 =	smul.u32 $0x13C00, s0;
	s0 =	ssub.s32 $0x2, s0  }
0xb: {  	_ =	strace $0x8000004A;
	s4 =	sor.u32 s12, s4;
	s25 =	sshrl.u32 s0, $0x1  }
0xc: {  	s11 =	sshrl.u32 s7, $0x3;
	s13 =	sadd.s32 s7, s2;
	s12 =	sor.u32 $0x1C09, s26  }
0xd: {  	s26 =	simm.s32 $0x4;
	s5 =	smul.u32 $0x500, s4;
	s4 =	sadd.s32 $0x48600, s1  }
0xe: {  	s0 =	ssub.s32 s0, s25;
	s13 =	sshrl.u32 s13, $0x3;
	s25 =	simm.s32 $0x3  }
0xf: {  	s7 =	sadd.s32 s4, s11;
	s8 =	sadd.s32 s5, s1;
	s1 =	sadd.s32 s6, s1  }
0x10: {  	s5 =	sadd.s32 $0x16E00, s8;
	s6 =	sadd.s32 $0x2A00, s8;
	s1 =	sadd.s32 $0x5C200, s1  }
0x11: {  	s8 =	smax.u32 s0, $0x1;
	s24 =	sadd.s32 s11, s1;
	s11 =	simm.s32 $0xED00  }
.LBB2_1:
0x12: {  	[tilespmem:s9], [sflag:$0x9] =	stream.linear.gather [hbm4b:s5+s3], $0x2800, $0x38;
	[tilespmem:$0x16E00] =	vst v63  }
0x13: {  	_ =	swait.ge [sflag:s10], $0x2800  }
0x14: {  	[sflag:s10] =	ssyncset.done $0x0  }
0x15: {  	s0 =	simm.s32 $0xC600;
	[sflag:s10] =	ssyncadd.s32 $0xFFFFD800  }
0x16: {  	[tilespmem:s0], [sflag:$0x9] =	stream.linear.gather [hbm4b:s6+s3], $0x2800, $0x38;
	[tilespmem:$0x16E00] =	vst v63  }
0x17: {  	_ =	swait.ge [sflag:s10], $0x2800  }
0x18: {  	[sflag:s10] =	ssyncset.done $0x0  }
0x19: {  	[sflag:s10] =	ssyncadd.s32 $0xFFFFD800  }
0x1a: {  	[spmem:s13], [sflag:s12] =	dma.local [hbm:s7], $0x13C0  }
0x1b: {  	_ =	swait.ge [sflag:s10], $0x13C0  }
0x1c: {  	[sflag:s10] =	ssyncset.done $0x0  }
0x1d: {  	[sflag:s10] =	ssyncadd.s32 $0xFFFFEC40  }
0x1e: {  	[bflag:$0x0] =	sbarrier.arrive $0xFFFF  }
0x1f: {  	[tilespmem:s15], [sflag:$0x1] =	stream.indirect.gather [hbm4b:s4+s14], $0x40, s9, s14, $0xb8;
	[tilespmem:$0x16E00] =	vst v63  }
0x20: {  	s1 =	simm.s32 $0x9E80  }
0x21: {  	[tilespmem:s17], [sflag:$0x2] =	stream.indirect.gather [hbm4b:s4+s14], $0x40, s1, s14, $0xb8;
	[tilespmem:$0x16E00] =	vst v63  }
0x22: {  	s20 =	simm.s32 $0x9F00  }
0x23: {  	[tilespmem:s19], [sflag:$0x3] =	stream.indirect.gather [hbm4b:s4+s14], $0x40, s20, s14, $0xb8;
	[tilespmem:$0x16E00] =	vst v63  }
0x24: {  	s1 =	simm.s32 $0x9F80  }
0x25: {  	[tilespmem:s21], [sflag:$0x4] =	stream.indirect.gather [hbm4b:s4+s14], $0x40, s1, s14, $0xb8;
	[tilespmem:$0x16E00] =	vst v63  }
0x26: {  	_ =	swait.ge [sflag:s22], $0x2000  }
0x27: {  	[sflag:s22] =	ssyncset.done $0x0  }
0x28: {  	s20 =	simm.s32 $0xC600;
	[sflag:s22] =	ssyncadd.s32 $0xFFFFE000  }
0x29: {  	[spmem:s2] =	stream.indirect.scatter.add.f32 [tilespmem:s15], [sflag:$0x5], $0x40, s20, s14, $0xb8;
	[tilespmem:$0x16E00] =	vst v63  }
0x2a: {  	_ =	swait.ge [sflag:s23], $0x2000  }
0x2b: {  	[sflag:s23] =	ssyncset.done $0x0  }
0x2c: {  	s1 =	simm.s32 $0xC680;
	[sflag:s23] =	ssyncadd.s32 $0xFFFFE000  }
0x2d: {  	[spmem:s2] =	stream.indirect.scatter.add.f32 [tilespmem:s17], [sflag:$0x6], $0x40, s1, s14, $0xb8;
	[tilespmem:$0x16E00] =	vst v63  }
0x2e: {  	_ =	swait.ge [sflag:s25], $0x2000  }
0x2f: {  	[sflag:s25] =	ssyncset.done $0x0  }
0x30: {  	s20 =	simm.s32 $0xC700;
	[sflag:s25] =	ssyncadd.s32 $0xFFFFE000  }
0x31: {  	[spmem:s2] =	stream.indirect.scatter.add.f32 [tilespmem:s19], [sflag:$0x7], $0x40, s20, s14, $0xb8;
	[tilespmem:$0x16E00] =	vst v63  }
0x32: {  	_ =	swait.ge [sflag:s26], $0x2000  }
0x33: {  	[sflag:s26] =	ssyncset.done $0x0  }
0x34: {  	s1 =	simm.s32 $0xC780;
	[sflag:s26] =	ssyncadd.s32 $0xFFFFE000  }
0x35: {  	[spmem:s2] =	stream.indirect.scatter.add.f32 [tilespmem:s21], [sflag:$0x8], $0x40, s1, s14, $0xb8;
	[tilespmem:$0x16E00] =	vst v63  }
0x36: {  	_ =	swait.ge [sflag:s28], $0x2000  }
0x37: {  	[sflag:s28] =	ssyncset.done $0x0  }
0x38: {  	s20 =	simm.s32 $0xA000;
	[sflag:s28] =	ssyncadd.s32 $0xFFFFE000  }
0x39: {  	[tilespmem:s15], [sflag:$0x1] =	stream.indirect.gather [hbm4b:s4+s14], $0x40, s20, s14, $0xb8;
	[tilespmem:$0x16E00] =	vst v63  }
0x3a: {  	_ =	swait.ge [sflag:s29], $0x2000  }
0x3b: {  	[sflag:s29] =	ssyncset.done $0x0  }
0x3c: {  	s1 =	simm.s32 $0xA080;
	[sflag:s29] =	ssyncadd.s32 $0xFFFFE000  }
0x3d: {  	[tilespmem:s17], [sflag:$0x2] =	stream.indirect.gather [hbm4b:s4+s14], $0x40, s1, s14, $0xb8;
	[tilespmem:$0x16E00] =	vst v63  }
0x3e: {  	_ =	swait.ge [sflag:s30], $0x2000  }
0x3f: {  	[sflag:s30] =	ssyncset.done $0x0  }
0x40: {  	s20 =	simm.s32 $0xA100;
	[sflag:s30] =	ssyncadd.s32 $0xFFFFE000  }
0x41: {  	[tilespmem:s19], [sflag:$0x3] =	stream.indirect.gather [hbm4b:s4+s14], $0x40, s20, s14, $0xb8;
	[tilespmem:$0x16E00] =	vst v63  }
0x42: {  	_ =	swait.ge [sflag:s31], $0x2000  }
0x43: {  	[sflag:s31] =	ssyncset.done $0x0  }
0x44: {  	s0 =	simm.s32 $0xA180;
	s20 =	simm.s32 $0x800;
	[sflag:s31] =	ssyncadd.s32 $0xFFFFE000  }
.LBB2_2:
0x45: {  	[tilespmem:s21], [sflag:$0x4] =	stream.indirect.gather [hbm4b:s4+s14], $0x40, s0, s14, $0xb8;
	[tilespmem:$0x16E00] =	vst v63  }
0x46: {  	s0 =	smov.u32 s20  }
0x47: {  	p0 =	sne.s32 s20, $0x9000;
	s20 =	sadd.s32 $0x800, s20;
	_ =	swait.ge [sflag:s22], $0x2000  }
0x48: {  	s0 =	sshra.s32 s0, $0x2;
	[sflag:s22] =	ssyncset.done $0x0  }
0x49: {  	s1 =	sadd.s32 $0xC600, s0;
	[sflag:s22] =	ssyncadd.s32 $0xFFFFE000  }
0x4a: {  	[spmem:s2] =	stream.indirect.scatter.add.f32 [tilespmem:s15], [sflag:$0x5], $0x40, s1, s14, $0xb8;
	[tilespmem:$0x16E00] =	vst v63  }
0x4b: {  	_ =	swait.ge [sflag:s23], $0x2000  }
0x4c: {  	[sflag:s23] =	ssyncset.done $0x0  }
0x4d: {  	s1 =	sadd.s32 $0xC680, s0;
	[sflag:s23] =	ssyncadd.s32 $0xFFFFE000  }
0x4e: {  	[spmem:s2] =	stream.indirect.scatter.add.f32 [tilespmem:s17], [sflag:$0x6], $0x40, s1, s14, $0xb8;
	[tilespmem:$0x16E00] =	vst v63  }
0x4f: {  	_ =	swait.ge [sflag:s25], $0x2000  }
0x50: {  	[sflag:s25] =	ssyncset.done $0x0  }
0x51: {  	s1 =	sadd.s32 $0xC700, s0;
	[sflag:s25] =	ssyncadd.s32 $0xFFFFE000  }
0x52: {  	[spmem:s2] =	stream.indirect.scatter.add.f32 [tilespmem:s19], [sflag:$0x7], $0x40, s1, s14, $0xb8;
	[tilespmem:$0x16E00] =	vst v63  }
0x53: {  	_ =	swait.ge [sflag:s26], $0x2000  }
0x54: {  	[sflag:s26] =	ssyncset.done $0x0  }
0x55: {  	s1 =	sadd.s32 $0xC780, s0;
	[sflag:s26] =	ssyncadd.s32 $0xFFFFE000  }
0x56: {  	[spmem:s2] =	stream.indirect.scatter.add.f32 [tilespmem:s21], [sflag:$0x8], $0x40, s1, s14, $0xb8;
	[tilespmem:$0x16E00] =	vst v63  }
0x57: {  	_ =	swait.ge [sflag:s28], $0x2000  }
0x58: {  	[sflag:s28] =	ssyncset.done $0x0  }
0x59: {  	s1 =	sadd.s32 $0xA000, s0;
	[sflag:s28] =	ssyncadd.s32 $0xFFFFE000  }
0x5a: {  	[tilespmem:s15], [sflag:$0x1] =	stream.indirect.gather [hbm4b:s4+s14], $0x40, s1, s14, $0xb8;
	[tilespmem:$0x16E00] =	vst v63  }
0x5b: {  	_ =	swait.ge [sflag:s29], $0x2000  }
0x5c: {  	[sflag:s29] =	ssyncset.done $0x0  }
0x5d: {  	s1 =	sadd.s32 $0xA080, s0;
	[sflag:s29] =	ssyncadd.s32 $0xFFFFE000  }
0x5e: {  	[tilespmem:s17], [sflag:$0x2] =	stream.indirect.gather [hbm4b:s4+s14], $0x40, s1, s14, $0xb8;
	[tilespmem:$0x16E00] =	vst v63  }
0x5f: {  	_ =	swait.ge [sflag:s30], $0x2000  }
0x60: {  	[sflag:s30] =	ssyncset.done $0x0  }
.Ltmp0:
0x61: {  	s1 =	sadd.s32 $0xA100, s0;
	[sflag:s30] =	ssyncadd.s32 $0xFFFFE000;
	(pc) =	sbr.rel @p0 .LBB2_2-.Ltmp0, $4  }
0x62: {  	[tilespmem:s19], [sflag:$0x3] =	stream.indirect.gather [hbm4b:s4+s14], $0x40, s1, s14, $0xb8;
	[tilespmem:$0x16E00] =	vst v63  }
0x63: {  	_ =	swait.ge [sflag:s31], $0x2000  }
0x64: {  	[sflag:s31] =	ssyncset.done $0x0  }
0x65: {  	s0 =	sadd.s32 $0xA180, s0;
	[sflag:s31] =	ssyncadd.s32 $0xFFFFE000  }
0x66: {  	[tilespmem:s21], [sflag:$0x4] =	stream.indirect.gather [hbm4b:s4+s14], $0x40, s0, s14, $0xb8;
	[tilespmem:$0x16E00] =	vst v63  }
0x67: {  	_ =	swait.ge [sflag:s22], $0x2000  }
0x68: {  	[sflag:s22] =	ssyncset.done $0x0  }
0x69: {  	s1 =	simm.s32 $0xEC00;
	[sflag:s22] =	ssyncadd.s32 $0xFFFFE000  }
0x6a: {  	[spmem:s2] =	stream.indirect.scatter.add.f32 [tilespmem:s15], [sflag:$0x5], $0x40, s1, s14, $0xb8;
	[tilespmem:$0x16E00] =	vst v63  }
0x6b: {  	_ =	swait.ge [sflag:s23], $0x2000  }
0x6c: {  	[sflag:s23] =	ssyncset.done $0x0  }
0x6d: {  	s20 =	simm.s32 $0xEC80;
	[sflag:s23] =	ssyncadd.s32 $0xFFFFE000  }
0x6e: {  	[spmem:s2] =	stream.indirect.scatter.add.f32 [tilespmem:s17], [sflag:$0x6], $0x40, s20, s14, $0xb8;
	[tilespmem:$0x16E00] =	vst v63  }
0x6f: {  	_ =	swait.ge [sflag:s25], $0x2000  }
0x70: {  	[sflag:s25] =	ssyncset.done $0x0  }
0x71: {  	[sflag:s25] =	ssyncadd.s32 $0xFFFFE000  }
0x72: {  	[spmem:s2] =	stream.indirect.scatter.add.f32 [tilespmem:s19], [sflag:$0x7], $0x40, s11, s14, $0xb8;
	[tilespmem:$0x16E00] =	vst v63  }
0x73: {  	_ =	swait.ge [sflag:s26], $0x2000  }
0x74: {  	[sflag:s26] =	ssyncset.done $0x0  }
0x75: {  	[sflag:s26] =	ssyncadd.s32 $0xFFFFE000  }
0x76: {  	[spmem:s2] =	stream.indirect.scatter.add.f32 [tilespmem:s21], [sflag:$0x8], $0x40, s16, s14, $0xb8;
	[tilespmem:$0x16E00] =	vst v63  }
0x77: {  	_ =	swait.ge [sflag:s28], $0x2000  }
0x78: {  	[sflag:s28] =	ssyncset.done $0x0  }
0x79: {  	[sflag:s28] =	ssyncadd.s32 $0xFFFFE000  }
0x7a: {  	_ =	swait.ge [sflag:s29], $0x2000  }
0x7b: {  	[sflag:s29] =	ssyncset.done $0x0  }
0x7c: {  	[sflag:s29] =	ssyncadd.s32 $0xFFFFE000  }
0x7d: {  	_ =	swait.ge [sflag:s30], $0x2000  }
0x7e: {  	[sflag:s30] =	ssyncset.done $0x0  }
0x7f: {  	[sflag:s30] =	ssyncadd.s32 $0xFFFFE000  }
0x80: {  	_ =	swait.ge [sflag:s31], $0x2000  }
0x81: {  	s18 =	sadd.s32 $0x1, s18;
	[sflag:s31] =	ssyncset.done $0x0  }
0x82: {  	p0 =	sne.s32 s18, s8;
	[sflag:s31] =	ssyncadd.s32 $0xFFFFE000  }
.Ltmp1:
0x83: {  	[bflag:$0x0] =	sbarrier.arrive $0xFFFF;
	(pc) =	sbr.rel @p0 .LBB2_1-.Ltmp1, $4  }
0x84: {  	[hbm:s24], [sflag:s12] =	dma.local [spmem:s13], $0x13C0  }
0x85: {  	_ =	swait.ge [sflag:s10], $0x13C0  }
0x86: {  	[sflag:s10] =	ssyncset.done $0x0  }
0x87: {  	[sflag:s10] =	ssyncadd.s32 $0xFFFFEC40  }
0x88: {  	_ =	sfence.sel $0x180000  }
0x89: {  	[bflag:$0x0] =	sbarrier.arrive $0xFFFF  }
0x8a: {  	_ =	strace $0x9000004A  }
0x8b: {  	s0 =	stileid.u32;
	[bflag:$0x2] =	sbarrier.arrive $0xFFFF  }
0x8c: {  	p0 =	sne.s32 s0, $0x0;
	s0 =	rddreg [dreg:$0x2]  }
0x8d: {  	s0 =	sadd.s32 @!p0 $0x100000, s0  }
0x8e: {  	[sflag:s0] =	ssyncadd.tile.s32 @!p0 $0x1;
	_ =	shalt  }
.Lfunc_end2:
_tile_overlayer_lowered:
.L_overlay_start_2:
0x8f: {  	(tag) =	ssettag $0x2  }
0x90: {  	s0 =	rddreg [dreg:$0x0];
	s2 =	stileid.u32  }
0x91: {  	s1 =	rddreg [dreg:$0x1];
	p0 =	sne.s32 s2, $0x0  }
0x92: {  	s3 =	rddreg [dreg:$0x2];
	[bflag:$0x3] =	sbarrier.arrive $0xFFFF;
	s2 =	simm.s32 @!p0 $0x1C09  }
0x93: {  	[timem:s3], [sflag:s2] =	dma.local @!p0 [hbm:s0], s1  }
0x94: {  	s0 =	simm.s32 @!p0 $0x9  }
0x95: {  	_ =	swait.ge @!p0 [sflag:s0], s1  }
0x96: {  	s1 =	ssub.s32 @!p0 $0x0, s1;
	[sflag:s0] =	ssyncset.done @!p0 $0x0  }
0x97: {  	[sflag:s0] =	ssyncadd.s32 @!p0 s1  }
0x98: {  	[bflag:$0x3] =	sbarrier.arrive $0xFFFF  }
0x99: {  	_ =	shalt  }

// kernel: kernel.16.cloned.1.call-start
scs
__scs_entry_jumppad:
0x0: {  	(pc) =	sbr.rel $0x88, $3  }
0x1: {  	(tag) =	ssettag $0x0;
	lr =	simm.s32 $0x1  }
0x2: {  	[smem:$0x3F98] =	sst lr;
	_ =	strace $0xD0000000  }
0x3: {  	_ = 	snop  }
0x4: {  	_ = 	snop  }
0x5: {  	_ = 	snop  }
0x6: {  	_ = 	snop  }
0x7: {  	_ = 	snop  }
__scs_overlays_trampoline_lowered:
0x8: {  	[smem:$0x3FA7] =	sst s0  }
0x9: {  	[smem:$0x3FA8] =	sst s1  }
0xa: {  	[smem:$0x3FA9] =	sst s2  }
0xb: {  	[smem:$0x3FAA] =	sst s3  }
0xc: {  	[smem:$0x3FAB] =	sst s4  }
0xd: {  	[smem:$0x3FAC] =	sst s5  }
0xe: {  	[smem:$0x3FAD] =	sst s6  }
0xf: {  	[smem:$0x3FAE] =	sst s7  }
0x10: {  	[smem:$0x3FAF] =	sst s8  }
0x11: {  	[smem:$0x3FB0] =	sst s9;
	s0 =	simm.s32 @!p0 $0x0  }
0x12: {  	s1 =	sld [smem:$0x3F96];
	s0 =	simm.s32 @p0 $0x1  }
0x13: {  	[smem:$0x3FB1] =	sst s0;
	s0 =	simm.s32 @!p1 $0x0  }
0x14: {  	s2 =	sld [smem:$0x3F95];
	s0 =	simm.s32 @p1 $0x1  }
0x15: {  	[smem:$0x3FB2] =	sst s0;
	s0 =	simm.s32 @!p2 $0x0  }
0x16: {  	s3 =	sld [smem:$0x3FDB];
	s0 =	simm.s32 @p2 $0x1  }
0x17: {  	s4 =	simm.s32 $0x1BF5;
	[smem:$0x3FB4] =	sst s0  }
0x18: {  	s0 =	sld [smem:$0x3F97];
	_ =	swait.ge [sflag:s4], $0x0  }
0x19: {  	s7 =	sld [smem:$0x3F98]  }
0x1a: {  	s8 =	sadd.s32 $0xFFFFE003, lr  }
0x1b: {  	s9 =	sadd.s32 $0xFFFFFEF7, lr;
	s5 =	simm.s32 $0xFFFFFFFF;
	p2 =	slt.u32 s8, $0xFFFFF086  }
0x1c: {  	p1 =	slt.u32 s9, $0xF7A;
	s5 =	simm.s32 @!p2 $0x0  }
0x1d: {  	s5 =	simm.s32 @p1 $0x1;
	p0 =	seq.s32 s7, s2  }
0x1e: {  	s7 =	smul.u32 @!p0 $0xF7A, s2;
	p2 =	seq.s32 @!p0 s5, $0x0  }
0x1f: {  	s9 =	smul.u32 $0xF7A, s1;
	s8 =	simm.s32 @!p0 $0x1BF5;
	p2 =	por !p2, p0  }
0x20: {  	[sflag:s8] =	ssyncset.s32 @!p0 $0xFFFFF086;
	s6 =	sadd.s32 @!p0 s3, s7;
	s7 =	simm.s32 @!p0 $0x108  }
0x21: {  	s3 =	sadd.s32 s3, s9;
	s6 =	sadd.s32 @!p0 $0x88, s6;
	s7 =	simm.s32 @p2 $0x1082  }
0x22: {  	[simem:s7], [sflag:s8] =	dma.local @!p0 [hbm:s6], $0xF7A  }
0x23: {  	s9 =	sor.u32 $0xD0000000, s2;
	s6 =	simm.s32 $0x108;
	_ =	swait.ge @!p0 [sflag:s8], $0x0  }
0x24: {  	s3 =	sadd.s32 $0x88, s3;
	s6 =	simm.s32 @!p1 $0x1082;
	[sflag:s4] =	ssyncset.s32 $0xFFFFF086  }
0x25: {  	[simem:s6], [sflag:s4] =	dma.local [hbm:s3], $0xF7A  }
0x26: {  	[smem:$0x3F98] =	sst s1;
	(tag) =	ssettag s2;
	_ =	strace s9  }
0x27: {  	s1 =	sld [smem:$0x3FA8]  }
0x28: {  	s2 =	sld [smem:$0x3FA9]  }
0x29: {  	s4 =	sld [smem:$0x3FAB]  }
0x2a: {  	p0 =	seq.s32 s5, $0x0;
	s5 =	sld [smem:$0x3FAC]  }
0x2b: {  	s6 =	sld [smem:$0x3FAD]  }
0x2c: {  	s7 =	sld [smem:$0x3FAE]  }
0x2d: {  	s3 =	simm.s32 $0x108;
	s8 =	sld [smem:$0x3FAF]  }
0x2e: {  	s3 =	simm.s32 @!p0 $0x1082;
	s9 =	sld [smem:$0x3FB0]  }
0x2f: {  	lr =	sadd.s32 s0, s3;
	s0 =	sld [smem:$0x3FA7]  }
0x30: {  	s3 =	sld [smem:$0x3FAA]  }
0x31: {  	[smem:$0x3FB3] =	sst s10  }
0x32: {  	s10 =	sld [smem:$0x3FB1];
	_ =	sdelay $0x3  }
0x33: {  	p0 =	seq.s32 s10, $0x1;
	s10 =	sld [smem:$0x3FB3];
	_ =	sdelay $0x3  }
0x34: {  	[smem:$0x3FB3] =	sst s10  }
0x35: {  	s10 =	sld [smem:$0x3FB2];
	_ =	sdelay $0x3  }
0x36: {  	p1 =	seq.s32 s10, $0x1;
	s10 =	sld [smem:$0x3FB3];
	_ =	sdelay $0x3  }
0x37: {  	[smem:$0x3FB3] =	sst s10  }
0x38: {  	s10 =	sld [smem:$0x3FB4]  }
0x39: {  	_ = 	snop;
	(pc) =	sbr.ind lr, $3  }
0x3a: {  	_ = 	snop  }
0x3b: {  	_ = 	snop  }
0x3c: {  	p2 =	seq.s32 s10, $0x1;
	s10 =	sld [smem:$0x3FB3]  }
0x3d: {  	_ =	shalt  }
0x3e: {  	_ =	shalt  }
0x3f: {  	_ =	shalt  }
0x40: {  	_ =	shalt  }
0x41: {  	_ =	shalt  }
0x42: {  	_ =	shalt  }
0x43: {  	_ =	shalt  }
0x44: {  	_ =	shalt  }
0x45: {  	_ =	shalt  }
0x46: {  	_ =	shalt  }
0x47: {  	_ =	shalt  }
0x48: {  	_ =	shalt  }
0x49: {  	_ =	shalt  }
0x4a: {  	_ =	shalt  }
0x4b: {  	_ =	shalt  }
0x4c: {  	_ =	shalt  }
0x4d: {  	_ =	shalt  }
0x4e: {  	_ =	shalt  }
0x4f: {  	_ =	shalt  }
0x50: {  	_ =	shalt  }
0x51: {  	_ =	shalt  }
0x52: {  	_ =	shalt  }
0x53: {  	_ =	shalt  }
0x54: {  	_ =	shalt  }
0x55: {  	_ =	shalt  }
0x56: {  	_ =	shalt  }
0x57: {  	_ =	shalt  }
0x58: {  	_ =	shalt  }
0x59: {  	_ =	shalt  }
0x5a: {  	_ =	shalt  }
0x5b: {  	_ =	shalt  }
0x5c: {  	_ =	shalt  }
0x5d: {  	_ =	shalt  }
0x5e: {  	_ =	shalt  }
0x5f: {  	_ =	shalt  }
0x60: {  	_ =	shalt  }
0x61: {  	_ =	shalt  }
0x62: {  	_ =	shalt  }
0x63: {  	_ =	shalt  }
0x64: {  	_ =	shalt  }
0x65: {  	_ =	shalt  }
0x66: {  	_ =	shalt  }
0x67: {  	_ =	shalt  }
0x68: {  	_ =	shalt  }
0x69: {  	_ =	shalt  }
0x6a: {  	_ =	shalt  }
0x6b: {  	_ =	shalt  }
0x6c: {  	_ =	shalt  }
0x6d: {  	_ =	shalt  }
0x6e: {  	_ =	shalt  }
0x6f: {  	_ =	shalt  }
0x70: {  	_ =	shalt  }
0x71: {  	_ =	shalt  }
0x72: {  	_ =	shalt  }
0x73: {  	_ =	shalt  }
0x74: {  	_ =	shalt  }
0x75: {  	_ =	shalt  }
0x76: {  	_ =	shalt  }
0x77: {  	_ =	shalt  }
0x78: {  	_ =	shalt  }
0x79: {  	_ =	shalt  }
0x7a: {  	_ =	shalt  }
0x7b: {  	_ =	shalt  }
0x7c: {  	_ =	shalt  }
0x7d: {  	_ =	shalt  }
0x7e: {  	_ =	shalt  }
0x7f: {  	_ =	shalt  }
0x80: {  	_ =	shalt  }
0x81: {  	_ =	shalt  }
0x82: {  	_ =	shalt  }
0x83: {  	_ =	shalt  }
0x84: {  	_ =	shalt  }
0x85: {  	_ =	shalt  }
0x86: {  	_ =	shalt  }
0x87: {  	_ =	shalt  }
.Lfunc_end0:
.L_simem_size_0:
called_computation.2_lowered:
.L_overlay_start_0:
0x88: {  	s2 =	sld [smem:$0x3FD9]  }
0x89: {  	s3 =	sld [smem:$0x3FFE];
	_ =	sdelay $0x1  }
0x8a: {  	s1 =	srdreg.scid  }
0x8b: {  	s0 =	sand.u32 $0x1, s1  }
0x8c: {  	s16 =	sshll.u32 s0, $0xA;
	s2 =	sadd.s32 s3, s2  }
0x8d: {  	s2 =	sadd.s32 s2, s16  }
0x8e: {  	[smem:$0x3FBF] =	sst s2  }
0x8f: {  	_ = 	snop  }
0x90: {  	(tm) =	ssettm $0x1  }
0x91: {  	s17 =	sld [smem:$0x3FFB];
	_ =	sdelay $0x3  }
0x92: {  	_ =	strace s17  }
0x93: {  	s2 =	sld [smem:$0x3FFC];
	_ =	sdelay $0x3  }
0x94: {  	_ =	strace s2  }
0x95: {  	s2 =	sld [smem:$0x3FFD];
	_ =	sdelay $0x3  }
0x96: {  	_ =	strace s2  }
0x97: {  	_ =	strace $0x8FFFFFFF  }
0x98: {  	s18 =	sld [smem:$0x3FDB];
	_ =	sdelay $0x1  }
0x99: {  	s19 =	simm.s32 $_scs_section_size  }
0x9a: {  	s4 =	simm.s32 $_size__tile_overlayer_lowered;
	s5 =	simm.s32 $_tile_overlayer_lowered  }
0x9b: {  	s22 =	simm.s32 $0x1BFF;
	s21 =	sshll.u32 s5, $0x1;
	s2 =	sadd.s32 s19, s18  }
0x9c: {  	s6 =	simm.s32 $0x0;
	s20 =	sshll.u32 s4, $0x1;
	s4 =	sadd.s32 s21, s2  }
0x9d: {  	[timem:s6], [sflag:s22] =	dma.local [hbm:s4], s20  }
0x9e: {  	_ =	swait.ge [sflag:s22], s20  }
0x9f: {  	s3 =	ssub.s32 $0x0, s20;
	[sflag:s22] =	ssyncset.done $0x0  }
0xa0: {  	[sflag:s22] =	ssyncadd.s32 s3;
	_ =	sdelay $0x1  }
0xa1: {  	s23 =	simm.s32 $0x1B8B  }
0xa2: {  	_ =	swait.ge [sflag:s23], $0x1  }
0xa3: {  	[sflag:s23] =	ssyncset.done $0x0  }
0xa4: {  	s25 =	simm.s32 $0x1B8E;
	s24 =	sld [smem:$0x3FFE];
	[sflag:s23] =	ssyncadd.s32 $0xFFFFFFFF  }
0xa5: {  	s26 =	simm.s32 $execute0_lowered;
	[smem:$0x3FD2] =	sst s25  }
0xa6: {  	s4 =	sshll.u32 s26, $0x1;
	_ =	strace $0x8000004C;
	[dreg:$0x1] =	wrdreg $0xFFFFFFFF  }
0xa7: {  	s28 =	simm.s32 $_size_execute0_lowered;
	s2 =	sadd.s32 s2, s4;
	[dreg:$0x0] =	wrdreg $0x0  }
0xa8: {  	s4 =	sshll.u32 s28, $0x1;
	[dreg:$0x2] =	wrdreg s2  }
0xa9: {  	[dreg:$0x3] =	wrdreg s4  }
0xaa: {  	[dreg:$0x4] =	wrdreg $0xC0  }
0xab: {  	_ =	task [dreg:s6], $0x5FFFF  }
0xac: {  	[dreg:$0x1] =	wrdreg $0xFFFFFFFF  }
0xad: {  	[dreg:$0x0] =	wrdreg $0x60  }
0xae: {  	[dreg:$0x2] =	wrdreg s24  }
0xaf: {  	[dreg:$0x3] =	wrdreg $0x0  }
0xb0: {  	[dreg:$0x4] =	wrdreg $0x9  }
0xb1: {  	_ =	task.clear_ibuf [dreg:s6], $0x5FFFF;
	_ =	strace $0x9000004C  }
0xb2: {  	s29 =	simm.s32 $0x9;
	_ =	strace $0x8000004E  }
0xb3: {  	_ =	swait.ge [sflag:s29], $0x1  }
0xb4: {  	[sflag:s29] =	ssyncadd.s32 $0xFFFFFFFF  }
0xb5: {  	_ =	strace $0x9000004E  }
0xb6: {  	_ =	sfence  }
0xb7: {  	s30 =	sld [smem:$0x0];
	_ =	sdelay $0x2  }
0xb8: {  	s31 =	sshll.u32 s1, $0xD;
	s1 =	sshrl.u32 s1, $0x2  }
0xb9: {  	s3 =	sand.u32 $0x4000, s31;
	s1 =	sadd.s32 s1, s30  }
0xba: {  	s0 =	sor.u32 s3, s0;
	s1 =	sshll.u32 s1, $0x11  }
0xbb: {  	s0 =	sor.u32 s1, s0  }
0xbc: {  	s0 =	sadd.s32 $0x8F2B, s0  }
0xbd: {  	[sflag:s0] =	ssyncadd.remote.s32 $0x1  }
0xbe: {  	_ =	sfence.sel $0xFFFF  }
0xbf: {  	[dreg:$0x0] =	wrdreg $0xFFFFFFFF;
	(pc) =	sbr.abs _section_cstart, $3  }
0xc0: {  	[dreg:$0x1] =	wrdreg $0xFFFFFFFF  }
0xc1: {  	_ =	task.clear_ibuf [dreg:s6], $0x2FFFF;
	_ =	strace $0x9FFFFFFF  }
0xc2: {  	(tm) =	ssettm $0x7FFFFFFF  }
0xc3: {  	_ =	shalt  }
tec
execute0_lowered:
.L_overlay_start_1:
0x0: {  	(tag) =	ssettag $0x1  }
0x1: {  	s1 =	rddreg [dreg:$0x0]  }
0x2: {  	s0 =	srdreg.scid;
	s2 =	rddreg [dreg:$0x1]  }
0x3: {  	s12 =	stileid.u32;
	s3 =	simm.s32 $0x0;
	s9 =	simm.s32 $0x9E00  }
0x4: {  	s10 =	simm.s32 $0x9;
	s14 =	simm.s32 $0x80;
	s15 =	simm.s32 $0xEE00  }
0x5: {  	s17 =	simm.s32 $0x10E00;
	s19 =	simm.s32 $0x12E00;
	s21 =	simm.s32 $0x14E00  }
0x6: {  	s22 =	simm.s32 $0x1;
	s23 =	simm.s32 $0x2;
	s28 =	simm.s32 $0x5  }
0x7: {  	s29 =	simm.s32 $0x6;
	s30 =	simm.s32 $0x7;
	s31 =	simm.s32 $0x8  }
0x8: {  	s16 =	simm.s32 $0xED80;
	s18 =	simm.s32 $0x0;
	s0 =	sand.u32 $0x1, s0  }
0x9: {  	[smem:$0x7FF] =	sst s3;
	s7 =	smul.u32 $0x9E00, s12;
	s26 =	sshll.u32 s12, $0x6  }
0xa: {  	s4 =	sshll.u32 s0, $0x4;
	s6 =	smul.u32 $0x13C00, s0;
	s0 =	ssub.s32 $0x2, s0  }
0xb: {  	_ =	strace $0x8000004D;
	s4 =	sor.u32 s12, s4;
	s25 =	sshrl.u32 s0, $0x1  }
0xc: {  	s11 =	sshrl.u32 s7, $0x3;
	s13 =	sadd.s32 s7, s2;
	s12 =	sor.u32 $0x1C09, s26  }
0xd: {  	s26 =	simm.s32 $0x4;
	s5 =	smul.u32 $0x500, s4;
	s4 =	sadd.s32 $0x48600, s1  }
0xe: {  	s0 =	ssub.s32 s0, s25;
	s13 =	sshrl.u32 s13, $0x3;
	s25 =	simm.s32 $0x3  }
0xf: {  	s7 =	sadd.s32 s4, s11;
	s8 =	sadd.s32 s5, s1;
	s1 =	sadd.s32 s6, s1  }
0x10: {  	s5 =	sadd.s32 $0x16E00, s8;
	s6 =	sadd.s32 $0x2A00, s8;
	s1 =	sadd.s32 $0x5C200, s1  }
0x11: {  	s8 =	smax.u32 s0, $0x1;
	s24 =	sadd.s32 s11, s1;
	s11 =	simm.s32 $0xED00  }
.LBB2_1:
0x12: {  	[tilespmem:s9], [sflag:$0x9] =	stream.linear.gather [hbm4b:s5+s3], $0x2800, $0x38;
	[tilespmem:$0x16E00] =	vst v63  }
0x13: {  	_ =	swait.ge [sflag:s10], $0x2800  }
0x14: {  	[sflag:s10] =	ssyncset.done $0x0  }
0x15: {  	s0 =	simm.s32 $0xC600;
	[sflag:s10] =	ssyncadd.s32 $0xFFFFD800  }
0x16: {  	[tilespmem:s0], [sflag:$0x9] =	stream.linear.gather [hbm4b:s6+s3], $0x2800, $0x38;
	[tilespmem:$0x16E00] =	vst v63  }
0x17: {  	_ =	swait.ge [sflag:s10], $0x2800  }
0x18: {  	[sflag:s10] =	ssyncset.done $0x0  }
0x19: {  	[sflag:s10] =	ssyncadd.s32 $0xFFFFD800  }
0x1a: {  	[spmem:s13], [sflag:s12] =	dma.local [hbm:s7], $0x13C0  }
0x1b: {  	_ =	swait.ge [sflag:s10], $0x13C0  }
0x1c: {  	[sflag:s10] =	ssyncset.done $0x0  }
0x1d: {  	[sflag:s10] =	ssyncadd.s32 $0xFFFFEC40  }
0x1e: {  	[bflag:$0x0] =	sbarrier.arrive $0xFFFF  }
0x1f: {  	[tilespmem:s15], [sflag:$0x1] =	stream.indirect.gather [hbm4b:s4+s14], $0x40, s9, s14, $0xb8;
	[tilespmem:$0x16E00] =	vst v63  }
0x20: {  	s1 =	simm.s32 $0x9E80  }
0x21: {  	[tilespmem:s17], [sflag:$0x2] =	stream.indirect.gather [hbm4b:s4+s14], $0x40, s1, s14, $0xb8;
	[tilespmem:$0x16E00] =	vst v63  }
0x22: {  	s20 =	simm.s32 $0x9F00  }
0x23: {  	[tilespmem:s19], [sflag:$0x3] =	stream.indirect.gather [hbm4b:s4+s14], $0x40, s20, s14, $0xb8;
	[tilespmem:$0x16E00] =	vst v63  }
0x24: {  	s1 =	simm.s32 $0x9F80  }
0x25: {  	[tilespmem:s21], [sflag:$0x4] =	stream.indirect.gather [hbm4b:s4+s14], $0x40, s1, s14, $0xb8;
	[tilespmem:$0x16E00] =	vst v63  }
0x26: {  	_ =	swait.ge [sflag:s22], $0x2000  }
0x27: {  	[sflag:s22] =	ssyncset.done $0x0  }
0x28: {  	s20 =	simm.s32 $0xC600;
	[sflag:s22] =	ssyncadd.s32 $0xFFFFE000  }
0x29: {  	[spmem:s2] =	stream.indirect.scatter.add.f32 [tilespmem:s15], [sflag:$0x5], $0x40, s20, s14, $0xb8;
	[tilespmem:$0x16E00] =	vst v63  }
0x2a: {  	_ =	swait.ge [sflag:s23], $0x2000  }
0x2b: {  	[sflag:s23] =	ssyncset.done $0x0  }
0x2c: {  	s1 =	simm.s32 $0xC680;
	[sflag:s23] =	ssyncadd.s32 $0xFFFFE000  }
0x2d: {  	[spmem:s2] =	stream.indirect.scatter.add.f32 [tilespmem:s17], [sflag:$0x6], $0x40, s1, s14, $0xb8;
	[tilespmem:$0x16E00] =	vst v63  }
0x2e: {  	_ =	swait.ge [sflag:s25], $0x2000  }
0x2f: {  	[sflag:s25] =	ssyncset.done $0x0  }
0x30: {  	s20 =	simm.s32 $0xC700;
	[sflag:s25] =	ssyncadd.s32 $0xFFFFE000  }
0x31: {  	[spmem:s2] =	stream.indirect.scatter.add.f32 [tilespmem:s19], [sflag:$0x7], $0x40, s20, s14, $0xb8;
	[tilespmem:$0x16E00] =	vst v63  }
0x32: {  	_ =	swait.ge [sflag:s26], $0x2000  }
0x33: {  	[sflag:s26] =	ssyncset.done $0x0  }
0x34: {  	s1 =	simm.s32 $0xC780;
	[sflag:s26] =	ssyncadd.s32 $0xFFFFE000  }
0x35: {  	[spmem:s2] =	stream.indirect.scatter.add.f32 [tilespmem:s21], [sflag:$0x8], $0x40, s1, s14, $0xb8;
	[tilespmem:$0x16E00] =	vst v63  }
0x36: {  	_ =	swait.ge [sflag:s28], $0x2000  }
0x37: {  	[sflag:s28] =	ssyncset.done $0x0  }
0x38: {  	s20 =	simm.s32 $0xA000;
	[sflag:s28] =	ssyncadd.s32 $0xFFFFE000  }
0x39: {  	[tilespmem:s15], [sflag:$0x1] =	stream.indirect.gather [hbm4b:s4+s14], $0x40, s20, s14, $0xb8;
	[tilespmem:$0x16E00] =	vst v63  }
0x3a: {  	_ =	swait.ge [sflag:s29], $0x2000  }
0x3b: {  	[sflag:s29] =	ssyncset.done $0x0  }
0x3c: {  	s1 =	simm.s32 $0xA080;
	[sflag:s29] =	ssyncadd.s32 $0xFFFFE000  }
0x3d: {  	[tilespmem:s17], [sflag:$0x2] =	stream.indirect.gather [hbm4b:s4+s14], $0x40, s1, s14, $0xb8;
	[tilespmem:$0x16E00] =	vst v63  }
0x3e: {  	_ =	swait.ge [sflag:s30], $0x2000  }
0x3f: {  	[sflag:s30] =	ssyncset.done $0x0  }
0x40: {  	s20 =	simm.s32 $0xA100;
	[sflag:s30] =	ssyncadd.s32 $0xFFFFE000  }
0x41: {  	[tilespmem:s19], [sflag:$0x3] =	stream.indirect.gather [hbm4b:s4+s14], $0x40, s20, s14, $0xb8;
	[tilespmem:$0x16E00] =	vst v63  }
0x42: {  	_ =	swait.ge [sflag:s31], $0x2000  }
0x43: {  	[sflag:s31] =	ssyncset.done $0x0  }
0x44: {  	s0 =	simm.s32 $0xA180;
	s20 =	simm.s32 $0x800;
	[sflag:s31] =	ssyncadd.s32 $0xFFFFE000  }
.LBB2_2:
0x45: {  	[tilespmem:s21], [sflag:$0x4] =	stream.indirect.gather [hbm4b:s4+s14], $0x40, s0, s14, $0xb8;
	[tilespmem:$0x16E00] =	vst v63  }
0x46: {  	s0 =	smov.u32 s20  }
0x47: {  	p0 =	sne.s32 s20, $0x9000;
	s20 =	sadd.s32 $0x800, s20;
	_ =	swait.ge [sflag:s22], $0x2000  }
0x48: {  	s0 =	sshra.s32 s0, $0x2;
	[sflag:s22] =	ssyncset.done $0x0  }
0x49: {  	s1 =	sadd.s32 $0xC600, s0;
	[sflag:s22] =	ssyncadd.s32 $0xFFFFE000  }
0x4a: {  	[spmem:s2] =	stream.indirect.scatter.add.f32 [tilespmem:s15], [sflag:$0x5], $0x40, s1, s14, $0xb8;
	[tilespmem:$0x16E00] =	vst v63  }
0x4b: {  	_ =	swait.ge [sflag:s23], $0x2000  }
0x4c: {  	[sflag:s23] =	ssyncset.done $0x0  }
0x4d: {  	s1 =	sadd.s32 $0xC680, s0;
	[sflag:s23] =	ssyncadd.s32 $0xFFFFE000  }
0x4e: {  	[spmem:s2] =	stream.indirect.scatter.add.f32 [tilespmem:s17], [sflag:$0x6], $0x40, s1, s14, $0xb8;
	[tilespmem:$0x16E00] =	vst v63  }
0x4f: {  	_ =	swait.ge [sflag:s25], $0x2000  }
0x50: {  	[sflag:s25] =	ssyncset.done $0x0  }
0x51: {  	s1 =	sadd.s32 $0xC700, s0;
	[sflag:s25] =	ssyncadd.s32 $0xFFFFE000  }
0x52: {  	[spmem:s2] =	stream.indirect.scatter.add.f32 [tilespmem:s19], [sflag:$0x7], $0x40, s1, s14, $0xb8;
	[tilespmem:$0x16E00] =	vst v63  }
0x53: {  	_ =	swait.ge [sflag:s26], $0x2000  }
0x54: {  	[sflag:s26] =	ssyncset.done $0x0  }
0x55: {  	s1 =	sadd.s32 $0xC780, s0;
	[sflag:s26] =	ssyncadd.s32 $0xFFFFE000  }
0x56: {  	[spmem:s2] =	stream.indirect.scatter.add.f32 [tilespmem:s21], [sflag:$0x8], $0x40, s1, s14, $0xb8;
	[tilespmem:$0x16E00] =	vst v63  }
0x57: {  	_ =	swait.ge [sflag:s28], $0x2000  }
0x58: {  	[sflag:s28] =	ssyncset.done $0x0  }
0x59: {  	s1 =	sadd.s32 $0xA000, s0;
	[sflag:s28] =	ssyncadd.s32 $0xFFFFE000  }
0x5a: {  	[tilespmem:s15], [sflag:$0x1] =	stream.indirect.gather [hbm4b:s4+s14], $0x40, s1, s14, $0xb8;
	[tilespmem:$0x16E00] =	vst v63  }
0x5b: {  	_ =	swait.ge [sflag:s29], $0x2000  }
0x5c: {  	[sflag:s29] =	ssyncset.done $0x0  }
0x5d: {  	s1 =	sadd.s32 $0xA080, s0;
	[sflag:s29] =	ssyncadd.s32 $0xFFFFE000  }
0x5e: {  	[tilespmem:s17], [sflag:$0x2] =	stream.indirect.gather [hbm4b:s4+s14], $0x40, s1, s14, $0xb8;
	[tilespmem:$0x16E00] =	vst v63  }
0x5f: {  	_ =	swait.ge [sflag:s30], $0x2000  }
0x60: {  	[sflag:s30] =	ssyncset.done $0x0  }
.Ltmp0:
0x61: {  	s1 =	sadd.s32 $0xA100, s0;
	[sflag:s30] =	ssyncadd.s32 $0xFFFFE000;
	(pc) =	sbr.rel @p0 .LBB2_2-.Ltmp0, $4  }
0x62: {  	[tilespmem:s19], [sflag:$0x3] =	stream.indirect.gather [hbm4b:s4+s14], $0x40, s1, s14, $0xb8;
	[tilespmem:$0x16E00] =	vst v63  }
0x63: {  	_ =	swait.ge [sflag:s31], $0x2000  }
0x64: {  	[sflag:s31] =	ssyncset.done $0x0  }
0x65: {  	s0 =	sadd.s32 $0xA180, s0;
	[sflag:s31] =	ssyncadd.s32 $0xFFFFE000  }
0x66: {  	[tilespmem:s21], [sflag:$0x4] =	stream.indirect.gather [hbm4b:s4+s14], $0x40, s0, s14, $0xb8;
	[tilespmem:$0x16E00] =	vst v63  }
0x67: {  	_ =	swait.ge [sflag:s22], $0x2000  }
0x68: {  	[sflag:s22] =	ssyncset.done $0x0  }
0x69: {  	s1 =	simm.s32 $0xEC00;
	[sflag:s22] =	ssyncadd.s32 $0xFFFFE000  }
0x6a: {  	[spmem:s2] =	stream.indirect.scatter.add.f32 [tilespmem:s15], [sflag:$0x5], $0x40, s1, s14, $0xb8;
	[tilespmem:$0x16E00] =	vst v63  }
0x6b: {  	_ =	swait.ge [sflag:s23], $0x2000  }
0x6c: {  	[sflag:s23] =	ssyncset.done $0x0  }
0x6d: {  	s20 =	simm.s32 $0xEC80;
	[sflag:s23] =	ssyncadd.s32 $0xFFFFE000  }
0x6e: {  	[spmem:s2] =	stream.indirect.scatter.add.f32 [tilespmem:s17], [sflag:$0x6], $0x40, s20, s14, $0xb8;
	[tilespmem:$0x16E00] =	vst v63  }
0x6f: {  	_ =	swait.ge [sflag:s25], $0x2000  }
0x70: {  	[sflag:s25] =	ssyncset.done $0x0  }
0x71: {  	[sflag:s25] =	ssyncadd.s32 $0xFFFFE000  }
0x72: {  	[spmem:s2] =	stream.indirect.scatter.add.f32 [tilespmem:s19], [sflag:$0x7], $0x40, s11, s14, $0xb8;
	[tilespmem:$0x16E00] =	vst v63  }
0x73: {  	_ =	swait.ge [sflag:s26], $0x2000  }
0x74: {  	[sflag:s26] =	ssyncset.done $0x0  }
0x75: {  	[sflag:s26] =	ssyncadd.s32 $0xFFFFE000  }
0x76: {  	[spmem:s2] =	stream.indirect.scatter.add.f32 [tilespmem:s21], [sflag:$0x8], $0x40, s16, s14, $0xb8;
	[tilespmem:$0x16E00] =	vst v63  }
0x77: {  	_ =	swait.ge [sflag:s28], $0x2000  }
0x78: {  	[sflag:s28] =	ssyncset.done $0x0  }
0x79: {  	[sflag:s28] =	ssyncadd.s32 $0xFFFFE000  }
0x7a: {  	_ =	swait.ge [sflag:s29], $0x2000  }
0x7b: {  	[sflag:s29] =	ssyncset.done $0x0  }
0x7c: {  	[sflag:s29] =	ssyncadd.s32 $0xFFFFE000  }
0x7d: {  	_ =	swait.ge [sflag:s30], $0x2000  }
0x7e: {  	[sflag:s30] =	ssyncset.done $0x0  }
0x7f: {  	[sflag:s30] =	ssyncadd.s32 $0xFFFFE000  }
0x80: {  	_ =	swait.ge [sflag:s31], $0x2000  }
0x81: {  	s18 =	sadd.s32 $0x1, s18;
	[sflag:s31] =	ssyncset.done $0x0  }
0x82: {  	p0 =	sne.s32 s18, s8;
	[sflag:s31] =	ssyncadd.s32 $0xFFFFE000  }
.Ltmp1:
0x83: {  	[bflag:$0x0] =	sbarrier.arrive $0xFFFF;
	(pc) =	sbr.rel @p0 .LBB2_1-.Ltmp1, $4  }
0x84: {  	[hbm:s24], [sflag:s12] =	dma.local [spmem:s13], $0x13C0  }
0x85: {  	_ =	swait.ge [sflag:s10], $0x13C0  }
0x86: {  	[sflag:s10] =	ssyncset.done $0x0  }
0x87: {  	[sflag:s10] =	ssyncadd.s32 $0xFFFFEC40  }
0x88: {  	_ =	sfence.sel $0x180000  }
0x89: {  	[bflag:$0x0] =	sbarrier.arrive $0xFFFF  }
0x8a: {  	_ =	strace $0x9000004D  }
0x8b: {  	s0 =	stileid.u32;
	[bflag:$0x2] =	sbarrier.arrive $0xFFFF  }
0x8c: {  	p0 =	sne.s32 s0, $0x0;
	s0 =	rddreg [dreg:$0x2]  }
0x8d: {  	s0 =	sadd.s32 @!p0 $0x100000, s0  }
0x8e: {  	[sflag:s0] =	ssyncadd.tile.s32 @!p0 $0x1;
	_ =	shalt  }
.Lfunc_end2:
_tile_overlayer_lowered:
.L_overlay_start_2:
0x8f: {  	(tag) =	ssettag $0x2  }
0x90: {  	s0 =	rddreg [dreg:$0x0];
	s2 =	stileid.u32  }
0x91: {  	s1 =	rddreg [dreg:$0x1];
	p0 =	sne.s32 s2, $0x0  }
0x92: {  	s3 =	rddreg [dreg:$0x2];
	[bflag:$0x3] =	sbarrier.arrive $0xFFFF;
	s2 =	simm.s32 @!p0 $0x1C09  }
0x93: {  	[timem:s3], [sflag:s2] =	dma.local @!p0 [hbm:s0], s1  }
0x94: {  	s0 =	simm.s32 @!p0 $0x9  }
0x95: {  	_ =	swait.ge @!p0 [sflag:s0], s1  }
0x96: {  	s1 =	ssub.s32 @!p0 $0x0, s1;
	[sflag:s0] =	ssyncset.done @!p0 $0x0  }
0x97: {  	[sflag:s0] =	ssyncadd.s32 @!p0 s1  }
0x98: {  	[bflag:$0x3] =	sbarrier.arrive $0xFFFF  }
0x99: {  	_ =	shalt  }

// kernel: kernel.19.cloned.1.call-start
scs
__scs_entry_jumppad:
0x0: {  	(pc) =	sbr.rel $0x88, $3  }
0x1: {  	(tag) =	ssettag $0x0;
	lr =	simm.s32 $0x1  }
0x2: {  	[smem:$0x3F98] =	sst lr;
	_ =	strace $0xD0000000  }
0x3: {  	_ = 	snop  }
0x4: {  	_ = 	snop  }
0x5: {  	_ = 	snop  }
0x6: {  	_ = 	snop  }
0x7: {  	_ = 	snop  }
__scs_overlays_trampoline_lowered:
0x8: {  	[smem:$0x3FA7] =	sst s0  }
0x9: {  	[smem:$0x3FA8] =	sst s1  }
0xa: {  	[smem:$0x3FA9] =	sst s2  }
0xb: {  	[smem:$0x3FAA] =	sst s3  }
0xc: {  	[smem:$0x3FAB] =	sst s4  }
0xd: {  	[smem:$0x3FAC] =	sst s5  }
0xe: {  	[smem:$0x3FAD] =	sst s6  }
0xf: {  	[smem:$0x3FAE] =	sst s7  }
0x10: {  	[smem:$0x3FAF] =	sst s8  }
0x11: {  	[smem:$0x3FB0] =	sst s9;
	s0 =	simm.s32 @!p0 $0x0  }
0x12: {  	s1 =	sld [smem:$0x3F96];
	s0 =	simm.s32 @p0 $0x1  }
0x13: {  	[smem:$0x3FB1] =	sst s0;
	s0 =	simm.s32 @!p1 $0x0  }
0x14: {  	s2 =	sld [smem:$0x3F95];
	s0 =	simm.s32 @p1 $0x1  }
0x15: {  	[smem:$0x3FB2] =	sst s0;
	s0 =	simm.s32 @!p2 $0x0  }
0x16: {  	s3 =	sld [smem:$0x3FDB];
	s0 =	simm.s32 @p2 $0x1  }
0x17: {  	s4 =	simm.s32 $0x1BF5;
	[smem:$0x3FB4] =	sst s0  }
0x18: {  	s0 =	sld [smem:$0x3F97];
	_ =	swait.ge [sflag:s4], $0x0  }
0x19: {  	s7 =	sld [smem:$0x3F98]  }
0x1a: {  	s8 =	sadd.s32 $0xFFFFE003, lr  }
0x1b: {  	s9 =	sadd.s32 $0xFFFFFEF7, lr;
	s5 =	simm.s32 $0xFFFFFFFF;
	p2 =	slt.u32 s8, $0xFFFFF086  }
0x1c: {  	p1 =	slt.u32 s9, $0xF7A;
	s5 =	simm.s32 @!p2 $0x0  }
0x1d: {  	s5 =	simm.s32 @p1 $0x1;
	p0 =	seq.s32 s7, s2  }
0x1e: {  	s7 =	smul.u32 @!p0 $0xF7A, s2;
	p2 =	seq.s32 @!p0 s5, $0x0  }
0x1f: {  	s9 =	smul.u32 $0xF7A, s1;
	s8 =	simm.s32 @!p0 $0x1BF5;
	p2 =	por !p2, p0  }
0x20: {  	[sflag:s8] =	ssyncset.s32 @!p0 $0xFFFFF086;
	s6 =	sadd.s32 @!p0 s3, s7;
	s7 =	simm.s32 @!p0 $0x108  }
0x21: {  	s3 =	sadd.s32 s3, s9;
	s6 =	sadd.s32 @!p0 $0x88, s6;
	s7 =	simm.s32 @p2 $0x1082  }
0x22: {  	[simem:s7], [sflag:s8] =	dma.local @!p0 [hbm:s6], $0xF7A  }
0x23: {  	s9 =	sor.u32 $0xD0000000, s2;
	s6 =	simm.s32 $0x108;
	_ =	swait.ge @!p0 [sflag:s8], $0x0  }
0x24: {  	s3 =	sadd.s32 $0x88, s3;
	s6 =	simm.s32 @!p1 $0x1082;
	[sflag:s4] =	ssyncset.s32 $0xFFFFF086  }
0x25: {  	[simem:s6], [sflag:s4] =	dma.local [hbm:s3], $0xF7A  }
0x26: {  	[smem:$0x3F98] =	sst s1;
	(tag) =	ssettag s2;
	_ =	strace s9  }
0x27: {  	s1 =	sld [smem:$0x3FA8]  }
0x28: {  	s2 =	sld [smem:$0x3FA9]  }
0x29: {  	s4 =	sld [smem:$0x3FAB]  }
0x2a: {  	p0 =	seq.s32 s5, $0x0;
	s5 =	sld [smem:$0x3FAC]  }
0x2b: {  	s6 =	sld [smem:$0x3FAD]  }
0x2c: {  	s7 =	sld [smem:$0x3FAE]  }
0x2d: {  	s3 =	simm.s32 $0x108;
	s8 =	sld [smem:$0x3FAF]  }
0x2e: {  	s3 =	simm.s32 @!p0 $0x1082;
	s9 =	sld [smem:$0x3FB0]  }
0x2f: {  	lr =	sadd.s32 s0, s3;
	s0 =	sld [smem:$0x3FA7]  }
0x30: {  	s3 =	sld [smem:$0x3FAA]  }
0x31: {  	[smem:$0x3FB3] =	sst s10  }
0x32: {  	s10 =	sld [smem:$0x3FB1];
	_ =	sdelay $0x3  }
0x33: {  	p0 =	seq.s32 s10, $0x1;
	s10 =	sld [smem:$0x3FB3];
	_ =	sdelay $0x3  }
0x34: {  	[smem:$0x3FB3] =	sst s10  }
0x35: {  	s10 =	sld [smem:$0x3FB2];
	_ =	sdelay $0x3  }
0x36: {  	p1 =	seq.s32 s10, $0x1;
	s10 =	sld [smem:$0x3FB3];
	_ =	sdelay $0x3  }
0x37: {  	[smem:$0x3FB3] =	sst s10  }
0x38: {  	s10 =	sld [smem:$0x3FB4]  }
0x39: {  	_ = 	snop;
	(pc) =	sbr.ind lr, $3  }
0x3a: {  	_ = 	snop  }
0x3b: {  	_ = 	snop  }
0x3c: {  	p2 =	seq.s32 s10, $0x1;
	s10 =	sld [smem:$0x3FB3]  }
0x3d: {  	_ =	shalt  }
0x3e: {  	_ =	shalt  }
0x3f: {  	_ =	shalt  }
0x40: {  	_ =	shalt  }
0x41: {  	_ =	shalt  }
0x42: {  	_ =	shalt  }
0x43: {  	_ =	shalt  }
0x44: {  	_ =	shalt  }
0x45: {  	_ =	shalt  }
0x46: {  	_ =	shalt  }
0x47: {  	_ =	shalt  }
0x48: {  	_ =	shalt  }
0x49: {  	_ =	shalt  }
0x4a: {  	_ =	shalt  }
0x4b: {  	_ =	shalt  }
0x4c: {  	_ =	shalt  }
0x4d: {  	_ =	shalt  }
0x4e: {  	_ =	shalt  }
0x4f: {  	_ =	shalt  }
0x50: {  	_ =	shalt  }
0x51: {  	_ =	shalt  }
0x52: {  	_ =	shalt  }
0x53: {  	_ =	shalt  }
0x54: {  	_ =	shalt  }
0x55: {  	_ =	shalt  }
0x56: {  	_ =	shalt  }
0x57: {  	_ =	shalt  }
0x58: {  	_ =	shalt  }
0x59: {  	_ =	shalt  }
0x5a: {  	_ =	shalt  }
0x5b: {  	_ =	shalt  }
0x5c: {  	_ =	shalt  }
0x5d: {  	_ =	shalt  }
0x5e: {  	_ =	shalt  }
0x5f: {  	_ =	shalt  }
0x60: {  	_ =	shalt  }
0x61: {  	_ =	shalt  }
0x62: {  	_ =	shalt  }
0x63: {  	_ =	shalt  }
0x64: {  	_ =	shalt  }
0x65: {  	_ =	shalt  }
0x66: {  	_ =	shalt  }
0x67: {  	_ =	shalt  }
0x68: {  	_ =	shalt  }
0x69: {  	_ =	shalt  }
0x6a: {  	_ =	shalt  }
0x6b: {  	_ =	shalt  }
0x6c: {  	_ =	shalt  }
0x6d: {  	_ =	shalt  }
0x6e: {  	_ =	shalt  }
0x6f: {  	_ =	shalt  }
0x70: {  	_ =	shalt  }
0x71: {  	_ =	shalt  }
0x72: {  	_ =	shalt  }
0x73: {  	_ =	shalt  }
0x74: {  	_ =	shalt  }
0x75: {  	_ =	shalt  }
0x76: {  	_ =	shalt  }
0x77: {  	_ =	shalt  }
0x78: {  	_ =	shalt  }
0x79: {  	_ =	shalt  }
0x7a: {  	_ =	shalt  }
0x7b: {  	_ =	shalt  }
0x7c: {  	_ =	shalt  }
0x7d: {  	_ =	shalt  }
0x7e: {  	_ =	shalt  }
0x7f: {  	_ =	shalt  }
0x80: {  	_ =	shalt  }
0x81: {  	_ =	shalt  }
0x82: {  	_ =	shalt  }
0x83: {  	_ =	shalt  }
0x84: {  	_ =	shalt  }
0x85: {  	_ =	shalt  }
0x86: {  	_ =	shalt  }
0x87: {  	_ =	shalt  }
.Lfunc_end0:
.L_simem_size_0:
called_computation.3_lowered:
.L_overlay_start_0:
0x88: {  	s2 =	sld [smem:$0x3FD9]  }
0x89: {  	s3 =	sld [smem:$0x3FFE];
	_ =	sdelay $0x1  }
0x8a: {  	s1 =	srdreg.scid  }
0x8b: {  	s0 =	sand.u32 $0x1, s1  }
0x8c: {  	s16 =	sshll.u32 s0, $0xA;
	s2 =	sadd.s32 s3, s2  }
0x8d: {  	s2 =	sadd.s32 s2, s16  }
0x8e: {  	[smem:$0x3FBF] =	sst s2  }
0x8f: {  	_ = 	snop  }
0x90: {  	(tm) =	ssettm $0x1  }
0x91: {  	s17 =	sld [smem:$0x3FFB];
	_ =	sdelay $0x3  }
0x92: {  	_ =	strace s17  }
0x93: {  	s2 =	sld [smem:$0x3FFC];
	_ =	sdelay $0x3  }
0x94: {  	_ =	strace s2  }
0x95: {  	s2 =	sld [smem:$0x3FFD];
	_ =	sdelay $0x3  }
0x96: {  	_ =	strace s2  }
0x97: {  	_ =	strace $0x8FFFFFFF  }
0x98: {  	s18 =	sld [smem:$0x3FDB];
	_ =	sdelay $0x1  }
0x99: {  	s19 =	simm.s32 $_scs_section_size  }
0x9a: {  	s4 =	simm.s32 $_size__tile_overlayer_lowered;
	s5 =	simm.s32 $_tile_overlayer_lowered  }
0x9b: {  	s22 =	simm.s32 $0x1BFF;
	s21 =	sshll.u32 s5, $0x1;
	s2 =	sadd.s32 s19, s18  }
0x9c: {  	s6 =	simm.s32 $0x0;
	s20 =	sshll.u32 s4, $0x1;
	s4 =	sadd.s32 s21, s2  }
0x9d: {  	[timem:s6], [sflag:s22] =	dma.local [hbm:s4], s20  }
0x9e: {  	_ =	swait.ge [sflag:s22], s20  }
0x9f: {  	s3 =	ssub.s32 $0x0, s20;
	[sflag:s22] =	ssyncset.done $0x0  }
0xa0: {  	[sflag:s22] =	ssyncadd.s32 s3;
	_ =	sdelay $0x1  }
0xa1: {  	s23 =	simm.s32 $0x1B8B  }
0xa2: {  	_ =	swait.ge [sflag:s23], $0x1  }
0xa3: {  	[sflag:s23] =	ssyncset.done $0x0  }
0xa4: {  	s25 =	simm.s32 $0x1B8E;
	s24 =	sld [smem:$0x3FFE];
	[sflag:s23] =	ssyncadd.s32 $0xFFFFFFFF  }
0xa5: {  	s26 =	simm.s32 $execute0_lowered;
	[smem:$0x3FD2] =	sst s25  }
0xa6: {  	s4 =	sshll.u32 s26, $0x1;
	_ =	strace $0x8000004F;
	[dreg:$0x1] =	wrdreg $0xFFFFFFFF  }
0xa7: {  	s28 =	simm.s32 $_size_execute0_lowered;
	s2 =	sadd.s32 s2, s4;
	[dreg:$0x0] =	wrdreg $0x0  }
0xa8: {  	s4 =	sshll.u32 s28, $0x1;
	[dreg:$0x2] =	wrdreg s2  }
0xa9: {  	[dreg:$0x3] =	wrdreg s4  }
0xaa: {  	[dreg:$0x4] =	wrdreg $0xC0  }
0xab: {  	_ =	task [dreg:s6], $0x5FFFF  }
0xac: {  	[dreg:$0x1] =	wrdreg $0xFFFFFFFF  }
0xad: {  	[dreg:$0x0] =	wrdreg $0x60  }
0xae: {  	[dreg:$0x2] =	wrdreg s24  }
0xaf: {  	[dreg:$0x3] =	wrdreg $0x0  }
0xb0: {  	[dreg:$0x4] =	wrdreg $0x9  }
0xb1: {  	_ =	task.clear_ibuf [dreg:s6], $0x5FFFF;
	_ =	strace $0x9000004F  }
0xb2: {  	s29 =	simm.s32 $0x9;
	_ =	strace $0x80000051  }
0xb3: {  	_ =	swait.ge [sflag:s29], $0x1  }
0xb4: {  	[sflag:s29] =	ssyncadd.s32 $0xFFFFFFFF  }
0xb5: {  	_ =	strace $0x90000051  }
0xb6: {  	_ =	sfence  }
0xb7: {  	s30 =	sld [smem:$0x0];
	_ =	sdelay $0x2  }
0xb8: {  	s31 =	sshll.u32 s1, $0xD;
	s1 =	sshrl.u32 s1, $0x2  }
0xb9: {  	s3 =	sand.u32 $0x4000, s31;
	s1 =	sadd.s32 s1, s30  }
0xba: {  	s0 =	sor.u32 s3, s0;
	s1 =	sshll.u32 s1, $0x11  }
0xbb: {  	s0 =	sor.u32 s1, s0  }
0xbc: {  	s0 =	sadd.s32 $0x8F2B, s0  }
0xbd: {  	[sflag:s0] =	ssyncadd.remote.s32 $0x1  }
0xbe: {  	_ =	sfence.sel $0xFFFF  }
0xbf: {  	[dreg:$0x0] =	wrdreg $0xFFFFFFFF;
	(pc) =	sbr.abs _section_cstart, $3  }
0xc0: {  	[dreg:$0x1] =	wrdreg $0xFFFFFFFF  }
0xc1: {  	_ =	task.clear_ibuf [dreg:s6], $0x2FFFF;
	_ =	strace $0x9FFFFFFF  }
0xc2: {  	(tm) =	ssettm $0x7FFFFFFF  }
0xc3: {  	_ =	shalt  }
tec
execute0_lowered:
.L_overlay_start_1:
0x0: {  	(tag) =	ssettag $0x1  }
0x1: {  	s1 =	rddreg [dreg:$0x0]  }
0x2: {  	s0 =	srdreg.scid;
	s2 =	rddreg [dreg:$0x1]  }
0x3: {  	s12 =	stileid.u32;
	s3 =	simm.s32 $0x0;
	s9 =	simm.s32 $0x4F00  }
0x4: {  	s10 =	simm.s32 $0x9;
	s14 =	simm.s32 $0x80;
	s15 =	simm.s32 $0x9F00  }
0x5: {  	s17 =	simm.s32 $0xAF00;
	s19 =	simm.s32 $0xBF00;
	s21 =	simm.s32 $0xCF00  }
0x6: {  	s22 =	simm.s32 $0x1;
	s23 =	simm.s32 $0x2;
	s28 =	simm.s32 $0x5  }
0x7: {  	s29 =	simm.s32 $0x6;
	s30 =	simm.s32 $0x7;
	s31 =	simm.s32 $0x8  }
0x8: {  	s16 =	simm.s32 $0x9E80;
	s18 =	simm.s32 $0x0;
	s0 =	sand.u32 $0x1, s0  }
0x9: {  	[smem:$0x7FF] =	sst s3;
	s7 =	smul.u32 $0x4F00, s12;
	s26 =	sshll.u32 s12, $0x6  }
0xa: {  	s4 =	sshll.u32 s0, $0x4;
	s6 =	smul.u32 $0x9E00, s0;
	s0 =	ssub.s32 $0x2, s0  }
0xb: {  	_ =	strace $0x80000050;
	s4 =	sor.u32 s12, s4;
	s25 =	sshrl.u32 s0, $0x1  }
0xc: {  	s11 =	sshrl.u32 s7, $0x3;
	s13 =	sadd.s32 s7, s2;
	s12 =	sor.u32 $0x1C09, s26  }
0xd: {  	s26 =	simm.s32 $0x4;
	s5 =	smul.u32 $0x500, s4;
	s4 =	sadd.s32 $0xCA00, s1  }
0xe: {  	s0 =	ssub.s32 s0, s25;
	s13 =	sshrl.u32 s13, $0x3;
	s25 =	simm.s32 $0x3  }
0xf: {  	s7 =	sadd.s32 s4, s11;
	s8 =	sadd.s32 s5, s1;
	s1 =	sadd.s32 s6, s1  }
0x10: {  	s5 =	sadd.s32 $0x16E00, s8;
	s6 =	sadd.s32 $0x2A00, s8;
	s1 =	sadd.s32 $0x48600, s1  }
0x11: {  	s8 =	smax.u32 s0, $0x1;
	s24 =	sadd.s32 s11, s1;
	s11 =	simm.s32 $0x9E00  }
.LBB2_1:
0x12: {  	[tilespmem:s9], [sflag:$0x9] =	stream.linear.gather [hbm4b:s5+s3], $0x2800, $0x38;
	[tilespmem:$0xDF00] =	vst v63  }
0x13: {  	_ =	swait.ge [sflag:s10], $0x2800  }
0x14: {  	[sflag:s10] =	ssyncset.done $0x0  }
0x15: {  	s0 =	simm.s32 $0x7700;
	[sflag:s10] =	ssyncadd.s32 $0xFFFFD800  }
0x16: {  	[tilespmem:s0], [sflag:$0x9] =	stream.linear.gather [hbm4b:s6+s3], $0x2800, $0x38;
	[tilespmem:$0xDF00] =	vst v63  }
0x17: {  	_ =	swait.ge [sflag:s10], $0x2800  }
0x18: {  	[sflag:s10] =	ssyncset.done $0x0  }
0x19: {  	[sflag:s10] =	ssyncadd.s32 $0xFFFFD800  }
0x1a: {  	[spmem:s13], [sflag:s12] =	dma.local [hbm:s7], $0x9E0  }
0x1b: {  	_ =	swait.ge [sflag:s10], $0x9E0  }
0x1c: {  	[sflag:s10] =	ssyncset.done $0x0  }
0x1d: {  	[sflag:s10] =	ssyncadd.s32 $0xFFFFF620  }
0x1e: {  	[bflag:$0x0] =	sbarrier.arrive $0xFFFF  }
0x1f: {  	[tilespmem:s15], [sflag:$0x1] =	stream.indirect.gather [hbm4b:s4+s14], $0x20, s9, s14, $0xb8;
	[tilespmem:$0xDF00] =	vst v63  }
0x20: {  	s1 =	simm.s32 $0x4F80  }
0x21: {  	[tilespmem:s17], [sflag:$0x2] =	stream.indirect.gather [hbm4b:s4+s14], $0x20, s1, s14, $0xb8;
	[tilespmem:$0xDF00] =	vst v63  }
0x22: {  	s20 =	simm.s32 $0x5000  }
0x23: {  	[tilespmem:s19], [sflag:$0x3] =	stream.indirect.gather [hbm4b:s4+s14], $0x20, s20, s14, $0xb8;
	[tilespmem:$0xDF00] =	vst v63  }
0x24: {  	s1 =	simm.s32 $0x5080  }
0x25: {  	[tilespmem:s21], [sflag:$0x4] =	stream.indirect.gather [hbm4b:s4+s14], $0x20, s1, s14, $0xb8;
	[tilespmem:$0xDF00] =	vst v63  }
0x26: {  	_ =	swait.ge [sflag:s22], $0x1000  }
0x27: {  	[sflag:s22] =	ssyncset.done $0x0  }
0x28: {  	s20 =	simm.s32 $0x7700;
	[sflag:s22] =	ssyncadd.s32 $0xFFFFF000  }
0x29: {  	[spmem:s2] =	stream.indirect.scatter.add.f32 [tilespmem:s15], [sflag:$0x5], $0x20, s20, s14, $0xb8;
	[tilespmem:$0xDF00] =	vst v63  }
0x2a: {  	_ =	swait.ge [sflag:s23], $0x1000  }
0x2b: {  	[sflag:s23] =	ssyncset.done $0x0  }
0x2c: {  	s1 =	simm.s32 $0x7780;
	[sflag:s23] =	ssyncadd.s32 $0xFFFFF000  }
0x2d: {  	[spmem:s2] =	stream.indirect.scatter.add.f32 [tilespmem:s17], [sflag:$0x6], $0x20, s1, s14, $0xb8;
	[tilespmem:$0xDF00] =	vst v63  }
0x2e: {  	_ =	swait.ge [sflag:s25], $0x1000  }
0x2f: {  	[sflag:s25] =	ssyncset.done $0x0  }
0x30: {  	s20 =	simm.s32 $0x7800;
	[sflag:s25] =	ssyncadd.s32 $0xFFFFF000  }
0x31: {  	[spmem:s2] =	stream.indirect.scatter.add.f32 [tilespmem:s19], [sflag:$0x7], $0x20, s20, s14, $0xb8;
	[tilespmem:$0xDF00] =	vst v63  }
0x32: {  	_ =	swait.ge [sflag:s26], $0x1000  }
0x33: {  	[sflag:s26] =	ssyncset.done $0x0  }
0x34: {  	s1 =	simm.s32 $0x7880;
	[sflag:s26] =	ssyncadd.s32 $0xFFFFF000  }
0x35: {  	[spmem:s2] =	stream.indirect.scatter.add.f32 [tilespmem:s21], [sflag:$0x8], $0x20, s1, s14, $0xb8;
	[tilespmem:$0xDF00] =	vst v63  }
0x36: {  	_ =	swait.ge [sflag:s28], $0x1000  }
0x37: {  	[sflag:s28] =	ssyncset.done $0x0  }
0x38: {  	s20 =	simm.s32 $0x5100;
	[sflag:s28] =	ssyncadd.s32 $0xFFFFF000  }
0x39: {  	[tilespmem:s15], [sflag:$0x1] =	stream.indirect.gather [hbm4b:s4+s14], $0x20, s20, s14, $0xb8;
	[tilespmem:$0xDF00] =	vst v63  }
0x3a: {  	_ =	swait.ge [sflag:s29], $0x1000  }
0x3b: {  	[sflag:s29] =	ssyncset.done $0x0  }
0x3c: {  	s1 =	simm.s32 $0x5180;
	[sflag:s29] =	ssyncadd.s32 $0xFFFFF000  }
0x3d: {  	[tilespmem:s17], [sflag:$0x2] =	stream.indirect.gather [hbm4b:s4+s14], $0x20, s1, s14, $0xb8;
	[tilespmem:$0xDF00] =	vst v63  }
0x3e: {  	_ =	swait.ge [sflag:s30], $0x1000  }
0x3f: {  	[sflag:s30] =	ssyncset.done $0x0  }
0x40: {  	s20 =	simm.s32 $0x5200;
	[sflag:s30] =	ssyncadd.s32 $0xFFFFF000  }
0x41: {  	[tilespmem:s19], [sflag:$0x3] =	stream.indirect.gather [hbm4b:s4+s14], $0x20, s20, s14, $0xb8;
	[tilespmem:$0xDF00] =	vst v63  }
0x42: {  	_ =	swait.ge [sflag:s31], $0x1000  }
0x43: {  	[sflag:s31] =	ssyncset.done $0x0  }
0x44: {  	s0 =	simm.s32 $0x5280;
	s20 =	simm.s32 $0x800;
	[sflag:s31] =	ssyncadd.s32 $0xFFFFF000  }
.LBB2_2:
0x45: {  	[tilespmem:s21], [sflag:$0x4] =	stream.indirect.gather [hbm4b:s4+s14], $0x20, s0, s14, $0xb8;
	[tilespmem:$0xDF00] =	vst v63  }
0x46: {  	s0 =	smov.u32 s20  }
0x47: {  	p0 =	sne.s32 s20, $0x9000;
	s20 =	sadd.s32 $0x800, s20;
	_ =	swait.ge [sflag:s22], $0x1000  }
0x48: {  	s0 =	sshra.s32 s0, $0x2;
	[sflag:s22] =	ssyncset.done $0x0  }
0x49: {  	s1 =	sadd.s32 $0x7700, s0;
	[sflag:s22] =	ssyncadd.s32 $0xFFFFF000  }
0x4a: {  	[spmem:s2] =	stream.indirect.scatter.add.f32 [tilespmem:s15], [sflag:$0x5], $0x20, s1, s14, $0xb8;
	[tilespmem:$0xDF00] =	vst v63  }
0x4b: {  	_ =	swait.ge [sflag:s23], $0x1000  }
0x4c: {  	[sflag:s23] =	ssyncset.done $0x0  }
0x4d: {  	s1 =	sadd.s32 $0x7780, s0;
	[sflag:s23] =	ssyncadd.s32 $0xFFFFF000  }
0x4e: {  	[spmem:s2] =	stream.indirect.scatter.add.f32 [tilespmem:s17], [sflag:$0x6], $0x20, s1, s14, $0xb8;
	[tilespmem:$0xDF00] =	vst v63  }
0x4f: {  	_ =	swait.ge [sflag:s25], $0x1000  }
0x50: {  	[sflag:s25] =	ssyncset.done $0x0  }
0x51: {  	s1 =	sadd.s32 $0x7800, s0;
	[sflag:s25] =	ssyncadd.s32 $0xFFFFF000  }
0x52: {  	[spmem:s2] =	stream.indirect.scatter.add.f32 [tilespmem:s19], [sflag:$0x7], $0x20, s1, s14, $0xb8;
	[tilespmem:$0xDF00] =	vst v63  }
0x53: {  	_ =	swait.ge [sflag:s26], $0x1000  }
0x54: {  	[sflag:s26] =	ssyncset.done $0x0  }
0x55: {  	s1 =	sadd.s32 $0x7880, s0;
	[sflag:s26] =	ssyncadd.s32 $0xFFFFF000  }
0x56: {  	[spmem:s2] =	stream.indirect.scatter.add.f32 [tilespmem:s21], [sflag:$0x8], $0x20, s1, s14, $0xb8;
	[tilespmem:$0xDF00] =	vst v63  }
0x57: {  	_ =	swait.ge [sflag:s28], $0x1000  }
0x58: {  	[sflag:s28] =	ssyncset.done $0x0  }
0x59: {  	s1 =	sadd.s32 $0x5100, s0;
	[sflag:s28] =	ssyncadd.s32 $0xFFFFF000  }
0x5a: {  	[tilespmem:s15], [sflag:$0x1] =	stream.indirect.gather [hbm4b:s4+s14], $0x20, s1, s14, $0xb8;
	[tilespmem:$0xDF00] =	vst v63  }
0x5b: {  	_ =	swait.ge [sflag:s29], $0x1000  }
0x5c: {  	[sflag:s29] =	ssyncset.done $0x0  }
0x5d: {  	s1 =	sadd.s32 $0x5180, s0;
	[sflag:s29] =	ssyncadd.s32 $0xFFFFF000  }
0x5e: {  	[tilespmem:s17], [sflag:$0x2] =	stream.indirect.gather [hbm4b:s4+s14], $0x20, s1, s14, $0xb8;
	[tilespmem:$0xDF00] =	vst v63  }
0x5f: {  	_ =	swait.ge [sflag:s30], $0x1000  }
0x60: {  	[sflag:s30] =	ssyncset.done $0x0  }
.Ltmp0:
0x61: {  	s1 =	sadd.s32 $0x5200, s0;
	[sflag:s30] =	ssyncadd.s32 $0xFFFFF000;
	(pc) =	sbr.rel @p0 .LBB2_2-.Ltmp0, $4  }
0x62: {  	[tilespmem:s19], [sflag:$0x3] =	stream.indirect.gather [hbm4b:s4+s14], $0x20, s1, s14, $0xb8;
	[tilespmem:$0xDF00] =	vst v63  }
0x63: {  	_ =	swait.ge [sflag:s31], $0x1000  }
0x64: {  	[sflag:s31] =	ssyncset.done $0x0  }
0x65: {  	s0 =	sadd.s32 $0x5280, s0;
	[sflag:s31] =	ssyncadd.s32 $0xFFFFF000  }
0x66: {  	[tilespmem:s21], [sflag:$0x4] =	stream.indirect.gather [hbm4b:s4+s14], $0x20, s0, s14, $0xb8;
	[tilespmem:$0xDF00] =	vst v63  }
0x67: {  	_ =	swait.ge [sflag:s22], $0x1000  }
0x68: {  	[sflag:s22] =	ssyncset.done $0x0  }
0x69: {  	s1 =	simm.s32 $0x9D00;
	[sflag:s22] =	ssyncadd.s32 $0xFFFFF000  }
0x6a: {  	[spmem:s2] =	stream.indirect.scatter.add.f32 [tilespmem:s15], [sflag:$0x5], $0x20, s1, s14, $0xb8;
	[tilespmem:$0xDF00] =	vst v63  }
0x6b: {  	_ =	swait.ge [sflag:s23], $0x1000  }
0x6c: {  	[sflag:s23] =	ssyncset.done $0x0  }
0x6d: {  	s20 =	simm.s32 $0x9D80;
	[sflag:s23] =	ssyncadd.s32 $0xFFFFF000  }
0x6e: {  	[spmem:s2] =	stream.indirect.scatter.add.f32 [tilespmem:s17], [sflag:$0x6], $0x20, s20, s14, $0xb8;
	[tilespmem:$0xDF00] =	vst v63  }
0x6f: {  	_ =	swait.ge [sflag:s25], $0x1000  }
0x70: {  	[sflag:s25] =	ssyncset.done $0x0  }
0x71: {  	[sflag:s25] =	ssyncadd.s32 $0xFFFFF000  }
0x72: {  	[spmem:s2] =	stream.indirect.scatter.add.f32 [tilespmem:s19], [sflag:$0x7], $0x20, s11, s14, $0xb8;
	[tilespmem:$0xDF00] =	vst v63  }
0x73: {  	_ =	swait.ge [sflag:s26], $0x1000  }
0x74: {  	[sflag:s26] =	ssyncset.done $0x0  }
0x75: {  	[sflag:s26] =	ssyncadd.s32 $0xFFFFF000  }
0x76: {  	[spmem:s2] =	stream.indirect.scatter.add.f32 [tilespmem:s21], [sflag:$0x8], $0x20, s16, s14, $0xb8;
	[tilespmem:$0xDF00] =	vst v63  }
0x77: {  	_ =	swait.ge [sflag:s28], $0x1000  }
0x78: {  	[sflag:s28] =	ssyncset.done $0x0  }
0x79: {  	[sflag:s28] =	ssyncadd.s32 $0xFFFFF000  }
0x7a: {  	_ =	swait.ge [sflag:s29], $0x1000  }
0x7b: {  	[sflag:s29] =	ssyncset.done $0x0  }
0x7c: {  	[sflag:s29] =	ssyncadd.s32 $0xFFFFF000  }
0x7d: {  	_ =	swait.ge [sflag:s30], $0x1000  }
0x7e: {  	[sflag:s30] =	ssyncset.done $0x0  }
0x7f: {  	[sflag:s30] =	ssyncadd.s32 $0xFFFFF000  }
0x80: {  	_ =	swait.ge [sflag:s31], $0x1000  }
0x81: {  	s18 =	sadd.s32 $0x1, s18;
	[sflag:s31] =	ssyncset.done $0x0  }
0x82: {  	p0 =	sne.s32 s18, s8;
	[sflag:s31] =	ssyncadd.s32 $0xFFFFF000  }
.Ltmp1:
0x83: {  	[bflag:$0x0] =	sbarrier.arrive $0xFFFF;
	(pc) =	sbr.rel @p0 .LBB2_1-.Ltmp1, $4  }
0x84: {  	[hbm:s24], [sflag:s12] =	dma.local [spmem:s13], $0x9E0  }
0x85: {  	_ =	swait.ge [sflag:s10], $0x9E0  }
0x86: {  	[sflag:s10] =	ssyncset.done $0x0  }
0x87: {  	[sflag:s10] =	ssyncadd.s32 $0xFFFFF620  }
0x88: {  	_ =	sfence.sel $0x180000  }
0x89: {  	[bflag:$0x0] =	sbarrier.arrive $0xFFFF  }
0x8a: {  	_ =	strace $0x90000050  }
0x8b: {  	s0 =	stileid.u32;
	[bflag:$0x2] =	sbarrier.arrive $0xFFFF  }
0x8c: {  	p0 =	sne.s32 s0, $0x0;
	s0 =	rddreg [dreg:$0x2]  }
0x8d: {  	s0 =	sadd.s32 @!p0 $0x100000, s0  }
0x8e: {  	[sflag:s0] =	ssyncadd.tile.s32 @!p0 $0x1;
	_ =	shalt  }
.Lfunc_end2:
_tile_overlayer_lowered:
.L_overlay_start_2:
0x8f: {  	(tag) =	ssettag $0x2  }
0x90: {  	s0 =	rddreg [dreg:$0x0];
	s2 =	stileid.u32  }
0x91: {  	s1 =	rddreg [dreg:$0x1];
	p0 =	sne.s32 s2, $0x0  }
0x92: {  	s3 =	rddreg [dreg:$0x2];
	[bflag:$0x3] =	sbarrier.arrive $0xFFFF;
	s2 =	simm.s32 @!p0 $0x1C09  }
0x93: {  	[timem:s3], [sflag:s2] =	dma.local @!p0 [hbm:s0], s1  }
0x94: {  	s0 =	simm.s32 @!p0 $0x9  }
0x95: {  	_ =	swait.ge @!p0 [sflag:s0], s1  }
0x96: {  	s1 =	ssub.s32 @!p0 $0x0, s1;
	[sflag:s0] =	ssyncset.done @!p0 $0x0  }
0x97: {  	[sflag:s0] =	ssyncadd.s32 @!p0 s1  }
0x98: {  	[bflag:$0x3] =	sbarrier.arrive $0xFFFF  }
0x99: {  	_ =	shalt  }

</sc_bundles>
